<compile_context>
chip_gen: v7x
topology: tpu7x:2x2x1
jax: 0.10.2.dev20260603
libtpu: 0.0.44.dev20260713+nightly
codegen_flags: <defaults>
</compile_context>

<pallas_src>
import functools

import jax
import jax.numpy as jnp
from jax import lax
from jax.experimental import pallas as pl
from jax.experimental.pallas import tpu as pltpu
from jax.experimental.pallas import tpu_sc as plsc

_N = 50000
_E = 1600000
_D = 128
_H = 128
_C = 48
_ALPHA = 0.1
_K = 10
_A1, _A2, _A3 = 0.4, 0.3, 0.3

_N2 = _N // 2
_RPT = 1568
_ACC_ROWS = 16 * _RPT
_NP = 2 * _ACC_ROWS
_DUMP = _N2
_JCH = 3
_CHUNK_E = _JCH * 128
_CAPCH = 4192
_CAPA = _CAPCH + 1
_CAP_E = _CAPCH * _CHUNK_E
_PCH = 14
_PR = _RPT // _PCH


def _step_body(g_hbm, a_hbm, b_hbm, idx_hbm, kch_hbm, out_hbm,
               acc, kcv, cv0, srcv0, dstv0, rows0, cv1, srcv1, dstv1, rows1,
               mv, av, bv, gsem0, gsem1, ssem0, ssem1):
    c = lax.axis_index("c")
    s = lax.axis_index("s")
    zero16 = jnp.zeros((16,), jnp.float32)
    slots = ((cv0, srcv0, dstv0, rows0, gsem0, ssem0),
             (cv1, srcv1, dstv1, rows1, gsem1, ssem1))
    pltpu.sync_copy(kch_hbm.at[c], kcv)
    kch = jnp.max(kcv[...])
    base = s * (2 * kch)
    dsub = c * _N2

    def zrow(r, _):
        for cg in range(3):
            mv[r, pl.ds(cg * 16, 16)] = zero16
        return 0
    lax.fori_loop(0, _PR, zrow, 0)
    for cc in range(_PCH):
        pltpu.sync_copy(mv, acc.at[pl.ds(s * _RPT + cc * _PR, _PR)])
    plsc.subcore_barrier()

    def load_idx(k, cv, srcv, dstv):
        pltpu.sync_copy(idx_hbm.at[c, base + k], cv)
        for j in range(_JCH):
            for t in range(8):
                sl = pl.ds(t * 16, 16)
                v = cv[j, sl]
                srcv[j, sl] = (v & jnp.uint32(0xFFFF)).astype(jnp.int32)
                dstv[j, sl] = (v >> 16).astype(jnp.int32) - dsub

    def fire_g(srcv, rows, gsem):
        for j in range(_JCH):
            pltpu.async_copy(g_hbm.at[srcv.at[j]],
                             rows.at[pl.ds(j * 128, 128)], gsem)

    def drain(rows, sem):
        pltpu.make_async_copy(g_hbm.at[pl.ds(0, _CHUNK_E)], rows, sem).wait()

    def fire_s(dstv, rows, ssem):
        for j in range(_JCH):
            pltpu.async_copy(rows.at[pl.ds(j * 128, 128)],
                             acc.at[dstv.at[j]], ssem, add=True)

    load_idx(0, cv0, srcv0, dstv0)
    fire_g(srcv0, rows0, gsem0)

    def pair(kk, _):
        for par in range(2):
            k = 2 * kk + par
            cv, srcv, dstv, rows, gsem, ssem = slots[par]
            qcv, qsrcv, qdstv, qrows, qgsem, qssem = slots[1 - par]
            if par == 0:
                @pl.when(kk > 0)
                def _():
                    drain(qrows, qssem)
            else:
                drain(qrows, qssem)
            load_idx(k + 1, qcv, qsrcv, qdstv)
            fire_g(qsrcv, qrows, qgsem)
            drain(rows, gsem)
            fire_s(dstv, rows, ssem)
        return 0
    lax.fori_loop(0, kch, pair, 0)
    drain(rows1, ssem1)
    drain(rows0, gsem0)
    plsc.subcore_barrier()

    for cc in range(_PCH):
        r0 = s * _RPT + cc * _PR
        g0 = c * _ACC_ROWS + r0
        pltpu.sync_copy(acc.at[pl.ds(r0, _PR)], mv)
        pltpu.sync_copy(a_hbm.at[pl.ds(g0, _PR)], av)
        pltpu.sync_copy(b_hbm.at[pl.ds(g0, _PR)], bv)

        def prow(r, _):
            for cg in range(3):
                sl = pl.ds(cg * 16, 16)
                mv[r, sl] = mv[r, sl] * av[r, sl] + bv[r, sl]
            return 0
        lax.fori_loop(0, _PR, prow, 0)
        pltpu.sync_copy(mv, out_hbm.at[pl.ds(g0, _PR)])


@jax.jit
def _step(g_tbl, a_tbl, b_tbl, idx_arr, kch_arr):
    mesh = plsc.VectorSubcoreMesh(core_axis_name="c", subcore_axis_name="s")
    return pl.kernel(
        _step_body,
        out_type=jax.ShapeDtypeStruct((_NP, _C), jnp.float32),
        mesh=mesh,
        compiler_params=pltpu.CompilerParams(use_tc_tiling_on_sc=False, needs_layout_passes=False),
        scratch_types=[
            pltpu.VMEM_SHARED((_ACC_ROWS, _C), jnp.float32),
            pltpu.VMEM((16,), jnp.int32),
            pltpu.VMEM((_JCH, 128), jnp.uint32),
            pltpu.VMEM((_JCH, 128), jnp.int32),
            pltpu.VMEM((_JCH, 128), jnp.int32),
            pltpu.VMEM((_CHUNK_E, _C), jnp.float32),
            pltpu.VMEM((_JCH, 128), jnp.uint32),
            pltpu.VMEM((_JCH, 128), jnp.int32),
            pltpu.VMEM((_JCH, 128), jnp.int32),
            pltpu.VMEM((_CHUNK_E, _C), jnp.float32),
            pltpu.VMEM((_PR, _C), jnp.float32),
            pltpu.VMEM((_PR, _C), jnp.float32),
            pltpu.VMEM((_PR, _C), jnp.float32),
            pltpu.SemaphoreType.DMA,
            pltpu.SemaphoreType.DMA,
            pltpu.SemaphoreType.DMA,
            pltpu.SemaphoreType.DMA,
        ],
    )(g_tbl, a_tbl, b_tbl, idx_arr, kch_arr)


def _deg_body(idx_hbm, kch_hbm, out_hbm, acc, ones_rows, kcv, cv0, dstv0,
              cv1, dstv1, mv, ssem0, ssem1):
    c = lax.axis_index("c")
    s = lax.axis_index("s")
    zero16 = jnp.zeros((16,), jnp.float32)
    one16 = jnp.ones((16,), jnp.float32)
    pltpu.sync_copy(kch_hbm.at[c], kcv)
    kch = jnp.max(kcv[...])
    base = s * (2 * kch)
    dsub = c * _N2

    def zrow(r, _):
        for cg in range(3):
            mv[r, pl.ds(cg * 16, 16)] = zero16
        return 0
    lax.fori_loop(0, _PR, zrow, 0)
    for cc in range(_PCH):
        pltpu.sync_copy(mv, acc.at[pl.ds(s * _RPT + cc * _PR, _PR)])

    def orow(r, _):
        for cg in range(3):
            ones_rows[r, pl.ds(cg * 16, 16)] = one16
        return 0
    lax.fori_loop(0, 128, orow, 0)
    plsc.subcore_barrier()

    def load_idx(k, cv, dstv):
        pltpu.sync_copy(idx_hbm.at[c, base + k], cv)
        for j in range(_JCH):
            for t in range(8):
                sl = pl.ds(t * 16, 16)
                dstv[j, sl] = (cv[j, sl] >> 16).astype(jnp.int32) - dsub

    def fire_s(dstv, ssem):
        for j in range(_JCH):
            pltpu.async_copy(ones_rows, acc.at[dstv.at[j]], ssem, add=True)

    def wait_s(ssem):
        for j in range(_JCH):
            pltpu.make_async_copy(out_hbm.at[pl.ds(0, 128)], ones_rows,
                                  ssem).wait()

    slots = ((cv0, dstv0, ssem0), (cv1, dstv1, ssem1))
    load_idx(0, cv0, dstv0)

    def pair(kk, _):
        for par in range(2):
            k = 2 * kk + par
            cv, dstv, ssem = slots[par]
            qcv, qdstv, qssem = slots[1 - par]
            if par == 0:
                @pl.when(kk > 0)
                def _():
                    wait_s(qssem)
            else:
                wait_s(qssem)
            load_idx(k + 1, qcv, qdstv)
            fire_s(dstv, ssem)
        return 0
    lax.fori_loop(0, kch, pair, 0)
    wait_s(ssem1)
    plsc.subcore_barrier()

    for cc in range(_PCH):
        r0 = s * _RPT + cc * _PR
        g0 = c * _ACC_ROWS + r0
        pltpu.sync_copy(acc.at[pl.ds(r0, _PR)], mv)
        pltpu.sync_copy(mv, out_hbm.at[pl.ds(g0, _PR)])


@jax.jit
def _deg(idx_arr, kch_arr):
    mesh = plsc.VectorSubcoreMesh(core_axis_name="c", subcore_axis_name="s")
    return pl.kernel(
        _deg_body,
        out_type=jax.ShapeDtypeStruct((_NP, _C), jnp.float32),
        mesh=mesh,
        compiler_params=pltpu.CompilerParams(use_tc_tiling_on_sc=False, needs_layout_passes=False),
        scratch_types=[
            pltpu.VMEM_SHARED((_ACC_ROWS, _C), jnp.float32),
            pltpu.VMEM((128, _C), jnp.float32),
            pltpu.VMEM((16,), jnp.int32),
            pltpu.VMEM((_JCH, 128), jnp.uint32),
            pltpu.VMEM((_JCH, 128), jnp.int32),
            pltpu.VMEM((_JCH, 128), jnp.uint32),
            pltpu.VMEM((_JCH, 128), jnp.int32),
            pltpu.VMEM((_PR, _C), jnp.float32),
            pltpu.SemaphoreType.DMA,
            pltpu.SemaphoreType.DMA,
        ],
    )(idx_arr, kch_arr)


def _mlp_body(f1, f2, f3, deg,
              w1a, b1a, w1b, b1b, w2a, b2a, w2b, b2b, w3a, b3a, w3b, b3b,
              g0_o, nsq_o, ah0n_o, fina_o, finb_o):
    h = jnp.zeros_like(g0_o)
    for x_ref, wa, ba, wb, bb, aw in (
            (f1, w1a, b1a, w1b, b1b, _A1),
            (f2, w2a, b2a, w2b, b2b, _A2),
            (f3, w3a, b3a, w3b, b3b, _A3)):
        t = jnp.maximum(
            jnp.dot(x_ref[...], wa[...], preferred_element_type=jnp.float32)
            + ba[...], 0.0)
        h = h + aw * (jnp.dot(t, wb[...], preferred_element_type=jnp.float32)
                      + bb[...])
    norm = lax.rsqrt(jnp.clip(deg[...], 1.0, None))
    one_m_a = 1.0 - _ALPHA
    g0_o[...] = h * norm
    nsq_o[...] = one_m_a * norm * norm
    ah0n_o[...] = _ALPHA * h * norm
    fina_o[...] = one_m_a * norm
    finb_o[...] = _ALPHA * h


@jax.jit
def _mlp(f1p, f2p, f3p, deg48,
         w1a, b1a, w1b, b1b, w2a, b2a, w2b, b2b, w3a, b3a, w3b, b3b):
    blk = 512
    grid = (_NP // blk,)
    fspec = pl.BlockSpec((blk, _D), lambda i: (i, 0))
    dspec = pl.BlockSpec((blk, _C), lambda i: (i, 0))
    waspec = pl.BlockSpec((_D, _H), lambda i: (0, 0))
    baspec = pl.BlockSpec((1, _H), lambda i: (0, 0))
    wbspec = pl.BlockSpec((_H, _C), lambda i: (0, 0))
    bbspec = pl.BlockSpec((1, _C), lambda i: (0, 0))
    ospec = pl.BlockSpec((blk, _C), lambda i: (i, 0))
    out = jax.ShapeDtypeStruct((_NP, _C), jnp.float32)
    return pl.pallas_call(
        _mlp_body,
        grid=grid,
        in_specs=[fspec, fspec, fspec, dspec] + [waspec, baspec, wbspec, bbspec] * 3,
        out_specs=[ospec] * 5,
        out_shape=[out] * 5,
    )(f1p, f2p, f3p, deg48,
      w1a, b1a.reshape(1, _H), w1b, b1b.reshape(1, _C),
      w2a, b2a.reshape(1, _H), w2b, b2b.reshape(1, _C),
      w3a, b3a.reshape(1, _H), w3b, b3b.reshape(1, _C))


def kernel(features1, features2, features3, edge_index,
           W1a, b1a, W1b, b1b, W2a, b2a, W2b, b2b, W3a, b3a, W3b, b3b):
    src = edge_index[0].astype(jnp.int32)
    dst = edge_index[1].astype(jnp.int32)

    srcp = src + jnp.where(src >= _N2, _ACC_ROWS - _N2, 0).astype(jnp.int32)

    comb = ((dst.astype(jnp.uint32) << 16)
            | srcp.astype(jnp.uint32))
    comb_s = jnp.sort(comb)
    cnt1 = jnp.sum((dst >= _N2).astype(jnp.int32), dtype=jnp.int32)
    cnt0 = jnp.int32(_E) - cnt1

    slot = jnp.arange(_CAP_E, dtype=jnp.int32)
    padded = jnp.concatenate(
        [comb_s, jnp.zeros((_CAP_E,), jnp.uint32)])

    def pack(start, cnt, fill):
        sl = lax.dynamic_slice(padded, (start,), (_CAP_E,))
        v = jnp.where(slot < cnt, sl, fill)
        blk = v.reshape(_CAPCH, _JCH, 128)
        dummy = jnp.full((1, _JCH, 128), fill, jnp.uint32)
        return jnp.concatenate([blk, dummy], axis=0)

    fill0 = jnp.uint32(_DUMP << 16)
    fill1 = jnp.uint32((_N2 + _DUMP) << 16)
    idx_arr = jnp.stack([pack(jnp.int32(0), cnt0, fill0),
                         pack(cnt0, cnt1, fill1)])

    def pairs(cnt):
        return jnp.maximum(1, (cnt + 2 * 16 * _CHUNK_E - 1)
                           // (2 * 16 * _CHUNK_E)).astype(jnp.int32)

    kch_arr = jnp.broadcast_to(
        jnp.stack([pairs(cnt0), pairs(cnt1)])[:, None], (2, 16))

    deg48 = _deg(idx_arr, kch_arr)

    z88 = jnp.zeros((_ACC_ROWS - _N2, _D), jnp.float32)

    def remap(f):
        return jnp.concatenate([f[:_N2], z88, f[_N2:], z88], axis=0)

    g, nsq, ah0n, fina, finb = _mlp(
        remap(features1), remap(features2), remap(features3), deg48,
        W1a, b1a, W1b, b1b, W2a, b2a, W2b, b2b, W3a, b3a, W3b, b3b)

    for _ in range(_K - 1):
        g = _step(g, nsq, ah0n, idx_arr, kch_arr)
    hp = _step(g, fina, finb, idx_arr, kch_arr)
    return jnp.concatenate([hp[:_N2], hp[_ACC_ROWS:_ACC_ROWS + _N2]], axis=0)

# --- scband reference (transcript-rebuilt; emitter-appended) ---
"""Pipeline reference for scband-appnp-25357486915691 (READ-ONLY COPY).

The authoritative reference and input builder live on the scoring server;
editing this copy changes nothing except your own understanding.
"""

import jax, jax.numpy as jnp
import numpy as np

N = 50000
E = 1600000
D = 128
H = 128
C = 48
ALPHA = 0.1
K = 10
A1, A2, A3 = 0.4, 0.3, 0.3


def setup_inputs(seed: int = 0) -> dict:
    key = jax.random.key(seed)
    ks = jax.random.split(key, 20)
    inp = {}
    inp['features1'] = jax.random.normal(ks[0], (N, D), dtype=jnp.float32)
    inp['features2'] = jax.random.normal(ks[1], (N, D), dtype=jnp.float32)
    inp['features3'] = jax.random.normal(ks[2], (N, D), dtype=jnp.float32)
    inp['edge_index'] = jax.random.randint(ks[3], (2, E), 0, N, dtype=jnp.int32)
    s1 = 1.0 / np.sqrt(D)
    s2 = 1.0 / np.sqrt(H)
    inp['W1a'] = jax.random.normal(ks[4], (D, H), dtype=jnp.float32) * s1
    inp['b1a'] = jnp.zeros((H,), dtype=jnp.float32)
    inp['W1b'] = jax.random.normal(ks[5], (H, C), dtype=jnp.float32) * s2
    inp['b1b'] = jnp.zeros((C,), dtype=jnp.float32)
    inp['W2a'] = jax.random.normal(ks[6], (D, H), dtype=jnp.float32) * s1
    inp['b2a'] = jnp.zeros((H,), dtype=jnp.float32)
    inp['W2b'] = jax.random.normal(ks[7], (H, C), dtype=jnp.float32) * s2
    inp['b2b'] = jnp.zeros((C,), dtype=jnp.float32)
    inp['W3a'] = jax.random.normal(ks[8], (D, H), dtype=jnp.float32) * s1
    inp['b3a'] = jnp.zeros((H,), dtype=jnp.float32)
    inp['W3b'] = jax.random.normal(ks[9], (H, C), dtype=jnp.float32) * s2
    inp['b3b'] = jnp.zeros((C,), dtype=jnp.float32)
    return inp


def _propagate(h, src, dst, norm, n_nodes):
    h0 = h
    for _ in range(K):
        h = h * norm
        m = jax.ops.segment_sum(jnp.take(h, src, axis=0), dst, num_segments=n_nodes)
        h = m * norm
        h = h * (1.0 - ALPHA) + h0 * ALPHA
    return h


def reference(features1, features2, features3, edge_index, W1a, b1a, W1b, b1b, W2a, b2a, W2b, b2b, W3a, b3a, W3b, b3b):
    n_nodes = features1.shape[0]
    src = edge_index[0]
    dst = edge_index[1]
    deg = jnp.zeros((n_nodes,), dtype=jnp.float32).at[dst].add(1.0)
    norm = jnp.power(jnp.clip(deg, 1.0, None), -0.5)[:, None]
    h1 = jax.nn.relu(features1 @ W1a + b1a) @ W1b + b1b
    h2 = jax.nn.relu(features2 @ W2a + b2a) @ W2b + b2b
    h3 = jax.nn.relu(features3 @ W3a + b3a) @ W3b + b3b
    h1 = _propagate(h1, src, dst, norm, n_nodes)
    h2 = _propagate(h2, src, dst, norm, n_nodes)
    h3 = _propagate(h3, src, dst, norm, n_nodes)
    return A1 * h1 + A2 * h2 + A3 * h3

if __name__ == "__main__":
    import jax
    _d = setup_inputs()
    print(jax.jit(kernel)(*tuple(_d.values())))

</pallas_src>

<mosaic_0001>
#map = affine_map<(d0, d1) -> (0, 0, 0, 0)>
#map1 = affine_map<(d0, d1) -> (0, 0)>
module attributes {stable_mosaic.version = 14 : i64} {
  func.func @_deg_body(%arg0: i32, %arg1: i32, %arg2: memref<2x4193x3x128xi32, #tpu.memory_space<hbm>>, %arg3: memref<2x16xi32, #tpu.memory_space<hbm>>, %arg4: memref<50176x48xf32, #tpu.memory_space<hbm>>, %arg5: memref<25088x48xf32, #tpu.memory_space<vmem_shared>>, %arg6: memref<128x48xf32, #tpu.memory_space<vmem>>, %arg7: memref<16xi32, #tpu.memory_space<vmem>>, %arg8: memref<3x128xi32, #tpu.memory_space<vmem>>, %arg9: memref<3x128xi32, #tpu.memory_space<vmem>>, %arg10: memref<3x128xi32, #tpu.memory_space<vmem>>, %arg11: memref<3x128xi32, #tpu.memory_space<vmem>>, %arg12: memref<112x48xf32, #tpu.memory_space<vmem>>, %arg13: memref<!tpu.dma_semaphore, #tpu.memory_space<semaphore_mem>>, %arg14: memref<!tpu.dma_semaphore, #tpu.memory_space<semaphore_mem>>) attributes {dimension_semantics = [#tpu.dimension_semantics<core_parallel>, #tpu.dimension_semantics<subcore_parallel>], iteration_bounds = array<i64: 2, 16>, scalar_prefetch = 0 : i64, scratch_operands = 10 : i64, tpu.core_type = #tpu.core_type<sc_vector_subcore>, window_params = [{transform_indices = #map}, {transform_indices = #map1}, {transform_indices = #map1}]} {
    %broadcast_in_dim3A = arith.constant 0.000000e+00 : f32
    %broadcast_in_dim3A_0 = vector.broadcast %broadcast_in_dim3A : f32 to vector<16xf32>
    %broadcast_in_dim3A_1 = arith.constant 1.000000e+00 : f32
    %broadcast_in_dim3A_2 = vector.broadcast %broadcast_in_dim3A_1 : f32 to vector<16xf32>
    "tpu.region"() ({
      %run_scoped3A = tpu.sem_alloc : memref<!tpu.dma_semaphore, #tpu.memory_space<semaphore_mem>>
      %dma_start3A = arith.constant 0 : i32
      %dma_start3A_521 = tpu.memref_slice %arg3[%arg0, %dma_start3A] : memref<2x16xi32, #tpu.memory_space<hbm>> -> memref<1x16xi32, #tpu.memory_space<hbm>>
      %dma_start3A_522 = tpu.memref_squeeze %dma_start3A_521 : memref<1x16xi32, #tpu.memory_space<hbm>> -> memref<16xi32, #tpu.memory_space<hbm>>
      %dma_start3A_523 = arith.constant 0 : i32
      %dma_start3A_524 = tpu.memref_slice %arg3[%arg0, %dma_start3A_523] : memref<2x16xi32, #tpu.memory_space<hbm>> -> memref<1x16xi32, #tpu.memory_space<hbm>>
      %dma_start3A_525 = tpu.memref_squeeze %dma_start3A_524 : memref<1x16xi32, #tpu.memory_space<hbm>> -> memref<16xi32, #tpu.memory_space<hbm>>
      tpu.enqueue_dma source(%dma_start3A_525 : memref<16xi32, #tpu.memory_space<hbm>>) target(%arg7 : memref<16xi32, #tpu.memory_space<vmem>>) target_semaphore(%run_scoped3A : memref<!tpu.dma_semaphore, #tpu.memory_space<semaphore_mem>>)
      %dma_wait3A_526 = arith.constant 0 : i32
      %dma_wait3A_527 = tpu.memref_slice %arg3[%arg0, %dma_wait3A_526] : memref<2x16xi32, #tpu.memory_space<hbm>> -> memref<1x16xi32, #tpu.memory_space<hbm>>
      %dma_wait3A_528 = tpu.memref_squeeze %dma_wait3A_527 : memref<1x16xi32, #tpu.memory_space<hbm>> -> memref<16xi32, #tpu.memory_space<hbm>>
      %dma_wait3A_529 = arith.constant 0 : i32
      %dma_wait3A_530 = tpu.memref_slice %arg3[%arg0, %dma_wait3A_529] : memref<2x16xi32, #tpu.memory_space<hbm>> -> memref<1x16xi32, #tpu.memory_space<hbm>>
      %dma_wait3A_531 = tpu.memref_squeeze %dma_wait3A_530 : memref<1x16xi32, #tpu.memory_space<hbm>> -> memref<16xi32, #tpu.memory_space<hbm>>
      tpu.wait_dma2 semaphore(%run_scoped3A : memref<!tpu.dma_semaphore, #tpu.memory_space<semaphore_mem>>) src(%dma_wait3A_531 : memref<16xi32, #tpu.memory_space<hbm>>) dst(%arg7 : memref<16xi32, #tpu.memory_space<vmem>>)
      tpu.yield
    }) : () -> ()
    %get3A = arith.constant 0 : index
    %get3A_3 = tpu.vector_load %arg7[%get3A] {strides = array<i32>} : memref<16xi32, #tpu.memory_space<vmem>>, vector<16xi32>,
    %reduce_max3A = arith.constant true
    %reduce_max3A_4 = vector.broadcast %reduce_max3A : i1 to vector<16xi1>
    %reduce_max3A_5 = arith.constant -2147483648 : i32
    %reduce_max3A_6 = vector.broadcast %reduce_max3A_5 : i32 to vector<16xi32>
    %reduce_max3A_7 = arith.xori %get3A_3, %reduce_max3A_6 : vector<16xi32>
    %reduce_max3A_8 = tpu.scan <max>, %reduce_max3A_7 masked %reduce_max3A_4 : vector<16xi32>, vector<16xi1> -> vector<16xi32>
    %reduce_max3A_9 = arith.xori %reduce_max3A_8, %reduce_max3A_6 : vector<16xi32>
    %reduce_max3A_10 = vector.extract %reduce_max3A_9[15] : i32 from vector<16xi32>
    %mul3A = arith.constant 2 : i32
    %mul3A_11 = arith.muli %mul3A, %reduce_max3A_10 : i32
    %mul3A_12 = arith.muli %arg1, %mul3A_11 : i32
    %mul3A_13 = arith.constant 25000 : i32
    %mul3A_14 = arith.muli %arg0, %mul3A_13 : i32
    %scan3A = arith.constant 0 : i32
    %scan3A_15 = arith.constant 0 : i32
    %scan3A_16 = arith.constant 112 : i32
    %scan3A_17 = arith.addi %scan3A_15, %scan3A_16 : i32
    %scan3A_18 = arith.constant 1 : i32
    %scan3A_19 = scf.for %scan3A_521 = %scan3A_15 to %scan3A_17 step %scan3A_18 iter_args(%scan3A_522 = %scan3A) -> (i32)  : i32 {
      %swap3A_523 = arith.index_cast %scan3A_521 : i32 to index
      %swap3A_524 = arith.constant 0 : index
      %swap3A_525 = tpu.vector_load %arg12[%swap3A_523, %swap3A_524] {strides = array<i32>} : memref<112x48xf32, #tpu.memory_space<vmem>>, vector<16xf32>,
      tpu.vector_store %arg12[%swap3A_523, %swap3A_524], %broadcast_in_dim3A_0 {strides = array<i32>} : memref<112x48xf32, #tpu.memory_space<vmem>>, vector<16xf32>,
      %swap3A_526 = arith.index_cast %scan3A_521 : i32 to index
      %swap3A_527 = arith.constant 16 : index
      %swap3A_528 = tpu.vector_load %arg12[%swap3A_526, %swap3A_527] {strides = array<i32>} : memref<112x48xf32, #tpu.memory_space<vmem>>, vector<16xf32>,
      tpu.vector_store %arg12[%swap3A_526, %swap3A_527], %broadcast_in_dim3A_0 {strides = array<i32>} : memref<112x48xf32, #tpu.memory_space<vmem>>, vector<16xf32>,
      %swap3A_529 = arith.index_cast %scan3A_521 : i32 to index
      %swap3A_530 = arith.constant 32 : index
      %swap3A_531 = tpu.vector_load %arg12[%swap3A_529, %swap3A_530] {strides = array<i32>} : memref<112x48xf32, #tpu.memory_space<vmem>>, vector<16xf32>,
      tpu.vector_store %arg12[%swap3A_529, %swap3A_530], %broadcast_in_dim3A_0 {strides = array<i32>} : memref<112x48xf32, #tpu.memory_space<vmem>>, vector<16xf32>,
      %scan3A_532 = arith.constant 0 : i32
      scf.yield %scan3A_532 : i32
    }
    %scan3A_20 = arith.constant 112 : i32
    %mul3A_21 = arith.constant 1568 : i32
    %mul3A_22 = arith.muli %arg1, %mul3A_21 : i32
    %add3A = arith.constant 0 : i32
    %add3A_23 = arith.addi %mul3A_22, %add3A : i32
    "tpu.region"() ({
      %run_scoped3A = tpu.sem_alloc : memref<!tpu.dma_semaphore, #tpu.memory_space<semaphore_mem>>
      %dma_start3A = arith.constant 0 : i32
      %dma_start3A_521 = tpu.memref_slice %arg5[%add3A_23, %dma_start3A] : memref<25088x48xf32, #tpu.memory_space<vmem_shared>> -> memref<112x48xf32, #tpu.memory_space<vmem_shared>>
      %dma_start3A_522 = arith.constant 0 : i32
      %dma_start3A_523 = tpu.memref_slice %arg5[%add3A_23, %dma_start3A_522] : memref<25088x48xf32, #tpu.memory_space<vmem_shared>> -> memref<112x48xf32, #tpu.memory_space<vmem_shared>>
      tpu.enqueue_dma source(%arg12 : memref<112x48xf32, #tpu.memory_space<vmem>>) target(%dma_start3A_523 : memref<112x48xf32, #tpu.memory_space<vmem_shared>>) target_semaphore(%run_scoped3A : memref<!tpu.dma_semaphore, #tpu.memory_space<semaphore_mem>>)
      %dma_wait3A_524 = arith.constant 0 : i32
      %dma_wait3A_525 = tpu.memref_slice %arg5[%add3A_23, %dma_wait3A_524] : memref<25088x48xf32, #tpu.memory_space<vmem_shared>> -> memref<112x48xf32, #tpu.memory_space<vmem_shared>>
      %dma_wait3A_526 = arith.constant 0 : i32
      %dma_wait3A_527 = tpu.memref_slice %arg5[%add3A_23, %dma_wait3A_526] : memref<25088x48xf32, #tpu.memory_space<vmem_shared>> -> memref<112x48xf32, #tpu.memory_space<vmem_shared>>
      tpu.wait_dma2 semaphore(%run_scoped3A : memref<!tpu.dma_semaphore, #tpu.memory_space<semaphore_mem>>) src(%arg12 : memref<112x48xf32, #tpu.memory_space<vmem>>) dst(%dma_wait3A_527 : memref<112x48xf32, #tpu.memory_space<vmem_shared>>)
      tpu.yield
    }) : () -> ()
    %mul3A_24 = arith.constant 1568 : i32
    %mul3A_25 = arith.muli %arg1, %mul3A_24 : i32
    %add3A_26 = arith.constant 112 : i32
    %add3A_27 = arith.addi %mul3A_25, %add3A_26 : i32
    "tpu.region"() ({
      %run_scoped3A = tpu.sem_alloc : memref<!tpu.dma_semaphore, #tpu.memory_space<semaphore_mem>>
      %dma_start3A = arith.constant 0 : i32
      %dma_start3A_521 = tpu.memref_slice %arg5[%add3A_27, %dma_start3A] : memref<25088x48xf32, #tpu.memory_space<vmem_shared>> -> memref<112x48xf32, #tpu.memory_space<vmem_shared>>
      %dma_start3A_522 = arith.constant 0 : i32
      %dma_start3A_523 = tpu.memref_slice %arg5[%add3A_27, %dma_start3A_522] : memref<25088x48xf32, #tpu.memory_space<vmem_shared>> -> memref<112x48xf32, #tpu.memory_space<vmem_shared>>
      tpu.enqueue_dma source(%arg12 : memref<112x48xf32, #tpu.memory_space<vmem>>) target(%dma_start3A_523 : memref<112x48xf32, #tpu.memory_space<vmem_shared>>) target_semaphore(%run_scoped3A : memref<!tpu.dma_semaphore, #tpu.memory_space<semaphore_mem>>)
      %dma_wait3A_524 = arith.constant 0 : i32
      %dma_wait3A_525 = tpu.memref_slice %arg5[%add3A_27, %dma_wait3A_524] : memref<25088x48xf32, #tpu.memory_space<vmem_shared>> -> memref<112x48xf32, #tpu.memory_space<vmem_shared>>
      %dma_wait3A_526 = arith.constant 0 : i32
      %dma_wait3A_527 = tpu.memref_slice %arg5[%add3A_27, %dma_wait3A_526] : memref<25088x48xf32, #tpu.memory_space<vmem_shared>> -> memref<112x48xf32, #tpu.memory_space<vmem_shared>>
      tpu.wait_dma2 semaphore(%run_scoped3A : memref<!tpu.dma_semaphore, #tpu.memory_space<semaphore_mem>>) src(%arg12 : memref<112x48xf32, #tpu.memory_space<vmem>>) dst(%dma_wait3A_527 : memref<112x48xf32, #tpu.memory_space<vmem_shared>>)
      tpu.yield
    }) : () -> ()
    %mul3A_28 = arith.constant 1568 : i32
    %mul3A_29 = arith.muli %arg1, %mul3A_28 : i32
    %add3A_30 = arith.constant 224 : i32
    %add3A_31 = arith.addi %mul3A_29, %add3A_30 : i32
    "tpu.region"() ({
      %run_scoped3A = tpu.sem_alloc : memref<!tpu.dma_semaphore, #tpu.memory_space<semaphore_mem>>
      %dma_start3A = arith.constant 0 : i32
      %dma_start3A_521 = tpu.memref_slice %arg5[%add3A_31, %dma_start3A] : memref<25088x48xf32, #tpu.memory_space<vmem_shared>> -> memref<112x48xf32, #tpu.memory_space<vmem_shared>>
      %dma_start3A_522 = arith.constant 0 : i32
      %dma_start3A_523 = tpu.memref_slice %arg5[%add3A_31, %dma_start3A_522] : memref<25088x48xf32, #tpu.memory_space<vmem_shared>> -> memref<112x48xf32, #tpu.memory_space<vmem_shared>>
      tpu.enqueue_dma source(%arg12 : memref<112x48xf32, #tpu.memory_space<vmem>>) target(%dma_start3A_523 : memref<112x48xf32, #tpu.memory_space<vmem_shared>>) target_semaphore(%run_scoped3A : memref<!tpu.dma_semaphore, #tpu.memory_space<semaphore_mem>>)
      %dma_wait3A_524 = arith.constant 0 : i32
      %dma_wait3A_525 = tpu.memref_slice %arg5[%add3A_31, %dma_wait3A_524] : memref<25088x48xf32, #tpu.memory_space<vmem_shared>> -> memref<112x48xf32, #tpu.memory_space<vmem_shared>>
      %dma_wait3A_526 = arith.constant 0 : i32
      %dma_wait3A_527 = tpu.memref_slice %arg5[%add3A_31, %dma_wait3A_526] : memref<25088x48xf32, #tpu.memory_space<vmem_shared>> -> memref<112x48xf32, #tpu.memory_space<vmem_shared>>
      tpu.wait_dma2 semaphore(%run_scoped3A : memref<!tpu.dma_semaphore, #tpu.memory_space<semaphore_mem>>) src(%arg12 : memref<112x48xf32, #tpu.memory_space<vmem>>) dst(%dma_wait3A_527 : memref<112x48xf32, #tpu.memory_space<vmem_shared>>)
      tpu.yield
    }) : () -> ()
    %mul3A_32 = arith.constant 1568 : i32
    %mul3A_33 = arith.muli %arg1, %mul3A_32 : i32
    %add3A_34 = arith.constant 336 : i32
    %add3A_35 = arith.addi %mul3A_33, %add3A_34 : i32
    "tpu.region"() ({
      %run_scoped3A = tpu.sem_alloc : memref<!tpu.dma_semaphore, #tpu.memory_space<semaphore_mem>>
      %dma_start3A = arith.constant 0 : i32
      %dma_start3A_521 = tpu.memref_slice %arg5[%add3A_35, %dma_start3A] : memref<25088x48xf32, #tpu.memory_space<vmem_shared>> -> memref<112x48xf32, #tpu.memory_space<vmem_shared>>
      %dma_start3A_522 = arith.constant 0 : i32
      %dma_start3A_523 = tpu.memref_slice %arg5[%add3A_35, %dma_start3A_522] : memref<25088x48xf32, #tpu.memory_space<vmem_shared>> -> memref<112x48xf32, #tpu.memory_space<vmem_shared>>
      tpu.enqueue_dma source(%arg12 : memref<112x48xf32, #tpu.memory_space<vmem>>) target(%dma_start3A_523 : memref<112x48xf32, #tpu.memory_space<vmem_shared>>) target_semaphore(%run_scoped3A : memref<!tpu.dma_semaphore, #tpu.memory_space<semaphore_mem>>)
      %dma_wait3A_524 = arith.constant 0 : i32
      %dma_wait3A_525 = tpu.memref_slice %arg5[%add3A_35, %dma_wait3A_524] : memref<25088x48xf32, #tpu.memory_space<vmem_shared>> -> memref<112x48xf32, #tpu.memory_space<vmem_shared>>
      %dma_wait3A_526 = arith.constant 0 : i32
      %dma_wait3A_527 = tpu.memref_slice %arg5[%add3A_35, %dma_wait3A_526] : memref<25088x48xf32, #tpu.memory_space<vmem_shared>> -> memref<112x48xf32, #tpu.memory_space<vmem_shared>>
      tpu.wait_dma2 semaphore(%run_scoped3A : memref<!tpu.dma_semaphore, #tpu.memory_space<semaphore_mem>>) src(%arg12 : memref<112x48xf32, #tpu.memory_space<vmem>>) dst(%dma_wait3A_527 : memref<112x48xf32, #tpu.memory_space<vmem_shared>>)
      tpu.yield
    }) : () -> ()
    %mul3A_36 = arith.constant 1568 : i32
    %mul3A_37 = arith.muli %arg1, %mul3A_36 : i32
    %add3A_38 = arith.constant 448 : i32
    %add3A_39 = arith.addi %mul3A_37, %add3A_38 : i32
    "tpu.region"() ({
      %run_scoped3A = tpu.sem_alloc : memref<!tpu.dma_semaphore, #tpu.memory_space<semaphore_mem>>
      %dma_start3A = arith.constant 0 : i32
      %dma_start3A_521 = tpu.memref_slice %arg5[%add3A_39, %dma_start3A] : memref<25088x48xf32, #tpu.memory_space<vmem_shared>> -> memref<112x48xf32, #tpu.memory_space<vmem_shared>>
      %dma_start3A_522 = arith.constant 0 : i32
      %dma_start3A_523 = tpu.memref_slice %arg5[%add3A_39, %dma_start3A_522] : memref<25088x48xf32, #tpu.memory_space<vmem_shared>> -> memref<112x48xf32, #tpu.memory_space<vmem_shared>>
      tpu.enqueue_dma source(%arg12 : memref<112x48xf32, #tpu.memory_space<vmem>>) target(%dma_start3A_523 : memref<112x48xf32, #tpu.memory_space<vmem_shared>>) target_semaphore(%run_scoped3A : memref<!tpu.dma_semaphore, #tpu.memory_space<semaphore_mem>>)
      %dma_wait3A_524 = arith.constant 0 : i32
      %dma_wait3A_525 = tpu.memref_slice %arg5[%add3A_39, %dma_wait3A_524] : memref<25088x48xf32, #tpu.memory_space<vmem_shared>> -> memref<112x48xf32, #tpu.memory_space<vmem_shared>>
      %dma_wait3A_526 = arith.constant 0 : i32
      %dma_wait3A_527 = tpu.memref_slice %arg5[%add3A_39, %dma_wait3A_526] : memref<25088x48xf32, #tpu.memory_space<vmem_shared>> -> memref<112x48xf32, #tpu.memory_space<vmem_shared>>
      tpu.wait_dma2 semaphore(%run_scoped3A : memref<!tpu.dma_semaphore, #tpu.memory_space<semaphore_mem>>) src(%arg12 : memref<112x48xf32, #tpu.memory_space<vmem>>) dst(%dma_wait3A_527 : memref<112x48xf32, #tpu.memory_space<vmem_shared>>)
      tpu.yield
    }) : () -> ()
    %mul3A_40 = arith.constant 1568 : i32
    %mul3A_41 = arith.muli %arg1, %mul3A_40 : i32
    %add3A_42 = arith.constant 560 : i32
    %add3A_43 = arith.addi %mul3A_41, %add3A_42 : i32
    "tpu.region"() ({
      %run_scoped3A = tpu.sem_alloc : memref<!tpu.dma_semaphore, #tpu.memory_space<semaphore_mem>>
      %dma_start3A = arith.constant 0 : i32
      %dma_start3A_521 = tpu.memref_slice %arg5[%add3A_43, %dma_start3A] : memref<25088x48xf32, #tpu.memory_space<vmem_shared>> -> memref<112x48xf32, #tpu.memory_space<vmem_shared>>
      %dma_start3A_522 = arith.constant 0 : i32
      %dma_start3A_523 = tpu.memref_slice %arg5[%add3A_43, %dma_start3A_522] : memref<25088x48xf32, #tpu.memory_space<vmem_shared>> -> memref<112x48xf32, #tpu.memory_space<vmem_shared>>
      tpu.enqueue_dma source(%arg12 : memref<112x48xf32, #tpu.memory_space<vmem>>) target(%dma_start3A_523 : memref<112x48xf32, #tpu.memory_space<vmem_shared>>) target_semaphore(%run_scoped3A : memref<!tpu.dma_semaphore, #tpu.memory_space<semaphore_mem>>)
      %dma_wait3A_524 = arith.constant 0 : i32
      %dma_wait3A_525 = tpu.memref_slice %arg5[%add3A_43, %dma_wait3A_524] : memref<25088x48xf32, #tpu.memory_space<vmem_shared>> -> memref<112x48xf32, #tpu.memory_space<vmem_shared>>
      %dma_wait3A_526 = arith.constant 0 : i32
      %dma_wait3A_527 = tpu.memref_slice %arg5[%add3A_43, %dma_wait3A_526] : memref<25088x48xf32, #tpu.memory_space<vmem_shared>> -> memref<112x48xf32, #tpu.memory_space<vmem_shared>>
      tpu.wait_dma2 semaphore(%run_scoped3A : memref<!tpu.dma_semaphore, #tpu.memory_space<semaphore_mem>>) src(%arg12 : memref<112x48xf32, #tpu.memory_space<vmem>>) dst(%dma_wait3A_527 : memref<112x48xf32, #tpu.memory_space<vmem_shared>>)
      tpu.yield
    }) : () -> ()
    %mul3A_44 = arith.constant 1568 : i32
    %mul3A_45 = arith.muli %arg1, %mul3A_44 : i32
    %add3A_46 = arith.constant 672 : i32
    %add3A_47 = arith.addi %mul3A_45, %add3A_46 : i32
    "tpu.region"() ({
      %run_scoped3A = tpu.sem_alloc : memref<!tpu.dma_semaphore, #tpu.memory_space<semaphore_mem>>
      %dma_start3A = arith.constant 0 : i32
      %dma_start3A_521 = tpu.memref_slice %arg5[%add3A_47, %dma_start3A] : memref<25088x48xf32, #tpu.memory_space<vmem_shared>> -> memref<112x48xf32, #tpu.memory_space<vmem_shared>>
      %dma_start3A_522 = arith.constant 0 : i32
      %dma_start3A_523 = tpu.memref_slice %arg5[%add3A_47, %dma_start3A_522] : memref<25088x48xf32, #tpu.memory_space<vmem_shared>> -> memref<112x48xf32, #tpu.memory_space<vmem_shared>>
      tpu.enqueue_dma source(%arg12 : memref<112x48xf32, #tpu.memory_space<vmem>>) target(%dma_start3A_523 : memref<112x48xf32, #tpu.memory_space<vmem_shared>>) target_semaphore(%run_scoped3A : memref<!tpu.dma_semaphore, #tpu.memory_space<semaphore_mem>>)
      %dma_wait3A_524 = arith.constant 0 : i32
      %dma_wait3A_525 = tpu.memref_slice %arg5[%add3A_47, %dma_wait3A_524] : memref<25088x48xf32, #tpu.memory_space<vmem_shared>> -> memref<112x48xf32, #tpu.memory_space<vmem_shared>>
      %dma_wait3A_526 = arith.constant 0 : i32
      %dma_wait3A_527 = tpu.memref_slice %arg5[%add3A_47, %dma_wait3A_526] : memref<25088x48xf32, #tpu.memory_space<vmem_shared>> -> memref<112x48xf32, #tpu.memory_space<vmem_shared>>
      tpu.wait_dma2 semaphore(%run_scoped3A : memref<!tpu.dma_semaphore, #tpu.memory_space<semaphore_mem>>) src(%arg12 : memref<112x48xf32, #tpu.memory_space<vmem>>) dst(%dma_wait3A_527 : memref<112x48xf32, #tpu.memory_space<vmem_shared>>)
      tpu.yield
    }) : () -> ()
    %mul3A_48 = arith.constant 1568 : i32
    %mul3A_49 = arith.muli %arg1, %mul3A_48 : i32
    %add3A_50 = arith.constant 784 : i32
    %add3A_51 = arith.addi %mul3A_49, %add3A_50 : i32
    "tpu.region"() ({
      %run_scoped3A = tpu.sem_alloc : memref<!tpu.dma_semaphore, #tpu.memory_space<semaphore_mem>>
      %dma_start3A = arith.constant 0 : i32
      %dma_start3A_521 = tpu.memref_slice %arg5[%add3A_51, %dma_start3A] : memref<25088x48xf32, #tpu.memory_space<vmem_shared>> -> memref<112x48xf32, #tpu.memory_space<vmem_shared>>
      %dma_start3A_522 = arith.constant 0 : i32
      %dma_start3A_523 = tpu.memref_slice %arg5[%add3A_51, %dma_start3A_522] : memref<25088x48xf32, #tpu.memory_space<vmem_shared>> -> memref<112x48xf32, #tpu.memory_space<vmem_shared>>
      tpu.enqueue_dma source(%arg12 : memref<112x48xf32, #tpu.memory_space<vmem>>) target(%dma_start3A_523 : memref<112x48xf32, #tpu.memory_space<vmem_shared>>) target_semaphore(%run_scoped3A : memref<!tpu.dma_semaphore, #tpu.memory_space<semaphore_mem>>)
      %dma_wait3A_524 = arith.constant 0 : i32
      %dma_wait3A_525 = tpu.memref_slice %arg5[%add3A_51, %dma_wait3A_524] : memref<25088x48xf32, #tpu.memory_space<vmem_shared>> -> memref<112x48xf32, #tpu.memory_space<vmem_shared>>
      %dma_wait3A_526 = arith.constant 0 : i32
      %dma_wait3A_527 = tpu.memref_slice %arg5[%add3A_51, %dma_wait3A_526] : memref<25088x48xf32, #tpu.memory_space<vmem_shared>> -> memref<112x48xf32, #tpu.memory_space<vmem_shared>>
      tpu.wait_dma2 semaphore(%run_scoped3A : memref<!tpu.dma_semaphore, #tpu.memory_space<semaphore_mem>>) src(%arg12 : memref<112x48xf32, #tpu.memory_space<vmem>>) dst(%dma_wait3A_527 : memref<112x48xf32, #tpu.memory_space<vmem_shared>>)
      tpu.yield
    }) : () -> ()
    %mul3A_52 = arith.constant 1568 : i32
    %mul3A_53 = arith.muli %arg1, %mul3A_52 : i32
    %add3A_54 = arith.constant 896 : i32
    %add3A_55 = arith.addi %mul3A_53, %add3A_54 : i32
    "tpu.region"() ({
      %run_scoped3A = tpu.sem_alloc : memref<!tpu.dma_semaphore, #tpu.memory_space<semaphore_mem>>
      %dma_start3A = arith.constant 0 : i32
      %dma_start3A_521 = tpu.memref_slice %arg5[%add3A_55, %dma_start3A] : memref<25088x48xf32, #tpu.memory_space<vmem_shared>> -> memref<112x48xf32, #tpu.memory_space<vmem_shared>>
      %dma_start3A_522 = arith.constant 0 : i32
      %dma_start3A_523 = tpu.memref_slice %arg5[%add3A_55, %dma_start3A_522] : memref<25088x48xf32, #tpu.memory_space<vmem_shared>> -> memref<112x48xf32, #tpu.memory_space<vmem_shared>>
      tpu.enqueue_dma source(%arg12 : memref<112x48xf32, #tpu.memory_space<vmem>>) target(%dma_start3A_523 : memref<112x48xf32, #tpu.memory_space<vmem_shared>>) target_semaphore(%run_scoped3A : memref<!tpu.dma_semaphore, #tpu.memory_space<semaphore_mem>>)
      %dma_wait3A_524 = arith.constant 0 : i32
      %dma_wait3A_525 = tpu.memref_slice %arg5[%add3A_55, %dma_wait3A_524] : memref<25088x48xf32, #tpu.memory_space<vmem_shared>> -> memref<112x48xf32, #tpu.memory_space<vmem_shared>>
      %dma_wait3A_526 = arith.constant 0 : i32
      %dma_wait3A_527 = tpu.memref_slice %arg5[%add3A_55, %dma_wait3A_526] : memref<25088x48xf32, #tpu.memory_space<vmem_shared>> -> memref<112x48xf32, #tpu.memory_space<vmem_shared>>
      tpu.wait_dma2 semaphore(%run_scoped3A : memref<!tpu.dma_semaphore, #tpu.memory_space<semaphore_mem>>) src(%arg12 : memref<112x48xf32, #tpu.memory_space<vmem>>) dst(%dma_wait3A_527 : memref<112x48xf32, #tpu.memory_space<vmem_shared>>)
      tpu.yield
    }) : () -> ()
    %mul3A_56 = arith.constant 1568 : i32
    %mul3A_57 = arith.muli %arg1, %mul3A_56 : i32
    %add3A_58 = arith.constant 1008 : i32
    %add3A_59 = arith.addi %mul3A_57, %add3A_58 : i32
    "tpu.region"() ({
      %run_scoped3A = tpu.sem_alloc : memref<!tpu.dma_semaphore, #tpu.memory_space<semaphore_mem>>
      %dma_start3A = arith.constant 0 : i32
      %dma_start3A_521 = tpu.memref_slice %arg5[%add3A_59, %dma_start3A] : memref<25088x48xf32, #tpu.memory_space<vmem_shared>> -> memref<112x48xf32, #tpu.memory_space<vmem_shared>>
      %dma_start3A_522 = arith.constant 0 : i32
      %dma_start3A_523 = tpu.memref_slice %arg5[%add3A_59, %dma_start3A_522] : memref<25088x48xf32, #tpu.memory_space<vmem_shared>> -> memref<112x48xf32, #tpu.memory_space<vmem_shared>>
      tpu.enqueue_dma source(%arg12 : memref<112x48xf32, #tpu.memory_space<vmem>>) target(%dma_start3A_523 : memref<112x48xf32, #tpu.memory_space<vmem_shared>>) target_semaphore(%run_scoped3A : memref<!tpu.dma_semaphore, #tpu.memory_space<semaphore_mem>>)
      %dma_wait3A_524 = arith.constant 0 : i32
      %dma_wait3A_525 = tpu.memref_slice %arg5[%add3A_59, %dma_wait3A_524] : memref<25088x48xf32, #tpu.memory_space<vmem_shared>> -> memref<112x48xf32, #tpu.memory_space<vmem_shared>>
      %dma_wait3A_526 = arith.constant 0 : i32
      %dma_wait3A_527 = tpu.memref_slice %arg5[%add3A_59, %dma_wait3A_526] : memref<25088x48xf32, #tpu.memory_space<vmem_shared>> -> memref<112x48xf32, #tpu.memory_space<vmem_shared>>
      tpu.wait_dma2 semaphore(%run_scoped3A : memref<!tpu.dma_semaphore, #tpu.memory_space<semaphore_mem>>) src(%arg12 : memref<112x48xf32, #tpu.memory_space<vmem>>) dst(%dma_wait3A_527 : memref<112x48xf32, #tpu.memory_space<vmem_shared>>)
      tpu.yield
    }) : () -> ()
    %mul3A_60 = arith.constant 1568 : i32
    %mul3A_61 = arith.muli %arg1, %mul3A_60 : i32
    %add3A_62 = arith.constant 1120 : i32
    %add3A_63 = arith.addi %mul3A_61, %add3A_62 : i32
    "tpu.region"() ({
      %run_scoped3A = tpu.sem_alloc : memref<!tpu.dma_semaphore, #tpu.memory_space<semaphore_mem>>
      %dma_start3A = arith.constant 0 : i32
      %dma_start3A_521 = tpu.memref_slice %arg5[%add3A_63, %dma_start3A] : memref<25088x48xf32, #tpu.memory_space<vmem_shared>> -> memref<112x48xf32, #tpu.memory_space<vmem_shared>>
      %dma_start3A_522 = arith.constant 0 : i32
      %dma_start3A_523 = tpu.memref_slice %arg5[%add3A_63, %dma_start3A_522] : memref<25088x48xf32, #tpu.memory_space<vmem_shared>> -> memref<112x48xf32, #tpu.memory_space<vmem_shared>>
      tpu.enqueue_dma source(%arg12 : memref<112x48xf32, #tpu.memory_space<vmem>>) target(%dma_start3A_523 : memref<112x48xf32, #tpu.memory_space<vmem_shared>>) target_semaphore(%run_scoped3A : memref<!tpu.dma_semaphore, #tpu.memory_space<semaphore_mem>>)
      %dma_wait3A_524 = arith.constant 0 : i32
      %dma_wait3A_525 = tpu.memref_slice %arg5[%add3A_63, %dma_wait3A_524] : memref<25088x48xf32, #tpu.memory_space<vmem_shared>> -> memref<112x48xf32, #tpu.memory_space<vmem_shared>>
      %dma_wait3A_526 = arith.constant 0 : i32
      %dma_wait3A_527 = tpu.memref_slice %arg5[%add3A_63, %dma_wait3A_526] : memref<25088x48xf32, #tpu.memory_space<vmem_shared>> -> memref<112x48xf32, #tpu.memory_space<vmem_shared>>
      tpu.wait_dma2 semaphore(%run_scoped3A : memref<!tpu.dma_semaphore, #tpu.memory_space<semaphore_mem>>) src(%arg12 : memref<112x48xf32, #tpu.memory_space<vmem>>) dst(%dma_wait3A_527 : memref<112x48xf32, #tpu.memory_space<vmem_shared>>)
      tpu.yield
    }) : () -> ()
    %mul3A_64 = arith.constant 1568 : i32
    %mul3A_65 = arith.muli %arg1, %mul3A_64 : i32
    %add3A_66 = arith.constant 1232 : i32
    %add3A_67 = arith.addi %mul3A_65, %add3A_66 : i32
    "tpu.region"() ({
      %run_scoped3A = tpu.sem_alloc : memref<!tpu.dma_semaphore, #tpu.memory_space<semaphore_mem>>
      %dma_start3A = arith.constant 0 : i32
      %dma_start3A_521 = tpu.memref_slice %arg5[%add3A_67, %dma_start3A] : memref<25088x48xf32, #tpu.memory_space<vmem_shared>> -> memref<112x48xf32, #tpu.memory_space<vmem_shared>>
      %dma_start3A_522 = arith.constant 0 : i32
      %dma_start3A_523 = tpu.memref_slice %arg5[%add3A_67, %dma_start3A_522] : memref<25088x48xf32, #tpu.memory_space<vmem_shared>> -> memref<112x48xf32, #tpu.memory_space<vmem_shared>>
      tpu.enqueue_dma source(%arg12 : memref<112x48xf32, #tpu.memory_space<vmem>>) target(%dma_start3A_523 : memref<112x48xf32, #tpu.memory_space<vmem_shared>>) target_semaphore(%run_scoped3A : memref<!tpu.dma_semaphore, #tpu.memory_space<semaphore_mem>>)
      %dma_wait3A_524 = arith.constant 0 : i32
      %dma_wait3A_525 = tpu.memref_slice %arg5[%add3A_67, %dma_wait3A_524] : memref<25088x48xf32, #tpu.memory_space<vmem_shared>> -> memref<112x48xf32, #tpu.memory_space<vmem_shared>>
      %dma_wait3A_526 = arith.constant 0 : i32
      %dma_wait3A_527 = tpu.memref_slice %arg5[%add3A_67, %dma_wait3A_526] : memref<25088x48xf32, #tpu.memory_space<vmem_shared>> -> memref<112x48xf32, #tpu.memory_space<vmem_shared>>
      tpu.wait_dma2 semaphore(%run_scoped3A : memref<!tpu.dma_semaphore, #tpu.memory_space<semaphore_mem>>) src(%arg12 : memref<112x48xf32, #tpu.memory_space<vmem>>) dst(%dma_wait3A_527 : memref<112x48xf32, #tpu.memory_space<vmem_shared>>)
      tpu.yield
    }) : () -> ()
    %mul3A_68 = arith.constant 1568 : i32
    %mul3A_69 = arith.muli %arg1, %mul3A_68 : i32
    %add3A_70 = arith.constant 1344 : i32
    %add3A_71 = arith.addi %mul3A_69, %add3A_70 : i32
    "tpu.region"() ({
      %run_scoped3A = tpu.sem_alloc : memref<!tpu.dma_semaphore, #tpu.memory_space<semaphore_mem>>
      %dma_start3A = arith.constant 0 : i32
      %dma_start3A_521 = tpu.memref_slice %arg5[%add3A_71, %dma_start3A] : memref<25088x48xf32, #tpu.memory_space<vmem_shared>> -> memref<112x48xf32, #tpu.memory_space<vmem_shared>>
      %dma_start3A_522 = arith.constant 0 : i32
      %dma_start3A_523 = tpu.memref_slice %arg5[%add3A_71, %dma_start3A_522] : memref<25088x48xf32, #tpu.memory_space<vmem_shared>> -> memref<112x48xf32, #tpu.memory_space<vmem_shared>>
      tpu.enqueue_dma source(%arg12 : memref<112x48xf32, #tpu.memory_space<vmem>>) target(%dma_start3A_523 : memref<112x48xf32, #tpu.memory_space<vmem_shared>>) target_semaphore(%run_scoped3A : memref<!tpu.dma_semaphore, #tpu.memory_space<semaphore_mem>>)
      %dma_wait3A_524 = arith.constant 0 : i32
      %dma_wait3A_525 = tpu.memref_slice %arg5[%add3A_71, %dma_wait3A_524] : memref<25088x48xf32, #tpu.memory_space<vmem_shared>> -> memref<112x48xf32, #tpu.memory_space<vmem_shared>>
      %dma_wait3A_526 = arith.constant 0 : i32
      %dma_wait3A_527 = tpu.memref_slice %arg5[%add3A_71, %dma_wait3A_526] : memref<25088x48xf32, #tpu.memory_space<vmem_shared>> -> memref<112x48xf32, #tpu.memory_space<vmem_shared>>
      tpu.wait_dma2 semaphore(%run_scoped3A : memref<!tpu.dma_semaphore, #tpu.memory_space<semaphore_mem>>) src(%arg12 : memref<112x48xf32, #tpu.memory_space<vmem>>) dst(%dma_wait3A_527 : memref<112x48xf32, #tpu.memory_space<vmem_shared>>)
      tpu.yield
    }) : () -> ()
    %mul3A_72 = arith.constant 1568 : i32
    %mul3A_73 = arith.muli %arg1, %mul3A_72 : i32
    %add3A_74 = arith.constant 1456 : i32
    %add3A_75 = arith.addi %mul3A_73, %add3A_74 : i32
    "tpu.region"() ({
      %run_scoped3A = tpu.sem_alloc : memref<!tpu.dma_semaphore, #tpu.memory_space<semaphore_mem>>
      %dma_start3A = arith.constant 0 : i32
      %dma_start3A_521 = tpu.memref_slice %arg5[%add3A_75, %dma_start3A] : memref<25088x48xf32, #tpu.memory_space<vmem_shared>> -> memref<112x48xf32, #tpu.memory_space<vmem_shared>>
      %dma_start3A_522 = arith.constant 0 : i32
      %dma_start3A_523 = tpu.memref_slice %arg5[%add3A_75, %dma_start3A_522] : memref<25088x48xf32, #tpu.memory_space<vmem_shared>> -> memref<112x48xf32, #tpu.memory_space<vmem_shared>>
      tpu.enqueue_dma source(%arg12 : memref<112x48xf32, #tpu.memory_space<vmem>>) target(%dma_start3A_523 : memref<112x48xf32, #tpu.memory_space<vmem_shared>>) target_semaphore(%run_scoped3A : memref<!tpu.dma_semaphore, #tpu.memory_space<semaphore_mem>>)
      %dma_wait3A_524 = arith.constant 0 : i32
      %dma_wait3A_525 = tpu.memref_slice %arg5[%add3A_75, %dma_wait3A_524] : memref<25088x48xf32, #tpu.memory_space<vmem_shared>> -> memref<112x48xf32, #tpu.memory_space<vmem_shared>>
      %dma_wait3A_526 = arith.constant 0 : i32
      %dma_wait3A_527 = tpu.memref_slice %arg5[%add3A_75, %dma_wait3A_526] : memref<25088x48xf32, #tpu.memory_space<vmem_shared>> -> memref<112x48xf32, #tpu.memory_space<vmem_shared>>
      tpu.wait_dma2 semaphore(%run_scoped3A : memref<!tpu.dma_semaphore, #tpu.memory_space<semaphore_mem>>) src(%arg12 : memref<112x48xf32, #tpu.memory_space<vmem>>) dst(%dma_wait3A_527 : memref<112x48xf32, #tpu.memory_space<vmem_shared>>)
      tpu.yield
    }) : () -> ()
    %scan3A_76 = arith.constant 0 : i32
    %scan3A_77 = arith.constant 0 : i32
    %scan3A_78 = arith.constant 128 : i32
    %scan3A_79 = arith.addi %scan3A_77, %scan3A_78 : i32
    %scan3A_80 = arith.constant 1 : i32
    %scan3A_81 = scf.for %scan3A_521 = %scan3A_77 to %scan3A_79 step %scan3A_80 iter_args(%scan3A_522 = %scan3A_76) -> (i32)  : i32 {
      %swap3A_523 = arith.index_cast %scan3A_521 : i32 to index
      %swap3A_524 = arith.constant 0 : index
      %swap3A_525 = tpu.vector_load %arg6[%swap3A_523, %swap3A_524] {strides = array<i32>} : memref<128x48xf32, #tpu.memory_space<vmem>>, vector<16xf32>,
      tpu.vector_store %arg6[%swap3A_523, %swap3A_524], %broadcast_in_dim3A_2 {strides = array<i32>} : memref<128x48xf32, #tpu.memory_space<vmem>>, vector<16xf32>,
      %swap3A_526 = arith.index_cast %scan3A_521 : i32 to index
      %swap3A_527 = arith.constant 16 : index
      %swap3A_528 = tpu.vector_load %arg6[%swap3A_526, %swap3A_527] {strides = array<i32>} : memref<128x48xf32, #tpu.memory_space<vmem>>, vector<16xf32>,
      tpu.vector_store %arg6[%swap3A_526, %swap3A_527], %broadcast_in_dim3A_2 {strides = array<i32>} : memref<128x48xf32, #tpu.memory_space<vmem>>, vector<16xf32>,
      %swap3A_529 = arith.index_cast %scan3A_521 : i32 to index
      %swap3A_530 = arith.constant 32 : index
      %swap3A_531 = tpu.vector_load %arg6[%swap3A_529, %swap3A_530] {strides = array<i32>} : memref<128x48xf32, #tpu.memory_space<vmem>>, vector<16xf32>,
      tpu.vector_store %arg6[%swap3A_529, %swap3A_530], %broadcast_in_dim3A_2 {strides = array<i32>} : memref<128x48xf32, #tpu.memory_space<vmem>>, vector<16xf32>,
      %scan3A_532 = arith.constant 0 : i32
      scf.yield %scan3A_532 : i32
    }
    %scan3A_82 = arith.constant 128 : i32
    %barrier3A = arith.constant 0 : index
    tpu.barrier barrier_id(%barrier3A)
    %add3A_83 = arith.constant 0 : i32
    %add3A_84 = arith.addi %mul3A_12, %add3A_83 : i32
    "tpu.region"() ({
      %run_scoped3A = tpu.sem_alloc : memref<!tpu.dma_semaphore, #tpu.memory_space<semaphore_mem>>
      %dma_start3A = arith.constant 0 : i32
      %dma_start3A_521 = arith.constant 0 : i32
      %dma_start3A_522 = tpu.memref_slice %arg2[%arg0, %add3A_84, %dma_start3A, %dma_start3A_521] : memref<2x4193x3x128xi32, #tpu.memory_space<hbm>> -> memref<1x1x3x128xi32, #tpu.memory_space<hbm>>
      %dma_start3A_523 = tpu.memref_squeeze %dma_start3A_522 : memref<1x1x3x128xi32, #tpu.memory_space<hbm>> -> memref<3x128xi32, #tpu.memory_space<hbm>>
      %dma_start3A_524 = arith.constant 0 : i32
      %dma_start3A_525 = arith.constant 0 : i32
      %dma_start3A_526 = tpu.memref_slice %arg2[%arg0, %add3A_84, %dma_start3A_524, %dma_start3A_525] : memref<2x4193x3x128xi32, #tpu.memory_space<hbm>> -> memref<1x1x3x128xi32, #tpu.memory_space<hbm>>
      %dma_start3A_527 = tpu.memref_squeeze %dma_start3A_526 : memref<1x1x3x128xi32, #tpu.memory_space<hbm>> -> memref<3x128xi32, #tpu.memory_space<hbm>>
      tpu.enqueue_dma source(%dma_start3A_527 : memref<3x128xi32, #tpu.memory_space<hbm>>) target(%arg8 : memref<3x128xi32, #tpu.memory_space<vmem>>) target_semaphore(%run_scoped3A : memref<!tpu.dma_semaphore, #tpu.memory_space<semaphore_mem>>)
      %dma_wait3A_528 = arith.constant 0 : i32
      %dma_wait3A_529 = arith.constant 0 : i32
      %dma_wait3A_530 = tpu.memref_slice %arg2[%arg0, %add3A_84, %dma_wait3A_528, %dma_wait3A_529] : memref<2x4193x3x128xi32, #tpu.memory_space<hbm>> -> memref<1x1x3x128xi32, #tpu.memory_space<hbm>>
      %dma_wait3A_531 = tpu.memref_squeeze %dma_wait3A_530 : memref<1x1x3x128xi32, #tpu.memory_space<hbm>> -> memref<3x128xi32, #tpu.memory_space<hbm>>
      %dma_wait3A_532 = arith.constant 0 : i32
      %dma_wait3A_533 = arith.constant 0 : i32
      %dma_wait3A_534 = tpu.memref_slice %arg2[%arg0, %add3A_84, %dma_wait3A_532, %dma_wait3A_533] : memref<2x4193x3x128xi32, #tpu.memory_space<hbm>> -> memref<1x1x3x128xi32, #tpu.memory_space<hbm>>
      %dma_wait3A_535 = tpu.memref_squeeze %dma_wait3A_534 : memref<1x1x3x128xi32, #tpu.memory_space<hbm>> -> memref<3x128xi32, #tpu.memory_space<hbm>>
      tpu.wait_dma2 semaphore(%run_scoped3A : memref<!tpu.dma_semaphore, #tpu.memory_space<semaphore_mem>>) src(%dma_wait3A_535 : memref<3x128xi32, #tpu.memory_space<hbm>>) dst(%arg8 : memref<3x128xi32, #tpu.memory_space<vmem>>)
      tpu.yield
    }) : () -> ()
    %get3A_85 = arith.constant 0 : i32
    %get3A_86 = arith.index_cast %get3A_85 : i32 to index
    %get3A_87 = arith.constant 0 : index
    %get3A_88 = tpu.vector_load %arg8[%get3A_86, %get3A_87] {strides = array<i32>} : memref<3x128xi32, #tpu.memory_space<vmem>>, vector<16xi32>,
    %shift_right_logical3A = arith.constant 16 : i32
    %shift_right_logical3A_89 = vector.broadcast %shift_right_logical3A : i32 to vector<16xi32>
    %shift_right_logical3A_90 = arith.shrui %get3A_88, %shift_right_logical3A_89 : vector<16xi32>
    %sub3A = vector.broadcast %mul3A_14 : i32 to vector<16xi32>
    %sub3A_91 = arith.subi %shift_right_logical3A_90, %sub3A : vector<16xi32>
    %swap3A = arith.constant 0 : i32
    %swap3A_92 = arith.index_cast %swap3A : i32 to index
    %swap3A_93 = arith.constant 0 : index
    %swap3A_94 = tpu.vector_load %arg9[%swap3A_92, %swap3A_93] {strides = array<i32>} : memref<3x128xi32, #tpu.memory_space<vmem>>, vector<16xi32>,
    tpu.vector_store %arg9[%swap3A_92, %swap3A_93], %sub3A_91 {strides = array<i32>} : memref<3x128xi32, #tpu.memory_space<vmem>>, vector<16xi32>,
    %get3A_95 = arith.constant 0 : i32
    %get3A_96 = arith.index_cast %get3A_95 : i32 to index
    %get3A_97 = arith.constant 16 : index
    %get3A_98 = tpu.vector_load %arg8[%get3A_96, %get3A_97] {strides = array<i32>} : memref<3x128xi32, #tpu.memory_space<vmem>>, vector<16xi32>,
    %shift_right_logical3A_99 = arith.constant 16 : i32
    %shift_right_logical3A_100 = vector.broadcast %shift_right_logical3A_99 : i32 to vector<16xi32>
    %shift_right_logical3A_101 = arith.shrui %get3A_98, %shift_right_logical3A_100 : vector<16xi32>
    %sub3A_102 = vector.broadcast %mul3A_14 : i32 to vector<16xi32>
    %sub3A_103 = arith.subi %shift_right_logical3A_101, %sub3A_102 : vector<16xi32>
    %swap3A_104 = arith.constant 0 : i32
    %swap3A_105 = arith.index_cast %swap3A_104 : i32 to index
    %swap3A_106 = arith.constant 16 : index
    %swap3A_107 = tpu.vector_load %arg9[%swap3A_105, %swap3A_106] {strides = array<i32>} : memref<3x128xi32, #tpu.memory_space<vmem>>, vector<16xi32>,
    tpu.vector_store %arg9[%swap3A_105, %swap3A_106], %sub3A_103 {strides = array<i32>} : memref<3x128xi32, #tpu.memory_space<vmem>>, vector<16xi32>,
    %get3A_108 = arith.constant 0 : i32
    %get3A_109 = arith.index_cast %get3A_108 : i32 to index
    %get3A_110 = arith.constant 32 : index
    %get3A_111 = tpu.vector_load %arg8[%get3A_109, %get3A_110] {strides = array<i32>} : memref<3x128xi32, #tpu.memory_space<vmem>>, vector<16xi32>,
    %shift_right_logical3A_112 = arith.constant 16 : i32
    %shift_right_logical3A_113 = vector.broadcast %shift_right_logical3A_112 : i32 to vector<16xi32>
    %shift_right_logical3A_114 = arith.shrui %get3A_111, %shift_right_logical3A_113 : vector<16xi32>
    %sub3A_115 = vector.broadcast %mul3A_14 : i32 to vector<16xi32>
    %sub3A_116 = arith.subi %shift_right_logical3A_114, %sub3A_115 : vector<16xi32>
    %swap3A_117 = arith.constant 0 : i32
    %swap3A_118 = arith.index_cast %swap3A_117 : i32 to index
    %swap3A_119 = arith.constant 32 : index
    %swap3A_120 = tpu.vector_load %arg9[%swap3A_118, %swap3A_119] {strides = array<i32>} : memref<3x128xi32, #tpu.memory_space<vmem>>, vector<16xi32>,
    tpu.vector_store %arg9[%swap3A_118, %swap3A_119], %sub3A_116 {strides = array<i32>} : memref<3x128xi32, #tpu.memory_space<vmem>>, vector<16xi32>,
    %get3A_121 = arith.constant 0 : i32
    %get3A_122 = arith.index_cast %get3A_121 : i32 to index
    %get3A_123 = arith.constant 48 : index
    %get3A_124 = tpu.vector_load %arg8[%get3A_122, %get3A_123] {strides = array<i32>} : memref<3x128xi32, #tpu.memory_space<vmem>>, vector<16xi32>,
    %shift_right_logical3A_125 = arith.constant 16 : i32
    %shift_right_logical3A_126 = vector.broadcast %shift_right_logical3A_125 : i32 to vector<16xi32>
    %shift_right_logical3A_127 = arith.shrui %get3A_124, %shift_right_logical3A_126 : vector<16xi32>
    %sub3A_128 = vector.broadcast %mul3A_14 : i32 to vector<16xi32>
    %sub3A_129 = arith.subi %shift_right_logical3A_127, %sub3A_128 : vector<16xi32>
    %swap3A_130 = arith.constant 0 : i32
    %swap3A_131 = arith.index_cast %swap3A_130 : i32 to index
    %swap3A_132 = arith.constant 48 : index
    %swap3A_133 = tpu.vector_load %arg9[%swap3A_131, %swap3A_132] {strides = array<i32>} : memref<3x128xi32, #tpu.memory_space<vmem>>, vector<16xi32>,
    tpu.vector_store %arg9[%swap3A_131, %swap3A_132], %sub3A_129 {strides = array<i32>} : memref<3x128xi32, #tpu.memory_space<vmem>>, vector<16xi32>,
    %get3A_134 = arith.constant 0 : i32
    %get3A_135 = arith.index_cast %get3A_134 : i32 to index
    %get3A_136 = arith.constant 64 : index
    %get3A_137 = tpu.vector_load %arg8[%get3A_135, %get3A_136] {strides = array<i32>} : memref<3x128xi32, #tpu.memory_space<vmem>>, vector<16xi32>,
    %shift_right_logical3A_138 = arith.constant 16 : i32
    %shift_right_logical3A_139 = vector.broadcast %shift_right_logical3A_138 : i32 to vector<16xi32>
    %shift_right_logical3A_140 = arith.shrui %get3A_137, %shift_right_logical3A_139 : vector<16xi32>
    %sub3A_141 = vector.broadcast %mul3A_14 : i32 to vector<16xi32>
    %sub3A_142 = arith.subi %shift_right_logical3A_140, %sub3A_141 : vector<16xi32>
    %swap3A_143 = arith.constant 0 : i32
    %swap3A_144 = arith.index_cast %swap3A_143 : i32 to index
    %swap3A_145 = arith.constant 64 : index
    %swap3A_146 = tpu.vector_load %arg9[%swap3A_144, %swap3A_145] {strides = array<i32>} : memref<3x128xi32, #tpu.memory_space<vmem>>, vector<16xi32>,
    tpu.vector_store %arg9[%swap3A_144, %swap3A_145], %sub3A_142 {strides = array<i32>} : memref<3x128xi32, #tpu.memory_space<vmem>>, vector<16xi32>,
    %get3A_147 = arith.constant 0 : i32
    %get3A_148 = arith.index_cast %get3A_147 : i32 to index
    %get3A_149 = arith.constant 80 : index
    %get3A_150 = tpu.vector_load %arg8[%get3A_148, %get3A_149] {strides = array<i32>} : memref<3x128xi32, #tpu.memory_space<vmem>>, vector<16xi32>,
    %shift_right_logical3A_151 = arith.constant 16 : i32
    %shift_right_logical3A_152 = vector.broadcast %shift_right_logical3A_151 : i32 to vector<16xi32>
    %shift_right_logical3A_153 = arith.shrui %get3A_150, %shift_right_logical3A_152 : vector<16xi32>
    %sub3A_154 = vector.broadcast %mul3A_14 : i32 to vector<16xi32>
    %sub3A_155 = arith.subi %shift_right_logical3A_153, %sub3A_154 : vector<16xi32>
    %swap3A_156 = arith.constant 0 : i32
    %swap3A_157 = arith.index_cast %swap3A_156 : i32 to index
    %swap3A_158 = arith.constant 80 : index
    %swap3A_159 = tpu.vector_load %arg9[%swap3A_157, %swap3A_158] {strides = array<i32>} : memref<3x128xi32, #tpu.memory_space<vmem>>, vector<16xi32>,
    tpu.vector_store %arg9[%swap3A_157, %swap3A_158], %sub3A_155 {strides = array<i32>} : memref<3x128xi32, #tpu.memory_space<vmem>>, vector<16xi32>,
    %get3A_160 = arith.constant 0 : i32
    %get3A_161 = arith.index_cast %get3A_160 : i32 to index
    %get3A_162 = arith.constant 96 : index
    %get3A_163 = tpu.vector_load %arg8[%get3A_161, %get3A_162] {strides = array<i32>} : memref<3x128xi32, #tpu.memory_space<vmem>>, vector<16xi32>,
    %shift_right_logical3A_164 = arith.constant 16 : i32
    %shift_right_logical3A_165 = vector.broadcast %shift_right_logical3A_164 : i32 to vector<16xi32>
    %shift_right_logical3A_166 = arith.shrui %get3A_163, %shift_right_logical3A_165 : vector<16xi32>
    %sub3A_167 = vector.broadcast %mul3A_14 : i32 to vector<16xi32>
    %sub3A_168 = arith.subi %shift_right_logical3A_166, %sub3A_167 : vector<16xi32>
    %swap3A_169 = arith.constant 0 : i32
    %swap3A_170 = arith.index_cast %swap3A_169 : i32 to index
    %swap3A_171 = arith.constant 96 : index
    %swap3A_172 = tpu.vector_load %arg9[%swap3A_170, %swap3A_171] {strides = array<i32>} : memref<3x128xi32, #tpu.memory_space<vmem>>, vector<16xi32>,
    tpu.vector_store %arg9[%swap3A_170, %swap3A_171], %sub3A_168 {strides = array<i32>} : memref<3x128xi32, #tpu.memory_space<vmem>>, vector<16xi32>,
    %get3A_173 = arith.constant 0 : i32
    %get3A_174 = arith.index_cast %get3A_173 : i32 to index
    %get3A_175 = arith.constant 112 : index
    %get3A_176 = tpu.vector_load %arg8[%get3A_174, %get3A_175] {strides = array<i32>} : memref<3x128xi32, #tpu.memory_space<vmem>>, vector<16xi32>,
    %shift_right_logical3A_177 = arith.constant 16 : i32
    %shift_right_logical3A_178 = vector.broadcast %shift_right_logical3A_177 : i32 to vector<16xi32>
    %shift_right_logical3A_179 = arith.shrui %get3A_176, %shift_right_logical3A_178 : vector<16xi32>
    %sub3A_180 = vector.broadcast %mul3A_14 : i32 to vector<16xi32>
    %sub3A_181 = arith.subi %shift_right_logical3A_179, %sub3A_180 : vector<16xi32>
    %swap3A_182 = arith.constant 0 : i32
    %swap3A_183 = arith.index_cast %swap3A_182 : i32 to index
    %swap3A_184 = arith.constant 112 : index
    %swap3A_185 = tpu.vector_load %arg9[%swap3A_183, %swap3A_184] {strides = array<i32>} : memref<3x128xi32, #tpu.memory_space<vmem>>, vector<16xi32>,
    tpu.vector_store %arg9[%swap3A_183, %swap3A_184], %sub3A_181 {strides = array<i32>} : memref<3x128xi32, #tpu.memory_space<vmem>>, vector<16xi32>,
    %get3A_186 = arith.constant 1 : i32
    %get3A_187 = arith.index_cast %get3A_186 : i32 to index
    %get3A_188 = arith.constant 0 : index
    %get3A_189 = tpu.vector_load %arg8[%get3A_187, %get3A_188] {strides = array<i32>} : memref<3x128xi32, #tpu.memory_space<vmem>>, vector<16xi32>,
    %shift_right_logical3A_190 = arith.constant 16 : i32
    %shift_right_logical3A_191 = vector.broadcast %shift_right_logical3A_190 : i32 to vector<16xi32>
    %shift_right_logical3A_192 = arith.shrui %get3A_189, %shift_right_logical3A_191 : vector<16xi32>
    %sub3A_193 = vector.broadcast %mul3A_14 : i32 to vector<16xi32>
    %sub3A_194 = arith.subi %shift_right_logical3A_192, %sub3A_193 : vector<16xi32>
    %swap3A_195 = arith.constant 1 : i32
    %swap3A_196 = arith.index_cast %swap3A_195 : i32 to index
    %swap3A_197 = arith.constant 0 : index
    %swap3A_198 = tpu.vector_load %arg9[%swap3A_196, %swap3A_197] {strides = array<i32>} : memref<3x128xi32, #tpu.memory_space<vmem>>, vector<16xi32>,
    tpu.vector_store %arg9[%swap3A_196, %swap3A_197], %sub3A_194 {strides = array<i32>} : memref<3x128xi32, #tpu.memory_space<vmem>>, vector<16xi32>,
    %get3A_199 = arith.constant 1 : i32
    %get3A_200 = arith.index_cast %get3A_199 : i32 to index
    %get3A_201 = arith.constant 16 : index
    %get3A_202 = tpu.vector_load %arg8[%get3A_200, %get3A_201] {strides = array<i32>} : memref<3x128xi32, #tpu.memory_space<vmem>>, vector<16xi32>,
    %shift_right_logical3A_203 = arith.constant 16 : i32
    %shift_right_logical3A_204 = vector.broadcast %shift_right_logical3A_203 : i32 to vector<16xi32>
    %shift_right_logical3A_205 = arith.shrui %get3A_202, %shift_right_logical3A_204 : vector<16xi32>
    %sub3A_206 = vector.broadcast %mul3A_14 : i32 to vector<16xi32>
    %sub3A_207 = arith.subi %shift_right_logical3A_205, %sub3A_206 : vector<16xi32>
    %swap3A_208 = arith.constant 1 : i32
    %swap3A_209 = arith.index_cast %swap3A_208 : i32 to index
    %swap3A_210 = arith.constant 16 : index
    %swap3A_211 = tpu.vector_load %arg9[%swap3A_209, %swap3A_210] {strides = array<i32>} : memref<3x128xi32, #tpu.memory_space<vmem>>, vector<16xi32>,
    tpu.vector_store %arg9[%swap3A_209, %swap3A_210], %sub3A_207 {strides = array<i32>} : memref<3x128xi32, #tpu.memory_space<vmem>>, vector<16xi32>,
    %get3A_212 = arith.constant 1 : i32
    %get3A_213 = arith.index_cast %get3A_212 : i32 to index
    %get3A_214 = arith.constant 32 : index
    %get3A_215 = tpu.vector_load %arg8[%get3A_213, %get3A_214] {strides = array<i32>} : memref<3x128xi32, #tpu.memory_space<vmem>>, vector<16xi32>,
    %shift_right_logical3A_216 = arith.constant 16 : i32
    %shift_right_logical3A_217 = vector.broadcast %shift_right_logical3A_216 : i32 to vector<16xi32>
    %shift_right_logical3A_218 = arith.shrui %get3A_215, %shift_right_logical3A_217 : vector<16xi32>
    %sub3A_219 = vector.broadcast %mul3A_14 : i32 to vector<16xi32>
    %sub3A_220 = arith.subi %shift_right_logical3A_218, %sub3A_219 : vector<16xi32>
    %swap3A_221 = arith.constant 1 : i32
    %swap3A_222 = arith.index_cast %swap3A_221 : i32 to index
    %swap3A_223 = arith.constant 32 : index
    %swap3A_224 = tpu.vector_load %arg9[%swap3A_222, %swap3A_223] {strides = array<i32>} : memref<3x128xi32, #tpu.memory_space<vmem>>, vector<16xi32>,
    tpu.vector_store %arg9[%swap3A_222, %swap3A_223], %sub3A_220 {strides = array<i32>} : memref<3x128xi32, #tpu.memory_space<vmem>>, vector<16xi32>,
    %get3A_225 = arith.constant 1 : i32
    %get3A_226 = arith.index_cast %get3A_225 : i32 to index
    %get3A_227 = arith.constant 48 : index
    %get3A_228 = tpu.vector_load %arg8[%get3A_226, %get3A_227] {strides = array<i32>} : memref<3x128xi32, #tpu.memory_space<vmem>>, vector<16xi32>,
    %shift_right_logical3A_229 = arith.constant 16 : i32
    %shift_right_logical3A_230 = vector.broadcast %shift_right_logical3A_229 : i32 to vector<16xi32>
    %shift_right_logical3A_231 = arith.shrui %get3A_228, %shift_right_logical3A_230 : vector<16xi32>
    %sub3A_232 = vector.broadcast %mul3A_14 : i32 to vector<16xi32>
    %sub3A_233 = arith.subi %shift_right_logical3A_231, %sub3A_232 : vector<16xi32>
    %swap3A_234 = arith.constant 1 : i32
    %swap3A_235 = arith.index_cast %swap3A_234 : i32 to index
    %swap3A_236 = arith.constant 48 : index
    %swap3A_237 = tpu.vector_load %arg9[%swap3A_235, %swap3A_236] {strides = array<i32>} : memref<3x128xi32, #tpu.memory_space<vmem>>, vector<16xi32>,
    tpu.vector_store %arg9[%swap3A_235, %swap3A_236], %sub3A_233 {strides = array<i32>} : memref<3x128xi32, #tpu.memory_space<vmem>>, vector<16xi32>,
    %get3A_238 = arith.constant 1 : i32
    %get3A_239 = arith.index_cast %get3A_238 : i32 to index
    %get3A_240 = arith.constant 64 : index
    %get3A_241 = tpu.vector_load %arg8[%get3A_239, %get3A_240] {strides = array<i32>} : memref<3x128xi32, #tpu.memory_space<vmem>>, vector<16xi32>,
    %shift_right_logical3A_242 = arith.constant 16 : i32
    %shift_right_logical3A_243 = vector.broadcast %shift_right_logical3A_242 : i32 to vector<16xi32>
    %shift_right_logical3A_244 = arith.shrui %get3A_241, %shift_right_logical3A_243 : vector<16xi32>
    %sub3A_245 = vector.broadcast %mul3A_14 : i32 to vector<16xi32>
    %sub3A_246 = arith.subi %shift_right_logical3A_244, %sub3A_245 : vector<16xi32>
    %swap3A_247 = arith.constant 1 : i32
    %swap3A_248 = arith.index_cast %swap3A_247 : i32 to index
    %swap3A_249 = arith.constant 64 : index
    %swap3A_250 = tpu.vector_load %arg9[%swap3A_248, %swap3A_249] {strides = array<i32>} : memref<3x128xi32, #tpu.memory_space<vmem>>, vector<16xi32>,
    tpu.vector_store %arg9[%swap3A_248, %swap3A_249], %sub3A_246 {strides = array<i32>} : memref<3x128xi32, #tpu.memory_space<vmem>>, vector<16xi32>,
    %get3A_251 = arith.constant 1 : i32
    %get3A_252 = arith.index_cast %get3A_251 : i32 to index
    %get3A_253 = arith.constant 80 : index
    %get3A_254 = tpu.vector_load %arg8[%get3A_252, %get3A_253] {strides = array<i32>} : memref<3x128xi32, #tpu.memory_space<vmem>>, vector<16xi32>,
    %shift_right_logical3A_255 = arith.constant 16 : i32
    %shift_right_logical3A_256 = vector.broadcast %shift_right_logical3A_255 : i32 to vector<16xi32>
    %shift_right_logical3A_257 = arith.shrui %get3A_254, %shift_right_logical3A_256 : vector<16xi32>
    %sub3A_258 = vector.broadcast %mul3A_14 : i32 to vector<16xi32>
    %sub3A_259 = arith.subi %shift_right_logical3A_257, %sub3A_258 : vector<16xi32>
    %swap3A_260 = arith.constant 1 : i32
    %swap3A_261 = arith.index_cast %swap3A_260 : i32 to index
    %swap3A_262 = arith.constant 80 : index
    %swap3A_263 = tpu.vector_load %arg9[%swap3A_261, %swap3A_262] {strides = array<i32>} : memref<3x128xi32, #tpu.memory_space<vmem>>, vector<16xi32>,
    tpu.vector_store %arg9[%swap3A_261, %swap3A_262], %sub3A_259 {strides = array<i32>} : memref<3x128xi32, #tpu.memory_space<vmem>>, vector<16xi32>,
    %get3A_264 = arith.constant 1 : i32
    %get3A_265 = arith.index_cast %get3A_264 : i32 to index
    %get3A_266 = arith.constant 96 : index
    %get3A_267 = tpu.vector_load %arg8[%get3A_265, %get3A_266] {strides = array<i32>} : memref<3x128xi32, #tpu.memory_space<vmem>>, vector<16xi32>,
    %shift_right_logical3A_268 = arith.constant 16 : i32
    %shift_right_logical3A_269 = vector.broadcast %shift_right_logical3A_268 : i32 to vector<16xi32>
    %shift_right_logical3A_270 = arith.shrui %get3A_267, %shift_right_logical3A_269 : vector<16xi32>
    %sub3A_271 = vector.broadcast %mul3A_14 : i32 to vector<16xi32>
    %sub3A_272 = arith.subi %shift_right_logical3A_270, %sub3A_271 : vector<16xi32>
    %swap3A_273 = arith.constant 1 : i32
    %swap3A_274 = arith.index_cast %swap3A_273 : i32 to index
    %swap3A_275 = arith.constant 96 : index
    %swap3A_276 = tpu.vector_load %arg9[%swap3A_274, %swap3A_275] {strides = array<i32>} : memref<3x128xi32, #tpu.memory_space<vmem>>, vector<16xi32>,
    tpu.vector_store %arg9[%swap3A_274, %swap3A_275], %sub3A_272 {strides = array<i32>} : memref<3x128xi32, #tpu.memory_space<vmem>>, vector<16xi32>,
    %get3A_277 = arith.constant 1 : i32
    %get3A_278 = arith.index_cast %get3A_277 : i32 to index
    %get3A_279 = arith.constant 112 : index
    %get3A_280 = tpu.vector_load %arg8[%get3A_278, %get3A_279] {strides = array<i32>} : memref<3x128xi32, #tpu.memory_space<vmem>>, vector<16xi32>,
    %shift_right_logical3A_281 = arith.constant 16 : i32
    %shift_right_logical3A_282 = vector.broadcast %shift_right_logical3A_281 : i32 to vector<16xi32>
    %shift_right_logical3A_283 = arith.shrui %get3A_280, %shift_right_logical3A_282 : vector<16xi32>
    %sub3A_284 = vector.broadcast %mul3A_14 : i32 to vector<16xi32>
    %sub3A_285 = arith.subi %shift_right_logical3A_283, %sub3A_284 : vector<16xi32>
    %swap3A_286 = arith.constant 1 : i32
    %swap3A_287 = arith.index_cast %swap3A_286 : i32 to index
    %swap3A_288 = arith.constant 112 : index
    %swap3A_289 = tpu.vector_load %arg9[%swap3A_287, %swap3A_288] {strides = array<i32>} : memref<3x128xi32, #tpu.memory_space<vmem>>, vector<16xi32>,
    tpu.vector_store %arg9[%swap3A_287, %swap3A_288], %sub3A_285 {strides = array<i32>} : memref<3x128xi32, #tpu.memory_space<vmem>>, vector<16xi32>,
    %get3A_290 = arith.constant 2 : i32
    %get3A_291 = arith.index_cast %get3A_290 : i32 to index
    %get3A_292 = arith.constant 0 : index
    %get3A_293 = tpu.vector_load %arg8[%get3A_291, %get3A_292] {strides = array<i32>} : memref<3x128xi32, #tpu.memory_space<vmem>>, vector<16xi32>,
    %shift_right_logical3A_294 = arith.constant 16 : i32
    %shift_right_logical3A_295 = vector.broadcast %shift_right_logical3A_294 : i32 to vector<16xi32>
    %shift_right_logical3A_296 = arith.shrui %get3A_293, %shift_right_logical3A_295 : vector<16xi32>
    %sub3A_297 = vector.broadcast %mul3A_14 : i32 to vector<16xi32>
    %sub3A_298 = arith.subi %shift_right_logical3A_296, %sub3A_297 : vector<16xi32>
    %swap3A_299 = arith.constant 2 : i32
    %swap3A_300 = arith.index_cast %swap3A_299 : i32 to index
    %swap3A_301 = arith.constant 0 : index
    %swap3A_302 = tpu.vector_load %arg9[%swap3A_300, %swap3A_301] {strides = array<i32>} : memref<3x128xi32, #tpu.memory_space<vmem>>, vector<16xi32>,
    tpu.vector_store %arg9[%swap3A_300, %swap3A_301], %sub3A_298 {strides = array<i32>} : memref<3x128xi32, #tpu.memory_space<vmem>>, vector<16xi32>,
    %get3A_303 = arith.constant 2 : i32
    %get3A_304 = arith.index_cast %get3A_303 : i32 to index
    %get3A_305 = arith.constant 16 : index
    %get3A_306 = tpu.vector_load %arg8[%get3A_304, %get3A_305] {strides = array<i32>} : memref<3x128xi32, #tpu.memory_space<vmem>>, vector<16xi32>,
    %shift_right_logical3A_307 = arith.constant 16 : i32
    %shift_right_logical3A_308 = vector.broadcast %shift_right_logical3A_307 : i32 to vector<16xi32>
    %shift_right_logical3A_309 = arith.shrui %get3A_306, %shift_right_logical3A_308 : vector<16xi32>
    %sub3A_310 = vector.broadcast %mul3A_14 : i32 to vector<16xi32>
    %sub3A_311 = arith.subi %shift_right_logical3A_309, %sub3A_310 : vector<16xi32>
    %swap3A_312 = arith.constant 2 : i32
    %swap3A_313 = arith.index_cast %swap3A_312 : i32 to index
    %swap3A_314 = arith.constant 16 : index
    %swap3A_315 = tpu.vector_load %arg9[%swap3A_313, %swap3A_314] {strides = array<i32>} : memref<3x128xi32, #tpu.memory_space<vmem>>, vector<16xi32>,
    tpu.vector_store %arg9[%swap3A_313, %swap3A_314], %sub3A_311 {strides = array<i32>} : memref<3x128xi32, #tpu.memory_space<vmem>>, vector<16xi32>,
    %get3A_316 = arith.constant 2 : i32
    %get3A_317 = arith.index_cast %get3A_316 : i32 to index
    %get3A_318 = arith.constant 32 : index
    %get3A_319 = tpu.vector_load %arg8[%get3A_317, %get3A_318] {strides = array<i32>} : memref<3x128xi32, #tpu.memory_space<vmem>>, vector<16xi32>,
    %shift_right_logical3A_320 = arith.constant 16 : i32
    %shift_right_logical3A_321 = vector.broadcast %shift_right_logical3A_320 : i32 to vector<16xi32>
    %shift_right_logical3A_322 = arith.shrui %get3A_319, %shift_right_logical3A_321 : vector<16xi32>
    %sub3A_323 = vector.broadcast %mul3A_14 : i32 to vector<16xi32>
    %sub3A_324 = arith.subi %shift_right_logical3A_322, %sub3A_323 : vector<16xi32>
    %swap3A_325 = arith.constant 2 : i32
    %swap3A_326 = arith.index_cast %swap3A_325 : i32 to index
    %swap3A_327 = arith.constant 32 : index
    %swap3A_328 = tpu.vector_load %arg9[%swap3A_326, %swap3A_327] {strides = array<i32>} : memref<3x128xi32, #tpu.memory_space<vmem>>, vector<16xi32>,
    tpu.vector_store %arg9[%swap3A_326, %swap3A_327], %sub3A_324 {strides = array<i32>} : memref<3x128xi32, #tpu.memory_space<vmem>>, vector<16xi32>,
    %get3A_329 = arith.constant 2 : i32
    %get3A_330 = arith.index_cast %get3A_329 : i32 to index
    %get3A_331 = arith.constant 48 : index
    %get3A_332 = tpu.vector_load %arg8[%get3A_330, %get3A_331] {strides = array<i32>} : memref<3x128xi32, #tpu.memory_space<vmem>>, vector<16xi32>,
    %shift_right_logical3A_333 = arith.constant 16 : i32
    %shift_right_logical3A_334 = vector.broadcast %shift_right_logical3A_333 : i32 to vector<16xi32>
    %shift_right_logical3A_335 = arith.shrui %get3A_332, %shift_right_logical3A_334 : vector<16xi32>
    %sub3A_336 = vector.broadcast %mul3A_14 : i32 to vector<16xi32>
    %sub3A_337 = arith.subi %shift_right_logical3A_335, %sub3A_336 : vector<16xi32>
    %swap3A_338 = arith.constant 2 : i32
    %swap3A_339 = arith.index_cast %swap3A_338 : i32 to index
    %swap3A_340 = arith.constant 48 : index
    %swap3A_341 = tpu.vector_load %arg9[%swap3A_339, %swap3A_340] {strides = array<i32>} : memref<3x128xi32, #tpu.memory_space<vmem>>, vector<16xi32>,
    tpu.vector_store %arg9[%swap3A_339, %swap3A_340], %sub3A_337 {strides = array<i32>} : memref<3x128xi32, #tpu.memory_space<vmem>>, vector<16xi32>,
    %get3A_342 = arith.constant 2 : i32
    %get3A_343 = arith.index_cast %get3A_342 : i32 to index
    %get3A_344 = arith.constant 64 : index
    %get3A_345 = tpu.vector_load %arg8[%get3A_343, %get3A_344] {strides = array<i32>} : memref<3x128xi32, #tpu.memory_space<vmem>>, vector<16xi32>,
    %shift_right_logical3A_346 = arith.constant 16 : i32
    %shift_right_logical3A_347 = vector.broadcast %shift_right_logical3A_346 : i32 to vector<16xi32>
    %shift_right_logical3A_348 = arith.shrui %get3A_345, %shift_right_logical3A_347 : vector<16xi32>
    %sub3A_349 = vector.broadcast %mul3A_14 : i32 to vector<16xi32>
    %sub3A_350 = arith.subi %shift_right_logical3A_348, %sub3A_349 : vector<16xi32>
    %swap3A_351 = arith.constant 2 : i32
    %swap3A_352 = arith.index_cast %swap3A_351 : i32 to index
    %swap3A_353 = arith.constant 64 : index
    %swap3A_354 = tpu.vector_load %arg9[%swap3A_352, %swap3A_353] {strides = array<i32>} : memref<3x128xi32, #tpu.memory_space<vmem>>, vector<16xi32>,
    tpu.vector_store %arg9[%swap3A_352, %swap3A_353], %sub3A_350 {strides = array<i32>} : memref<3x128xi32, #tpu.memory_space<vmem>>, vector<16xi32>,
    %get3A_355 = arith.constant 2 : i32
    %get3A_356 = arith.index_cast %get3A_355 : i32 to index
    %get3A_357 = arith.constant 80 : index
    %get3A_358 = tpu.vector_load %arg8[%get3A_356, %get3A_357] {strides = array<i32>} : memref<3x128xi32, #tpu.memory_space<vmem>>, vector<16xi32>,
    %shift_right_logical3A_359 = arith.constant 16 : i32
    %shift_right_logical3A_360 = vector.broadcast %shift_right_logical3A_359 : i32 to vector<16xi32>
    %shift_right_logical3A_361 = arith.shrui %get3A_358, %shift_right_logical3A_360 : vector<16xi32>
    %sub3A_362 = vector.broadcast %mul3A_14 : i32 to vector<16xi32>
    %sub3A_363 = arith.subi %shift_right_logical3A_361, %sub3A_362 : vector<16xi32>
    %swap3A_364 = arith.constant 2 : i32
    %swap3A_365 = arith.index_cast %swap3A_364 : i32 to index
    %swap3A_366 = arith.constant 80 : index
    %swap3A_367 = tpu.vector_load %arg9[%swap3A_365, %swap3A_366] {strides = array<i32>} : memref<3x128xi32, #tpu.memory_space<vmem>>, vector<16xi32>,
    tpu.vector_store %arg9[%swap3A_365, %swap3A_366], %sub3A_363 {strides = array<i32>} : memref<3x128xi32, #tpu.memory_space<vmem>>, vector<16xi32>,
    %get3A_368 = arith.constant 2 : i32
    %get3A_369 = arith.index_cast %get3A_368 : i32 to index
    %get3A_370 = arith.constant 96 : index
    %get3A_371 = tpu.vector_load %arg8[%get3A_369, %get3A_370] {strides = array<i32>} : memref<3x128xi32, #tpu.memory_space<vmem>>, vector<16xi32>,
    %shift_right_logical3A_372 = arith.constant 16 : i32
    %shift_right_logical3A_373 = vector.broadcast %shift_right_logical3A_372 : i32 to vector<16xi32>
    %shift_right_logical3A_374 = arith.shrui %get3A_371, %shift_right_logical3A_373 : vector<16xi32>
    %sub3A_375 = vector.broadcast %mul3A_14 : i32 to vector<16xi32>
    %sub3A_376 = arith.subi %shift_right_logical3A_374, %sub3A_375 : vector<16xi32>
    %swap3A_377 = arith.constant 2 : i32
    %swap3A_378 = arith.index_cast %swap3A_377 : i32 to index
    %swap3A_379 = arith.constant 96 : index
    %swap3A_380 = tpu.vector_load %arg9[%swap3A_378, %swap3A_379] {strides = array<i32>} : memref<3x128xi32, #tpu.memory_space<vmem>>, vector<16xi32>,
    tpu.vector_store %arg9[%swap3A_378, %swap3A_379], %sub3A_376 {strides = array<i32>} : memref<3x128xi32, #tpu.memory_space<vmem>>, vector<16xi32>,
    %get3A_381 = arith.constant 2 : i32
    %get3A_382 = arith.index_cast %get3A_381 : i32 to index
    %get3A_383 = arith.constant 112 : index
    %get3A_384 = tpu.vector_load %arg8[%get3A_382, %get3A_383] {strides = array<i32>} : memref<3x128xi32, #tpu.memory_space<vmem>>, vector<16xi32>,
    %shift_right_logical3A_385 = arith.constant 16 : i32
    %shift_right_logical3A_386 = vector.broadcast %shift_right_logical3A_385 : i32 to vector<16xi32>
    %shift_right_logical3A_387 = arith.shrui %get3A_384, %shift_right_logical3A_386 : vector<16xi32>
    %sub3A_388 = vector.broadcast %mul3A_14 : i32 to vector<16xi32>
    %sub3A_389 = arith.subi %shift_right_logical3A_387, %sub3A_388 : vector<16xi32>
    %swap3A_390 = arith.constant 2 : i32
    %swap3A_391 = arith.index_cast %swap3A_390 : i32 to index
    %swap3A_392 = arith.constant 112 : index
    %swap3A_393 = tpu.vector_load %arg9[%swap3A_391, %swap3A_392] {strides = array<i32>} : memref<3x128xi32, #tpu.memory_space<vmem>>, vector<16xi32>,
    tpu.vector_store %arg9[%swap3A_391, %swap3A_392], %sub3A_389 {strides = array<i32>} : memref<3x128xi32, #tpu.memory_space<vmem>>, vector<16xi32>,
    %while3A = arith.constant 0 : i32
    %while3A_394 = arith.constant 0 : i32
    %while3A_395 = arith.subi %reduce_max3A_10, %while3A : i32
    %while3A_396 = arith.addi %while3A, %while3A_395 : i32
    %while3A_397 = arith.constant 1 : i32
    %while3A_398 = arith.divsi %while3A_395, %while3A_397 : i32
    %while3A_399 = arith.muli %while3A_398, %while3A_397 : i32
    %while3A_400 = arith.addi %while3A, %while3A_399 : i32
    %while3A_401 = arith.constant 1 : i32
    %while3A_402 = scf.for %while3A_521 = %while3A to %while3A_400 step %while3A_401 iter_args(%while3A_522 = %while3A_394) -> (i32)  : i32 {
      %mul3A_523 = arith.constant 2 : i32
      %mul3A_524 = arith.muli %mul3A_523, %while3A_521 : i32
      %add3A_525 = arith.constant 0 : i32
      %add3A_526 = arith.addi %mul3A_524, %add3A_525 : i32
      %gt3A = arith.constant 0 : i32
      %gt3A_527 = arith.cmpi sgt, %while3A_521, %gt3A : i32
      %convert_element_type3A = arith.extui %gt3A_527 : i1 to i32
      %cond3A = arith.constant 0 : i32
      %cond3A_528 = arith.cmpi ne, %convert_element_type3A, %cond3A : i32
      scf.if %cond3A_528 {
        %dma_wait3A_1223 = arith.constant 0 : i32
        %dma_wait3A_1224 = arith.constant 0 : i32
        %dma_wait3A_1225 = tpu.memref_slice %arg4[%dma_wait3A_1223, %dma_wait3A_1224] : memref<50176x48xf32, #tpu.memory_space<hbm>> -> memref<128x48xf32, #tpu.memory_space<hbm>>
        %dma_wait3A_1226 = arith.constant 0 : i32
        %dma_wait3A_1227 = arith.constant 0 : i32
        %dma_wait3A_1228 = tpu.memref_slice %arg4[%dma_wait3A_1226, %dma_wait3A_1227] : memref<50176x48xf32, #tpu.memory_space<hbm>> -> memref<128x48xf32, #tpu.memory_space<hbm>>
        tpu.wait_dma2 semaphore(%arg14 : memref<!tpu.dma_semaphore, #tpu.memory_space<semaphore_mem>>) src(%dma_wait3A_1228 : memref<128x48xf32, #tpu.memory_space<hbm>>) dst(%arg6 : memref<128x48xf32, #tpu.memory_space<vmem>>)
        %dma_wait3A_1229 = arith.constant 0 : i32
        %dma_wait3A_1230 = arith.constant 0 : i32
        %dma_wait3A_1231 = tpu.memref_slice %arg4[%dma_wait3A_1229, %dma_wait3A_1230] : memref<50176x48xf32, #tpu.memory_space<hbm>> -> memref<128x48xf32, #tpu.memory_space<hbm>>
        %dma_wait3A_1232 = arith.constant 0 : i32
        %dma_wait3A_1233 = arith.constant 0 : i32
        %dma_wait3A_1234 = tpu.memref_slice %arg4[%dma_wait3A_1232, %dma_wait3A_1233] : memref<50176x48xf32, #tpu.memory_space<hbm>> -> memref<128x48xf32, #tpu.memory_space<hbm>>
        tpu.wait_dma2 semaphore(%arg14 : memref<!tpu.dma_semaphore, #tpu.memory_space<semaphore_mem>>) src(%dma_wait3A_1234 : memref<128x48xf32, #tpu.memory_space<hbm>>) dst(%arg6 : memref<128x48xf32, #tpu.memory_space<vmem>>)
        %dma_wait3A_1235 = arith.constant 0 : i32
        %dma_wait3A_1236 = arith.constant 0 : i32
        %dma_wait3A_1237 = tpu.memref_slice %arg4[%dma_wait3A_1235, %dma_wait3A_1236] : memref<50176x48xf32, #tpu.memory_space<hbm>> -> memref<128x48xf32, #tpu.memory_space<hbm>>
        %dma_wait3A_1238 = arith.constant 0 : i32
        %dma_wait3A_1239 = arith.constant 0 : i32
        %dma_wait3A_1240 = tpu.memref_slice %arg4[%dma_wait3A_1238, %dma_wait3A_1239] : memref<50176x48xf32, #tpu.memory_space<hbm>> -> memref<128x48xf32, #tpu.memory_space<hbm>>
        tpu.wait_dma2 semaphore(%arg14 : memref<!tpu.dma_semaphore, #tpu.memory_space<semaphore_mem>>) src(%dma_wait3A_1240 : memref<128x48xf32, #tpu.memory_space<hbm>>) dst(%arg6 : memref<128x48xf32, #tpu.memory_space<vmem>>)
      } else {
      }
      %add3A_529 = arith.constant 1 : i32
      %add3A_530 = arith.addi %add3A_526, %add3A_529 : i32
      %add3A_531 = arith.addi %mul3A_12, %add3A_530 : i32
      "tpu.region"() ({
        %run_scoped3A = tpu.sem_alloc : memref<!tpu.dma_semaphore, #tpu.memory_space<semaphore_mem>>
        %dma_start3A_1223 = arith.constant 0 : i32
        %dma_start3A_1224 = arith.constant 0 : i32
        %dma_start3A_1225 = tpu.memref_slice %arg2[%arg0, %add3A_531, %dma_start3A_1223, %dma_start3A_1224] : memref<2x4193x3x128xi32, #tpu.memory_space<hbm>> -> memref<1x1x3x128xi32, #tpu.memory_space<hbm>>
        %dma_start3A_1226 = tpu.memref_squeeze %dma_start3A_1225 : memref<1x1x3x128xi32, #tpu.memory_space<hbm>> -> memref<3x128xi32, #tpu.memory_space<hbm>>
        %dma_start3A_1227 = arith.constant 0 : i32
        %dma_start3A_1228 = arith.constant 0 : i32
        %dma_start3A_1229 = tpu.memref_slice %arg2[%arg0, %add3A_531, %dma_start3A_1227, %dma_start3A_1228] : memref<2x4193x3x128xi32, #tpu.memory_space<hbm>> -> memref<1x1x3x128xi32, #tpu.memory_space<hbm>>
        %dma_start3A_1230 = tpu.memref_squeeze %dma_start3A_1229 : memref<1x1x3x128xi32, #tpu.memory_space<hbm>> -> memref<3x128xi32, #tpu.memory_space<hbm>>
        tpu.enqueue_dma source(%dma_start3A_1230 : memref<3x128xi32, #tpu.memory_space<hbm>>) target(%arg10 : memref<3x128xi32, #tpu.memory_space<vmem>>) target_semaphore(%run_scoped3A : memref<!tpu.dma_semaphore, #tpu.memory_space<semaphore_mem>>)
        %dma_wait3A_1231 = arith.constant 0 : i32
        %dma_wait3A_1232 = arith.constant 0 : i32
        %dma_wait3A_1233 = tpu.memref_slice %arg2[%arg0, %add3A_531, %dma_wait3A_1231, %dma_wait3A_1232] : memref<2x4193x3x128xi32, #tpu.memory_space<hbm>> -> memref<1x1x3x128xi32, #tpu.memory_space<hbm>>
        %dma_wait3A_1234 = tpu.memref_squeeze %dma_wait3A_1233 : memref<1x1x3x128xi32, #tpu.memory_space<hbm>> -> memref<3x128xi32, #tpu.memory_space<hbm>>
        %dma_wait3A_1235 = arith.constant 0 : i32
        %dma_wait3A_1236 = arith.constant 0 : i32
        %dma_wait3A_1237 = tpu.memref_slice %arg2[%arg0, %add3A_531, %dma_wait3A_1235, %dma_wait3A_1236] : memref<2x4193x3x128xi32, #tpu.memory_space<hbm>> -> memref<1x1x3x128xi32, #tpu.memory_space<hbm>>
        %dma_wait3A_1238 = tpu.memref_squeeze %dma_wait3A_1237 : memref<1x1x3x128xi32, #tpu.memory_space<hbm>> -> memref<3x128xi32, #tpu.memory_space<hbm>>
        tpu.wait_dma2 semaphore(%run_scoped3A : memref<!tpu.dma_semaphore, #tpu.memory_space<semaphore_mem>>) src(%dma_wait3A_1238 : memref<3x128xi32, #tpu.memory_space<hbm>>) dst(%arg10 : memref<3x128xi32, #tpu.memory_space<vmem>>)
        tpu.yield
      }) : () -> ()
      %get3A_532 = arith.constant 0 : i32
      %get3A_533 = arith.index_cast %get3A_532 : i32 to index
      %get3A_534 = arith.constant 0 : index
      %get3A_535 = tpu.vector_load %arg10[%get3A_533, %get3A_534] {strides = array<i32>} : memref<3x128xi32, #tpu.memory_space<vmem>>, vector<16xi32>,
      %shift_right_logical3A_536 = arith.constant 16 : i32
      %shift_right_logical3A_537 = vector.broadcast %shift_right_logical3A_536 : i32 to vector<16xi32>
      %shift_right_logical3A_538 = arith.shrui %get3A_535, %shift_right_logical3A_537 : vector<16xi32>
      %sub3A_539 = vector.broadcast %mul3A_14 : i32 to vector<16xi32>
      %sub3A_540 = arith.subi %shift_right_logical3A_538, %sub3A_539 : vector<16xi32>
      %swap3A_541 = arith.constant 0 : i32
      %swap3A_542 = arith.index_cast %swap3A_541 : i32 to index
      %swap3A_543 = arith.constant 0 : index
      %swap3A_544 = tpu.vector_load %arg11[%swap3A_542, %swap3A_543] {strides = array<i32>} : memref<3x128xi32, #tpu.memory_space<vmem>>, vector<16xi32>,
      tpu.vector_store %arg11[%swap3A_542, %swap3A_543], %sub3A_540 {strides = array<i32>} : memref<3x128xi32, #tpu.memory_space<vmem>>, vector<16xi32>,
      %get3A_545 = arith.constant 0 : i32
      %get3A_546 = arith.index_cast %get3A_545 : i32 to index
      %get3A_547 = arith.constant 16 : index
      %get3A_548 = tpu.vector_load %arg10[%get3A_546, %get3A_547] {strides = array<i32>} : memref<3x128xi32, #tpu.memory_space<vmem>>, vector<16xi32>,
      %shift_right_logical3A_549 = arith.constant 16 : i32
      %shift_right_logical3A_550 = vector.broadcast %shift_right_logical3A_549 : i32 to vector<16xi32>
      %shift_right_logical3A_551 = arith.shrui %get3A_548, %shift_right_logical3A_550 : vector<16xi32>
      %sub3A_552 = vector.broadcast %mul3A_14 : i32 to vector<16xi32>
      %sub3A_553 = arith.subi %shift_right_logical3A_551, %sub3A_552 : vector<16xi32>
      %swap3A_554 = arith.constant 0 : i32
      %swap3A_555 = arith.index_cast %swap3A_554 : i32 to index
      %swap3A_556 = arith.constant 16 : index
      %swap3A_557 = tpu.vector_load %arg11[%swap3A_555, %swap3A_556] {strides = array<i32>} : memref<3x128xi32, #tpu.memory_space<vmem>>, vector<16xi32>,
      tpu.vector_store %arg11[%swap3A_555, %swap3A_556], %sub3A_553 {strides = array<i32>} : memref<3x128xi32, #tpu.memory_space<vmem>>, vector<16xi32>,
      %get3A_558 = arith.constant 0 : i32
      %get3A_559 = arith.index_cast %get3A_558 : i32 to index
      %get3A_560 = arith.constant 32 : index
      %get3A_561 = tpu.vector_load %arg10[%get3A_559, %get3A_560] {strides = array<i32>} : memref<3x128xi32, #tpu.memory_space<vmem>>, vector<16xi32>,
      %shift_right_logical3A_562 = arith.constant 16 : i32
      %shift_right_logical3A_563 = vector.broadcast %shift_right_logical3A_562 : i32 to vector<16xi32>
      %shift_right_logical3A_564 = arith.shrui %get3A_561, %shift_right_logical3A_563 : vector<16xi32>
      %sub3A_565 = vector.broadcast %mul3A_14 : i32 to vector<16xi32>
      %sub3A_566 = arith.subi %shift_right_logical3A_564, %sub3A_565 : vector<16xi32>
      %swap3A_567 = arith.constant 0 : i32
      %swap3A_568 = arith.index_cast %swap3A_567 : i32 to index
      %swap3A_569 = arith.constant 32 : index
      %swap3A_570 = tpu.vector_load %arg11[%swap3A_568, %swap3A_569] {strides = array<i32>} : memref<3x128xi32, #tpu.memory_space<vmem>>, vector<16xi32>,
      tpu.vector_store %arg11[%swap3A_568, %swap3A_569], %sub3A_566 {strides = array<i32>} : memref<3x128xi32, #tpu.memory_space<vmem>>, vector<16xi32>,
      %get3A_571 = arith.constant 0 : i32
      %get3A_572 = arith.index_cast %get3A_571 : i32 to index
      %get3A_573 = arith.constant 48 : index
      %get3A_574 = tpu.vector_load %arg10[%get3A_572, %get3A_573] {strides = array<i32>} : memref<3x128xi32, #tpu.memory_space<vmem>>, vector<16xi32>,
      %shift_right_logical3A_575 = arith.constant 16 : i32
      %shift_right_logical3A_576 = vector.broadcast %shift_right_logical3A_575 : i32 to vector<16xi32>
      %shift_right_logical3A_577 = arith.shrui %get3A_574, %shift_right_logical3A_576 : vector<16xi32>
      %sub3A_578 = vector.broadcast %mul3A_14 : i32 to vector<16xi32>
      %sub3A_579 = arith.subi %shift_right_logical3A_577, %sub3A_578 : vector<16xi32>
      %swap3A_580 = arith.constant 0 : i32
      %swap3A_581 = arith.index_cast %swap3A_580 : i32 to index
      %swap3A_582 = arith.constant 48 : index
      %swap3A_583 = tpu.vector_load %arg11[%swap3A_581, %swap3A_582] {strides = array<i32>} : memref<3x128xi32, #tpu.memory_space<vmem>>, vector<16xi32>,
      tpu.vector_store %arg11[%swap3A_581, %swap3A_582], %sub3A_579 {strides = array<i32>} : memref<3x128xi32, #tpu.memory_space<vmem>>, vector<16xi32>,
      %get3A_584 = arith.constant 0 : i32
      %get3A_585 = arith.index_cast %get3A_584 : i32 to index
      %get3A_586 = arith.constant 64 : index
      %get3A_587 = tpu.vector_load %arg10[%get3A_585, %get3A_586] {strides = array<i32>} : memref<3x128xi32, #tpu.memory_space<vmem>>, vector<16xi32>,
      %shift_right_logical3A_588 = arith.constant 16 : i32
      %shift_right_logical3A_589 = vector.broadcast %shift_right_logical3A_588 : i32 to vector<16xi32>
      %shift_right_logical3A_590 = arith.shrui %get3A_587, %shift_right_logical3A_589 : vector<16xi32>
      %sub3A_591 = vector.broadcast %mul3A_14 : i32 to vector<16xi32>
      %sub3A_592 = arith.subi %shift_right_logical3A_590, %sub3A_591 : vector<16xi32>
      %swap3A_593 = arith.constant 0 : i32
      %swap3A_594 = arith.index_cast %swap3A_593 : i32 to index
      %swap3A_595 = arith.constant 64 : index
      %swap3A_596 = tpu.vector_load %arg11[%swap3A_594, %swap3A_595] {strides = array<i32>} : memref<3x128xi32, #tpu.memory_space<vmem>>, vector<16xi32>,
      tpu.vector_store %arg11[%swap3A_594, %swap3A_595], %sub3A_592 {strides = array<i32>} : memref<3x128xi32, #tpu.memory_space<vmem>>, vector<16xi32>,
      %get3A_597 = arith.constant 0 : i32
      %get3A_598 = arith.index_cast %get3A_597 : i32 to index
      %get3A_599 = arith.constant 80 : index
      %get3A_600 = tpu.vector_load %arg10[%get3A_598, %get3A_599] {strides = array<i32>} : memref<3x128xi32, #tpu.memory_space<vmem>>, vector<16xi32>,
      %shift_right_logical3A_601 = arith.constant 16 : i32
      %shift_right_logical3A_602 = vector.broadcast %shift_right_logical3A_601 : i32 to vector<16xi32>
      %shift_right_logical3A_603 = arith.shrui %get3A_600, %shift_right_logical3A_602 : vector<16xi32>
      %sub3A_604 = vector.broadcast %mul3A_14 : i32 to vector<16xi32>
      %sub3A_605 = arith.subi %shift_right_logical3A_603, %sub3A_604 : vector<16xi32>
      %swap3A_606 = arith.constant 0 : i32
      %swap3A_607 = arith.index_cast %swap3A_606 : i32 to index
      %swap3A_608 = arith.constant 80 : index
      %swap3A_609 = tpu.vector_load %arg11[%swap3A_607, %swap3A_608] {strides = array<i32>} : memref<3x128xi32, #tpu.memory_space<vmem>>, vector<16xi32>,
      tpu.vector_store %arg11[%swap3A_607, %swap3A_608], %sub3A_605 {strides = array<i32>} : memref<3x128xi32, #tpu.memory_space<vmem>>, vector<16xi32>,
      %get3A_610 = arith.constant 0 : i32
      %get3A_611 = arith.index_cast %get3A_610 : i32 to index
      %get3A_612 = arith.constant 96 : index
      %get3A_613 = tpu.vector_load %arg10[%get3A_611, %get3A_612] {strides = array<i32>} : memref<3x128xi32, #tpu.memory_space<vmem>>, vector<16xi32>,
      %shift_right_logical3A_614 = arith.constant 16 : i32
      %shift_right_logical3A_615 = vector.broadcast %shift_right_logical3A_614 : i32 to vector<16xi32>
      %shift_right_logical3A_616 = arith.shrui %get3A_613, %shift_right_logical3A_615 : vector<16xi32>
      %sub3A_617 = vector.broadcast %mul3A_14 : i32 to vector<16xi32>
      %sub3A_618 = arith.subi %shift_right_logical3A_616, %sub3A_617 : vector<16xi32>
      %swap3A_619 = arith.constant 0 : i32
      %swap3A_620 = arith.index_cast %swap3A_619 : i32 to index
      %swap3A_621 = arith.constant 96 : index
      %swap3A_622 = tpu.vector_load %arg11[%swap3A_620, %swap3A_621] {strides = array<i32>} : memref<3x128xi32, #tpu.memory_space<vmem>>, vector<16xi32>,
      tpu.vector_store %arg11[%swap3A_620, %swap3A_621], %sub3A_618 {strides = array<i32>} : memref<3x128xi32, #tpu.memory_space<vmem>>, vector<16xi32>,
      %get3A_623 = arith.constant 0 : i32
      %get3A_624 = arith.index_cast %get3A_623 : i32 to index
      %get3A_625 = arith.constant 112 : index
      %get3A_626 = tpu.vector_load %arg10[%get3A_624, %get3A_625] {strides = array<i32>} : memref<3x128xi32, #tpu.memory_space<vmem>>, vector<16xi32>,
      %shift_right_logical3A_627 = arith.constant 16 : i32
      %shift_right_logical3A_628 = vector.broadcast %shift_right_logical3A_627 : i32 to vector<16xi32>
      %shift_right_logical3A_629 = arith.shrui %get3A_626, %shift_right_logical3A_628 : vector<16xi32>
      %sub3A_630 = vector.broadcast %mul3A_14 : i32 to vector<16xi32>
      %sub3A_631 = arith.subi %shift_right_logical3A_629, %sub3A_630 : vector<16xi32>
      %swap3A_632 = arith.constant 0 : i32
      %swap3A_633 = arith.index_cast %swap3A_632 : i32 to index
      %swap3A_634 = arith.constant 112 : index
      %swap3A_635 = tpu.vector_load %arg11[%swap3A_633, %swap3A_634] {strides = array<i32>} : memref<3x128xi32, #tpu.memory_space<vmem>>, vector<16xi32>,
      tpu.vector_store %arg11[%swap3A_633, %swap3A_634], %sub3A_631 {strides = array<i32>} : memref<3x128xi32, #tpu.memory_space<vmem>>, vector<16xi32>,
      %get3A_636 = arith.constant 1 : i32
      %get3A_637 = arith.index_cast %get3A_636 : i32 to index
      %get3A_638 = arith.constant 0 : index
      %get3A_639 = tpu.vector_load %arg10[%get3A_637, %get3A_638] {strides = array<i32>} : memref<3x128xi32, #tpu.memory_space<vmem>>, vector<16xi32>,
      %shift_right_logical3A_640 = arith.constant 16 : i32
      %shift_right_logical3A_641 = vector.broadcast %shift_right_logical3A_640 : i32 to vector<16xi32>
      %shift_right_logical3A_642 = arith.shrui %get3A_639, %shift_right_logical3A_641 : vector<16xi32>
      %sub3A_643 = vector.broadcast %mul3A_14 : i32 to vector<16xi32>
      %sub3A_644 = arith.subi %shift_right_logical3A_642, %sub3A_643 : vector<16xi32>
      %swap3A_645 = arith.constant 1 : i32
      %swap3A_646 = arith.index_cast %swap3A_645 : i32 to index
      %swap3A_647 = arith.constant 0 : index
      %swap3A_648 = tpu.vector_load %arg11[%swap3A_646, %swap3A_647] {strides = array<i32>} : memref<3x128xi32, #tpu.memory_space<vmem>>, vector<16xi32>,
      tpu.vector_store %arg11[%swap3A_646, %swap3A_647], %sub3A_644 {strides = array<i32>} : memref<3x128xi32, #tpu.memory_space<vmem>>, vector<16xi32>,
      %get3A_649 = arith.constant 1 : i32
      %get3A_650 = arith.index_cast %get3A_649 : i32 to index
      %get3A_651 = arith.constant 16 : index
      %get3A_652 = tpu.vector_load %arg10[%get3A_650, %get3A_651] {strides = array<i32>} : memref<3x128xi32, #tpu.memory_space<vmem>>, vector<16xi32>,
      %shift_right_logical3A_653 = arith.constant 16 : i32
      %shift_right_logical3A_654 = vector.broadcast %shift_right_logical3A_653 : i32 to vector<16xi32>
      %shift_right_logical3A_655 = arith.shrui %get3A_652, %shift_right_logical3A_654 : vector<16xi32>
      %sub3A_656 = vector.broadcast %mul3A_14 : i32 to vector<16xi32>
      %sub3A_657 = arith.subi %shift_right_logical3A_655, %sub3A_656 : vector<16xi32>
      %swap3A_658 = arith.constant 1 : i32
      %swap3A_659 = arith.index_cast %swap3A_658 : i32 to index
      %swap3A_660 = arith.constant 16 : index
      %swap3A_661 = tpu.vector_load %arg11[%swap3A_659, %swap3A_660] {strides = array<i32>} : memref<3x128xi32, #tpu.memory_space<vmem>>, vector<16xi32>,
      tpu.vector_store %arg11[%swap3A_659, %swap3A_660], %sub3A_657 {strides = array<i32>} : memref<3x128xi32, #tpu.memory_space<vmem>>, vector<16xi32>,
      %get3A_662 = arith.constant 1 : i32
      %get3A_663 = arith.index_cast %get3A_662 : i32 to index
      %get3A_664 = arith.constant 32 : index
      %get3A_665 = tpu.vector_load %arg10[%get3A_663, %get3A_664] {strides = array<i32>} : memref<3x128xi32, #tpu.memory_space<vmem>>, vector<16xi32>,
      %shift_right_logical3A_666 = arith.constant 16 : i32
      %shift_right_logical3A_667 = vector.broadcast %shift_right_logical3A_666 : i32 to vector<16xi32>
      %shift_right_logical3A_668 = arith.shrui %get3A_665, %shift_right_logical3A_667 : vector<16xi32>
      %sub3A_669 = vector.broadcast %mul3A_14 : i32 to vector<16xi32>
      %sub3A_670 = arith.subi %shift_right_logical3A_668, %sub3A_669 : vector<16xi32>
      %swap3A_671 = arith.constant 1 : i32
      %swap3A_672 = arith.index_cast %swap3A_671 : i32 to index
      %swap3A_673 = arith.constant 32 : index
      %swap3A_674 = tpu.vector_load %arg11[%swap3A_672, %swap3A_673] {strides = array<i32>} : memref<3x128xi32, #tpu.memory_space<vmem>>, vector<16xi32>,
      tpu.vector_store %arg11[%swap3A_672, %swap3A_673], %sub3A_670 {strides = array<i32>} : memref<3x128xi32, #tpu.memory_space<vmem>>, vector<16xi32>,
      %get3A_675 = arith.constant 1 : i32
      %get3A_676 = arith.index_cast %get3A_675 : i32 to index
      %get3A_677 = arith.constant 48 : index
      %get3A_678 = tpu.vector_load %arg10[%get3A_676, %get3A_677] {strides = array<i32>} : memref<3x128xi32, #tpu.memory_space<vmem>>, vector<16xi32>,
      %shift_right_logical3A_679 = arith.constant 16 : i32
      %shift_right_logical3A_680 = vector.broadcast %shift_right_logical3A_679 : i32 to vector<16xi32>
      %shift_right_logical3A_681 = arith.shrui %get3A_678, %shift_right_logical3A_680 : vector<16xi32>
      %sub3A_682 = vector.broadcast %mul3A_14 : i32 to vector<16xi32>
      %sub3A_683 = arith.subi %shift_right_logical3A_681, %sub3A_682 : vector<16xi32>
      %swap3A_684 = arith.constant 1 : i32
      %swap3A_685 = arith.index_cast %swap3A_684 : i32 to index
      %swap3A_686 = arith.constant 48 : index
      %swap3A_687 = tpu.vector_load %arg11[%swap3A_685, %swap3A_686] {strides = array<i32>} : memref<3x128xi32, #tpu.memory_space<vmem>>, vector<16xi32>,
      tpu.vector_store %arg11[%swap3A_685, %swap3A_686], %sub3A_683 {strides = array<i32>} : memref<3x128xi32, #tpu.memory_space<vmem>>, vector<16xi32>,
      %get3A_688 = arith.constant 1 : i32
      %get3A_689 = arith.index_cast %get3A_688 : i32 to index
      %get3A_690 = arith.constant 64 : index
      %get3A_691 = tpu.vector_load %arg10[%get3A_689, %get3A_690] {strides = array<i32>} : memref<3x128xi32, #tpu.memory_space<vmem>>, vector<16xi32>,
      %shift_right_logical3A_692 = arith.constant 16 : i32
      %shift_right_logical3A_693 = vector.broadcast %shift_right_logical3A_692 : i32 to vector<16xi32>
      %shift_right_logical3A_694 = arith.shrui %get3A_691, %shift_right_logical3A_693 : vector<16xi32>
      %sub3A_695 = vector.broadcast %mul3A_14 : i32 to vector<16xi32>
      %sub3A_696 = arith.subi %shift_right_logical3A_694, %sub3A_695 : vector<16xi32>
      %swap3A_697 = arith.constant 1 : i32
      %swap3A_698 = arith.index_cast %swap3A_697 : i32 to index
      %swap3A_699 = arith.constant 64 : index
      %swap3A_700 = tpu.vector_load %arg11[%swap3A_698, %swap3A_699] {strides = array<i32>} : memref<3x128xi32, #tpu.memory_space<vmem>>, vector<16xi32>,
      tpu.vector_store %arg11[%swap3A_698, %swap3A_699], %sub3A_696 {strides = array<i32>} : memref<3x128xi32, #tpu.memory_space<vmem>>, vector<16xi32>,
      %get3A_701 = arith.constant 1 : i32
      %get3A_702 = arith.index_cast %get3A_701 : i32 to index
      %get3A_703 = arith.constant 80 : index
      %get3A_704 = tpu.vector_load %arg10[%get3A_702, %get3A_703] {strides = array<i32>} : memref<3x128xi32, #tpu.memory_space<vmem>>, vector<16xi32>,
      %shift_right_logical3A_705 = arith.constant 16 : i32
      %shift_right_logical3A_706 = vector.broadcast %shift_right_logical3A_705 : i32 to vector<16xi32>
      %shift_right_logical3A_707 = arith.shrui %get3A_704, %shift_right_logical3A_706 : vector<16xi32>
      %sub3A_708 = vector.broadcast %mul3A_14 : i32 to vector<16xi32>
      %sub3A_709 = arith.subi %shift_right_logical3A_707, %sub3A_708 : vector<16xi32>
      %swap3A_710 = arith.constant 1 : i32
      %swap3A_711 = arith.index_cast %swap3A_710 : i32 to index
      %swap3A_712 = arith.constant 80 : index
      %swap3A_713 = tpu.vector_load %arg11[%swap3A_711, %swap3A_712] {strides = array<i32>} : memref<3x128xi32, #tpu.memory_space<vmem>>, vector<16xi32>,
      tpu.vector_store %arg11[%swap3A_711, %swap3A_712], %sub3A_709 {strides = array<i32>} : memref<3x128xi32, #tpu.memory_space<vmem>>, vector<16xi32>,
      %get3A_714 = arith.constant 1 : i32
      %get3A_715 = arith.index_cast %get3A_714 : i32 to index
      %get3A_716 = arith.constant 96 : index
      %get3A_717 = tpu.vector_load %arg10[%get3A_715, %get3A_716] {strides = array<i32>} : memref<3x128xi32, #tpu.memory_space<vmem>>, vector<16xi32>,
      %shift_right_logical3A_718 = arith.constant 16 : i32
      %shift_right_logical3A_719 = vector.broadcast %shift_right_logical3A_718 : i32 to vector<16xi32>
      %shift_right_logical3A_720 = arith.shrui %get3A_717, %shift_right_logical3A_719 : vector<16xi32>
      %sub3A_721 = vector.broadcast %mul3A_14 : i32 to vector<16xi32>
      %sub3A_722 = arith.subi %shift_right_logical3A_720, %sub3A_721 : vector<16xi32>
      %swap3A_723 = arith.constant 1 : i32
      %swap3A_724 = arith.index_cast %swap3A_723 : i32 to index
      %swap3A_725 = arith.constant 96 : index
      %swap3A_726 = tpu.vector_load %arg11[%swap3A_724, %swap3A_725] {strides = array<i32>} : memref<3x128xi32, #tpu.memory_space<vmem>>, vector<16xi32>,
      tpu.vector_store %arg11[%swap3A_724, %swap3A_725], %sub3A_722 {strides = array<i32>} : memref<3x128xi32, #tpu.memory_space<vmem>>, vector<16xi32>,
      %get3A_727 = arith.constant 1 : i32
      %get3A_728 = arith.index_cast %get3A_727 : i32 to index
      %get3A_729 = arith.constant 112 : index
      %get3A_730 = tpu.vector_load %arg10[%get3A_728, %get3A_729] {strides = array<i32>} : memref<3x128xi32, #tpu.memory_space<vmem>>, vector<16xi32>,
      %shift_right_logical3A_731 = arith.constant 16 : i32
      %shift_right_logical3A_732 = vector.broadcast %shift_right_logical3A_731 : i32 to vector<16xi32>
      %shift_right_logical3A_733 = arith.shrui %get3A_730, %shift_right_logical3A_732 : vector<16xi32>
      %sub3A_734 = vector.broadcast %mul3A_14 : i32 to vector<16xi32>
      %sub3A_735 = arith.subi %shift_right_logical3A_733, %sub3A_734 : vector<16xi32>
      %swap3A_736 = arith.constant 1 : i32
      %swap3A_737 = arith.index_cast %swap3A_736 : i32 to index
      %swap3A_738 = arith.constant 112 : index
      %swap3A_739 = tpu.vector_load %arg11[%swap3A_737, %swap3A_738] {strides = array<i32>} : memref<3x128xi32, #tpu.memory_space<vmem>>, vector<16xi32>,
      tpu.vector_store %arg11[%swap3A_737, %swap3A_738], %sub3A_735 {strides = array<i32>} : memref<3x128xi32, #tpu.memory_space<vmem>>, vector<16xi32>,
      %get3A_740 = arith.constant 2 : i32
      %get3A_741 = arith.index_cast %get3A_740 : i32 to index
      %get3A_742 = arith.constant 0 : index
      %get3A_743 = tpu.vector_load %arg10[%get3A_741, %get3A_742] {strides = array<i32>} : memref<3x128xi32, #tpu.memory_space<vmem>>, vector<16xi32>,
      %shift_right_logical3A_744 = arith.constant 16 : i32
      %shift_right_logical3A_745 = vector.broadcast %shift_right_logical3A_744 : i32 to vector<16xi32>
      %shift_right_logical3A_746 = arith.shrui %get3A_743, %shift_right_logical3A_745 : vector<16xi32>
      %sub3A_747 = vector.broadcast %mul3A_14 : i32 to vector<16xi32>
      %sub3A_748 = arith.subi %shift_right_logical3A_746, %sub3A_747 : vector<16xi32>
      %swap3A_749 = arith.constant 2 : i32
      %swap3A_750 = arith.index_cast %swap3A_749 : i32 to index
      %swap3A_751 = arith.constant 0 : index
      %swap3A_752 = tpu.vector_load %arg11[%swap3A_750, %swap3A_751] {strides = array<i32>} : memref<3x128xi32, #tpu.memory_space<vmem>>, vector<16xi32>,
      tpu.vector_store %arg11[%swap3A_750, %swap3A_751], %sub3A_748 {strides = array<i32>} : memref<3x128xi32, #tpu.memory_space<vmem>>, vector<16xi32>,
      %get3A_753 = arith.constant 2 : i32
      %get3A_754 = arith.index_cast %get3A_753 : i32 to index
      %get3A_755 = arith.constant 16 : index
      %get3A_756 = tpu.vector_load %arg10[%get3A_754, %get3A_755] {strides = array<i32>} : memref<3x128xi32, #tpu.memory_space<vmem>>, vector<16xi32>,
      %shift_right_logical3A_757 = arith.constant 16 : i32
      %shift_right_logical3A_758 = vector.broadcast %shift_right_logical3A_757 : i32 to vector<16xi32>
      %shift_right_logical3A_759 = arith.shrui %get3A_756, %shift_right_logical3A_758 : vector<16xi32>
      %sub3A_760 = vector.broadcast %mul3A_14 : i32 to vector<16xi32>
      %sub3A_761 = arith.subi %shift_right_logical3A_759, %sub3A_760 : vector<16xi32>
      %swap3A_762 = arith.constant 2 : i32
      %swap3A_763 = arith.index_cast %swap3A_762 : i32 to index
      %swap3A_764 = arith.constant 16 : index
      %swap3A_765 = tpu.vector_load %arg11[%swap3A_763, %swap3A_764] {strides = array<i32>} : memref<3x128xi32, #tpu.memory_space<vmem>>, vector<16xi32>,
      tpu.vector_store %arg11[%swap3A_763, %swap3A_764], %sub3A_761 {strides = array<i32>} : memref<3x128xi32, #tpu.memory_space<vmem>>, vector<16xi32>,
      %get3A_766 = arith.constant 2 : i32
      %get3A_767 = arith.index_cast %get3A_766 : i32 to index
      %get3A_768 = arith.constant 32 : index
      %get3A_769 = tpu.vector_load %arg10[%get3A_767, %get3A_768] {strides = array<i32>} : memref<3x128xi32, #tpu.memory_space<vmem>>, vector<16xi32>,
      %shift_right_logical3A_770 = arith.constant 16 : i32
      %shift_right_logical3A_771 = vector.broadcast %shift_right_logical3A_770 : i32 to vector<16xi32>
      %shift_right_logical3A_772 = arith.shrui %get3A_769, %shift_right_logical3A_771 : vector<16xi32>
      %sub3A_773 = vector.broadcast %mul3A_14 : i32 to vector<16xi32>
      %sub3A_774 = arith.subi %shift_right_logical3A_772, %sub3A_773 : vector<16xi32>
      %swap3A_775 = arith.constant 2 : i32
      %swap3A_776 = arith.index_cast %swap3A_775 : i32 to index
      %swap3A_777 = arith.constant 32 : index
      %swap3A_778 = tpu.vector_load %arg11[%swap3A_776, %swap3A_777] {strides = array<i32>} : memref<3x128xi32, #tpu.memory_space<vmem>>, vector<16xi32>,
      tpu.vector_store %arg11[%swap3A_776, %swap3A_777], %sub3A_774 {strides = array<i32>} : memref<3x128xi32, #tpu.memory_space<vmem>>, vector<16xi32>,
      %get3A_779 = arith.constant 2 : i32
      %get3A_780 = arith.index_cast %get3A_779 : i32 to index
      %get3A_781 = arith.constant 48 : index
      %get3A_782 = tpu.vector_load %arg10[%get3A_780, %get3A_781] {strides = array<i32>} : memref<3x128xi32, #tpu.memory_space<vmem>>, vector<16xi32>,
      %shift_right_logical3A_783 = arith.constant 16 : i32
      %shift_right_logical3A_784 = vector.broadcast %shift_right_logical3A_783 : i32 to vector<16xi32>
      %shift_right_logical3A_785 = arith.shrui %get3A_782, %shift_right_logical3A_784 : vector<16xi32>
      %sub3A_786 = vector.broadcast %mul3A_14 : i32 to vector<16xi32>
      %sub3A_787 = arith.subi %shift_right_logical3A_785, %sub3A_786 : vector<16xi32>
      %swap3A_788 = arith.constant 2 : i32
      %swap3A_789 = arith.index_cast %swap3A_788 : i32 to index
      %swap3A_790 = arith.constant 48 : index
      %swap3A_791 = tpu.vector_load %arg11[%swap3A_789, %swap3A_790] {strides = array<i32>} : memref<3x128xi32, #tpu.memory_space<vmem>>, vector<16xi32>,
      tpu.vector_store %arg11[%swap3A_789, %swap3A_790], %sub3A_787 {strides = array<i32>} : memref<3x128xi32, #tpu.memory_space<vmem>>, vector<16xi32>,
      %get3A_792 = arith.constant 2 : i32
      %get3A_793 = arith.index_cast %get3A_792 : i32 to index
      %get3A_794 = arith.constant 64 : index
      %get3A_795 = tpu.vector_load %arg10[%get3A_793, %get3A_794] {strides = array<i32>} : memref<3x128xi32, #tpu.memory_space<vmem>>, vector<16xi32>,
      %shift_right_logical3A_796 = arith.constant 16 : i32
      %shift_right_logical3A_797 = vector.broadcast %shift_right_logical3A_796 : i32 to vector<16xi32>
      %shift_right_logical3A_798 = arith.shrui %get3A_795, %shift_right_logical3A_797 : vector<16xi32>
      %sub3A_799 = vector.broadcast %mul3A_14 : i32 to vector<16xi32>
      %sub3A_800 = arith.subi %shift_right_logical3A_798, %sub3A_799 : vector<16xi32>
      %swap3A_801 = arith.constant 2 : i32
      %swap3A_802 = arith.index_cast %swap3A_801 : i32 to index
      %swap3A_803 = arith.constant 64 : index
      %swap3A_804 = tpu.vector_load %arg11[%swap3A_802, %swap3A_803] {strides = array<i32>} : memref<3x128xi32, #tpu.memory_space<vmem>>, vector<16xi32>,
      tpu.vector_store %arg11[%swap3A_802, %swap3A_803], %sub3A_800 {strides = array<i32>} : memref<3x128xi32, #tpu.memory_space<vmem>>, vector<16xi32>,
      %get3A_805 = arith.constant 2 : i32
      %get3A_806 = arith.index_cast %get3A_805 : i32 to index
      %get3A_807 = arith.constant 80 : index
      %get3A_808 = tpu.vector_load %arg10[%get3A_806, %get3A_807] {strides = array<i32>} : memref<3x128xi32, #tpu.memory_space<vmem>>, vector<16xi32>,
      %shift_right_logical3A_809 = arith.constant 16 : i32
      %shift_right_logical3A_810 = vector.broadcast %shift_right_logical3A_809 : i32 to vector<16xi32>
      %shift_right_logical3A_811 = arith.shrui %get3A_808, %shift_right_logical3A_810 : vector<16xi32>
      %sub3A_812 = vector.broadcast %mul3A_14 : i32 to vector<16xi32>
      %sub3A_813 = arith.subi %shift_right_logical3A_811, %sub3A_812 : vector<16xi32>
      %swap3A_814 = arith.constant 2 : i32
      %swap3A_815 = arith.index_cast %swap3A_814 : i32 to index
      %swap3A_816 = arith.constant 80 : index
      %swap3A_817 = tpu.vector_load %arg11[%swap3A_815, %swap3A_816] {strides = array<i32>} : memref<3x128xi32, #tpu.memory_space<vmem>>, vector<16xi32>,
      tpu.vector_store %arg11[%swap3A_815, %swap3A_816], %sub3A_813 {strides = array<i32>} : memref<3x128xi32, #tpu.memory_space<vmem>>, vector<16xi32>,
      %get3A_818 = arith.constant 2 : i32
      %get3A_819 = arith.index_cast %get3A_818 : i32 to index
      %get3A_820 = arith.constant 96 : index
      %get3A_821 = tpu.vector_load %arg10[%get3A_819, %get3A_820] {strides = array<i32>} : memref<3x128xi32, #tpu.memory_space<vmem>>, vector<16xi32>,
      %shift_right_logical3A_822 = arith.constant 16 : i32
      %shift_right_logical3A_823 = vector.broadcast %shift_right_logical3A_822 : i32 to vector<16xi32>
      %shift_right_logical3A_824 = arith.shrui %get3A_821, %shift_right_logical3A_823 : vector<16xi32>
      %sub3A_825 = vector.broadcast %mul3A_14 : i32 to vector<16xi32>
      %sub3A_826 = arith.subi %shift_right_logical3A_824, %sub3A_825 : vector<16xi32>
      %swap3A_827 = arith.constant 2 : i32
      %swap3A_828 = arith.index_cast %swap3A_827 : i32 to index
      %swap3A_829 = arith.constant 96 : index
      %swap3A_830 = tpu.vector_load %arg11[%swap3A_828, %swap3A_829] {strides = array<i32>} : memref<3x128xi32, #tpu.memory_space<vmem>>, vector<16xi32>,
      tpu.vector_store %arg11[%swap3A_828, %swap3A_829], %sub3A_826 {strides = array<i32>} : memref<3x128xi32, #tpu.memory_space<vmem>>, vector<16xi32>,
      %get3A_831 = arith.constant 2 : i32
      %get3A_832 = arith.index_cast %get3A_831 : i32 to index
      %get3A_833 = arith.constant 112 : index
      %get3A_834 = tpu.vector_load %arg10[%get3A_832, %get3A_833] {strides = array<i32>} : memref<3x128xi32, #tpu.memory_space<vmem>>, vector<16xi32>,
      %shift_right_logical3A_835 = arith.constant 16 : i32
      %shift_right_logical3A_836 = vector.broadcast %shift_right_logical3A_835 : i32 to vector<16xi32>
      %shift_right_logical3A_837 = arith.shrui %get3A_834, %shift_right_logical3A_836 : vector<16xi32>
      %sub3A_838 = vector.broadcast %mul3A_14 : i32 to vector<16xi32>
      %sub3A_839 = arith.subi %shift_right_logical3A_837, %sub3A_838 : vector<16xi32>
      %swap3A_840 = arith.constant 2 : i32
      %swap3A_841 = arith.index_cast %swap3A_840 : i32 to index
      %swap3A_842 = arith.constant 112 : index
      %swap3A_843 = tpu.vector_load %arg11[%swap3A_841, %swap3A_842] {strides = array<i32>} : memref<3x128xi32, #tpu.memory_space<vmem>>, vector<16xi32>,
      tpu.vector_store %arg11[%swap3A_841, %swap3A_842], %sub3A_839 {strides = array<i32>} : memref<3x128xi32, #tpu.memory_space<vmem>>, vector<16xi32>,
      %dma_start3A = arith.constant 0 : i32
      %dma_start3A_844 = arith.constant 0 : i32
      %dma_start3A_845 = tpu.memref_slice %arg9[%dma_start3A, %dma_start3A_844] : memref<3x128xi32, #tpu.memory_space<vmem>> -> memref<1x128xi32, #tpu.memory_space<vmem>>
      %dma_start3A_846 = tpu.memref_squeeze %dma_start3A_845 : memref<1x128xi32, #tpu.memory_space<vmem>> -> memref<128xi32, #tpu.memory_space<vmem>>
      %dma_start3A_847 = arith.constant 0 : i32
      %dma_start3A_848 = arith.constant 0 : i32
      %dma_start3A_849 = tpu.memref_slice %arg5[%dma_start3A_847, %dma_start3A_848] : memref<25088x48xf32, #tpu.memory_space<vmem_shared>> -> memref<25088x48xf32, #tpu.memory_space<vmem_shared>>
      tpu.enqueue_indirect_dma source(%arg6 : memref<128x48xf32, #tpu.memory_space<vmem>>) target(%dma_start3A_849 : memref<25088x48xf32, #tpu.memory_space<vmem_shared>>) offsets(%dma_start3A_846 : memref<128xi32, #tpu.memory_space<vmem>>) semaphore(%arg13 : memref<!tpu.dma_semaphore, #tpu.memory_space<semaphore_mem>>) {add = true}
      %dma_start3A_850 = arith.constant 1 : i32
      %dma_start3A_851 = arith.constant 0 : i32
      %dma_start3A_852 = tpu.memref_slice %arg9[%dma_start3A_850, %dma_start3A_851] : memref<3x128xi32, #tpu.memory_space<vmem>> -> memref<1x128xi32, #tpu.memory_space<vmem>>
      %dma_start3A_853 = tpu.memref_squeeze %dma_start3A_852 : memref<1x128xi32, #tpu.memory_space<vmem>> -> memref<128xi32, #tpu.memory_space<vmem>>
      %dma_start3A_854 = arith.constant 0 : i32
      %dma_start3A_855 = arith.constant 0 : i32
      %dma_start3A_856 = tpu.memref_slice %arg5[%dma_start3A_854, %dma_start3A_855] : memref<25088x48xf32, #tpu.memory_space<vmem_shared>> -> memref<25088x48xf32, #tpu.memory_space<vmem_shared>>
      tpu.enqueue_indirect_dma source(%arg6 : memref<128x48xf32, #tpu.memory_space<vmem>>) target(%dma_start3A_856 : memref<25088x48xf32, #tpu.memory_space<vmem_shared>>) offsets(%dma_start3A_853 : memref<128xi32, #tpu.memory_space<vmem>>) semaphore(%arg13 : memref<!tpu.dma_semaphore, #tpu.memory_space<semaphore_mem>>) {add = true}
      %dma_start3A_857 = arith.constant 2 : i32
      %dma_start3A_858 = arith.constant 0 : i32
      %dma_start3A_859 = tpu.memref_slice %arg9[%dma_start3A_857, %dma_start3A_858] : memref<3x128xi32, #tpu.memory_space<vmem>> -> memref<1x128xi32, #tpu.memory_space<vmem>>
      %dma_start3A_860 = tpu.memref_squeeze %dma_start3A_859 : memref<1x128xi32, #tpu.memory_space<vmem>> -> memref<128xi32, #tpu.memory_space<vmem>>
      %dma_start3A_861 = arith.constant 0 : i32
      %dma_start3A_862 = arith.constant 0 : i32
      %dma_start3A_863 = tpu.memref_slice %arg5[%dma_start3A_861, %dma_start3A_862] : memref<25088x48xf32, #tpu.memory_space<vmem_shared>> -> memref<25088x48xf32, #tpu.memory_space<vmem_shared>>
      tpu.enqueue_indirect_dma source(%arg6 : memref<128x48xf32, #tpu.memory_space<vmem>>) target(%dma_start3A_863 : memref<25088x48xf32, #tpu.memory_space<vmem_shared>>) offsets(%dma_start3A_860 : memref<128xi32, #tpu.memory_space<vmem>>) semaphore(%arg13 : memref<!tpu.dma_semaphore, #tpu.memory_space<semaphore_mem>>) {add = true}
      %mul3A_864 = arith.constant 2 : i32
      %mul3A_865 = arith.muli %mul3A_864, %while3A_521 : i32
      %add3A_866 = arith.constant 1 : i32
      %add3A_867 = arith.addi %mul3A_865, %add3A_866 : i32
      %dma_wait3A_868 = arith.constant 0 : i32
      %dma_wait3A_869 = arith.constant 0 : i32
      %dma_wait3A_870 = tpu.memref_slice %arg4[%dma_wait3A_868, %dma_wait3A_869] : memref<50176x48xf32, #tpu.memory_space<hbm>> -> memref<128x48xf32, #tpu.memory_space<hbm>>
      %dma_wait3A_871 = arith.constant 0 : i32
      %dma_wait3A_872 = arith.constant 0 : i32
      %dma_wait3A_873 = tpu.memref_slice %arg4[%dma_wait3A_871, %dma_wait3A_872] : memref<50176x48xf32, #tpu.memory_space<hbm>> -> memref<128x48xf32, #tpu.memory_space<hbm>>
      tpu.wait_dma2 semaphore(%arg13 : memref<!tpu.dma_semaphore, #tpu.memory_space<semaphore_mem>>) src(%dma_wait3A_873 : memref<128x48xf32, #tpu.memory_space<hbm>>) dst(%arg6 : memref<128x48xf32, #tpu.memory_space<vmem>>)
      %dma_wait3A_874 = arith.constant 0 : i32
      %dma_wait3A_875 = arith.constant 0 : i32
      %dma_wait3A_876 = tpu.memref_slice %arg4[%dma_wait3A_874, %dma_wait3A_875] : memref<50176x48xf32, #tpu.memory_space<hbm>> -> memref<128x48xf32, #tpu.memory_space<hbm>>
      %dma_wait3A_877 = arith.constant 0 : i32
      %dma_wait3A_878 = arith.constant 0 : i32
      %dma_wait3A_879 = tpu.memref_slice %arg4[%dma_wait3A_877, %dma_wait3A_878] : memref<50176x48xf32, #tpu.memory_space<hbm>> -> memref<128x48xf32, #tpu.memory_space<hbm>>
      tpu.wait_dma2 semaphore(%arg13 : memref<!tpu.dma_semaphore, #tpu.memory_space<semaphore_mem>>) src(%dma_wait3A_879 : memref<128x48xf32, #tpu.memory_space<hbm>>) dst(%arg6 : memref<128x48xf32, #tpu.memory_space<vmem>>)
      %dma_wait3A_880 = arith.constant 0 : i32
      %dma_wait3A_881 = arith.constant 0 : i32
      %dma_wait3A_882 = tpu.memref_slice %arg4[%dma_wait3A_880, %dma_wait3A_881] : memref<50176x48xf32, #tpu.memory_space<hbm>> -> memref<128x48xf32, #tpu.memory_space<hbm>>
      %dma_wait3A_883 = arith.constant 0 : i32
      %dma_wait3A_884 = arith.constant 0 : i32
      %dma_wait3A_885 = tpu.memref_slice %arg4[%dma_wait3A_883, %dma_wait3A_884] : memref<50176x48xf32, #tpu.memory_space<hbm>> -> memref<128x48xf32, #tpu.memory_space<hbm>>
      tpu.wait_dma2 semaphore(%arg13 : memref<!tpu.dma_semaphore, #tpu.memory_space<semaphore_mem>>) src(%dma_wait3A_885 : memref<128x48xf32, #tpu.memory_space<hbm>>) dst(%arg6 : memref<128x48xf32, #tpu.memory_space<vmem>>)
      %add3A_886 = arith.constant 1 : i32
      %add3A_887 = arith.addi %add3A_867, %add3A_886 : i32
      %add3A_888 = arith.addi %mul3A_12, %add3A_887 : i32
      "tpu.region"() ({
        %run_scoped3A = tpu.sem_alloc : memref<!tpu.dma_semaphore, #tpu.memory_space<semaphore_mem>>
        %dma_start3A_1223 = arith.constant 0 : i32
        %dma_start3A_1224 = arith.constant 0 : i32
        %dma_start3A_1225 = tpu.memref_slice %arg2[%arg0, %add3A_888, %dma_start3A_1223, %dma_start3A_1224] : memref<2x4193x3x128xi32, #tpu.memory_space<hbm>> -> memref<1x1x3x128xi32, #tpu.memory_space<hbm>>
        %dma_start3A_1226 = tpu.memref_squeeze %dma_start3A_1225 : memref<1x1x3x128xi32, #tpu.memory_space<hbm>> -> memref<3x128xi32, #tpu.memory_space<hbm>>
        %dma_start3A_1227 = arith.constant 0 : i32
        %dma_start3A_1228 = arith.constant 0 : i32
        %dma_start3A_1229 = tpu.memref_slice %arg2[%arg0, %add3A_888, %dma_start3A_1227, %dma_start3A_1228] : memref<2x4193x3x128xi32, #tpu.memory_space<hbm>> -> memref<1x1x3x128xi32, #tpu.memory_space<hbm>>
        %dma_start3A_1230 = tpu.memref_squeeze %dma_start3A_1229 : memref<1x1x3x128xi32, #tpu.memory_space<hbm>> -> memref<3x128xi32, #tpu.memory_space<hbm>>
        tpu.enqueue_dma source(%dma_start3A_1230 : memref<3x128xi32, #tpu.memory_space<hbm>>) target(%arg8 : memref<3x128xi32, #tpu.memory_space<vmem>>) target_semaphore(%run_scoped3A : memref<!tpu.dma_semaphore, #tpu.memory_space<semaphore_mem>>)
        %dma_wait3A_1231 = arith.constant 0 : i32
        %dma_wait3A_1232 = arith.constant 0 : i32
        %dma_wait3A_1233 = tpu.memref_slice %arg2[%arg0, %add3A_888, %dma_wait3A_1231, %dma_wait3A_1232] : memref<2x4193x3x128xi32, #tpu.memory_space<hbm>> -> memref<1x1x3x128xi32, #tpu.memory_space<hbm>>
        %dma_wait3A_1234 = tpu.memref_squeeze %dma_wait3A_1233 : memref<1x1x3x128xi32, #tpu.memory_space<hbm>> -> memref<3x128xi32, #tpu.memory_space<hbm>>
        %dma_wait3A_1235 = arith.constant 0 : i32
        %dma_wait3A_1236 = arith.constant 0 : i32
        %dma_wait3A_1237 = tpu.memref_slice %arg2[%arg0, %add3A_888, %dma_wait3A_1235, %dma_wait3A_1236] : memref<2x4193x3x128xi32, #tpu.memory_space<hbm>> -> memref<1x1x3x128xi32, #tpu.memory_space<hbm>>
        %dma_wait3A_1238 = tpu.memref_squeeze %dma_wait3A_1237 : memref<1x1x3x128xi32, #tpu.memory_space<hbm>> -> memref<3x128xi32, #tpu.memory_space<hbm>>
        tpu.wait_dma2 semaphore(%run_scoped3A : memref<!tpu.dma_semaphore, #tpu.memory_space<semaphore_mem>>) src(%dma_wait3A_1238 : memref<3x128xi32, #tpu.memory_space<hbm>>) dst(%arg8 : memref<3x128xi32, #tpu.memory_space<vmem>>)
        tpu.yield
      }) : () -> ()
      %get3A_889 = arith.constant 0 : i32
      %get3A_890 = arith.index_cast %get3A_889 : i32 to index
      %get3A_891 = arith.constant 0 : index
      %get3A_892 = tpu.vector_load %arg8[%get3A_890, %get3A_891] {strides = array<i32>} : memref<3x128xi32, #tpu.memory_space<vmem>>, vector<16xi32>,
      %shift_right_logical3A_893 = arith.constant 16 : i32
      %shift_right_logical3A_894 = vector.broadcast %shift_right_logical3A_893 : i32 to vector<16xi32>
      %shift_right_logical3A_895 = arith.shrui %get3A_892, %shift_right_logical3A_894 : vector<16xi32>
      %sub3A_896 = vector.broadcast %mul3A_14 : i32 to vector<16xi32>
      %sub3A_897 = arith.subi %shift_right_logical3A_895, %sub3A_896 : vector<16xi32>
      %swap3A_898 = arith.constant 0 : i32
      %swap3A_899 = arith.index_cast %swap3A_898 : i32 to index
      %swap3A_900 = arith.constant 0 : index
      %swap3A_901 = tpu.vector_load %arg9[%swap3A_899, %swap3A_900] {strides = array<i32>} : memref<3x128xi32, #tpu.memory_space<vmem>>, vector<16xi32>,
      tpu.vector_store %arg9[%swap3A_899, %swap3A_900], %sub3A_897 {strides = array<i32>} : memref<3x128xi32, #tpu.memory_space<vmem>>, vector<16xi32>,
      %get3A_902 = arith.constant 0 : i32
      %get3A_903 = arith.index_cast %get3A_902 : i32 to index
      %get3A_904 = arith.constant 16 : index
      %get3A_905 = tpu.vector_load %arg8[%get3A_903, %get3A_904] {strides = array<i32>} : memref<3x128xi32, #tpu.memory_space<vmem>>, vector<16xi32>,
      %shift_right_logical3A_906 = arith.constant 16 : i32
      %shift_right_logical3A_907 = vector.broadcast %shift_right_logical3A_906 : i32 to vector<16xi32>
      %shift_right_logical3A_908 = arith.shrui %get3A_905, %shift_right_logical3A_907 : vector<16xi32>
      %sub3A_909 = vector.broadcast %mul3A_14 : i32 to vector<16xi32>
      %sub3A_910 = arith.subi %shift_right_logical3A_908, %sub3A_909 : vector<16xi32>
      %swap3A_911 = arith.constant 0 : i32
      %swap3A_912 = arith.index_cast %swap3A_911 : i32 to index
      %swap3A_913 = arith.constant 16 : index
      %swap3A_914 = tpu.vector_load %arg9[%swap3A_912, %swap3A_913] {strides = array<i32>} : memref<3x128xi32, #tpu.memory_space<vmem>>, vector<16xi32>,
      tpu.vector_store %arg9[%swap3A_912, %swap3A_913], %sub3A_910 {strides = array<i32>} : memref<3x128xi32, #tpu.memory_space<vmem>>, vector<16xi32>,
      %get3A_915 = arith.constant 0 : i32
      %get3A_916 = arith.index_cast %get3A_915 : i32 to index
      %get3A_917 = arith.constant 32 : index
      %get3A_918 = tpu.vector_load %arg8[%get3A_916, %get3A_917] {strides = array<i32>} : memref<3x128xi32, #tpu.memory_space<vmem>>, vector<16xi32>,
      %shift_right_logical3A_919 = arith.constant 16 : i32
      %shift_right_logical3A_920 = vector.broadcast %shift_right_logical3A_919 : i32 to vector<16xi32>
      %shift_right_logical3A_921 = arith.shrui %get3A_918, %shift_right_logical3A_920 : vector<16xi32>
      %sub3A_922 = vector.broadcast %mul3A_14 : i32 to vector<16xi32>
      %sub3A_923 = arith.subi %shift_right_logical3A_921, %sub3A_922 : vector<16xi32>
      %swap3A_924 = arith.constant 0 : i32
      %swap3A_925 = arith.index_cast %swap3A_924 : i32 to index
      %swap3A_926 = arith.constant 32 : index
      %swap3A_927 = tpu.vector_load %arg9[%swap3A_925, %swap3A_926] {strides = array<i32>} : memref<3x128xi32, #tpu.memory_space<vmem>>, vector<16xi32>,
      tpu.vector_store %arg9[%swap3A_925, %swap3A_926], %sub3A_923 {strides = array<i32>} : memref<3x128xi32, #tpu.memory_space<vmem>>, vector<16xi32>,
      %get3A_928 = arith.constant 0 : i32
      %get3A_929 = arith.index_cast %get3A_928 : i32 to index
      %get3A_930 = arith.constant 48 : index
      %get3A_931 = tpu.vector_load %arg8[%get3A_929, %get3A_930] {strides = array<i32>} : memref<3x128xi32, #tpu.memory_space<vmem>>, vector<16xi32>,
      %shift_right_logical3A_932 = arith.constant 16 : i32
      %shift_right_logical3A_933 = vector.broadcast %shift_right_logical3A_932 : i32 to vector<16xi32>
      %shift_right_logical3A_934 = arith.shrui %get3A_931, %shift_right_logical3A_933 : vector<16xi32>
      %sub3A_935 = vector.broadcast %mul3A_14 : i32 to vector<16xi32>
      %sub3A_936 = arith.subi %shift_right_logical3A_934, %sub3A_935 : vector<16xi32>
      %swap3A_937 = arith.constant 0 : i32
      %swap3A_938 = arith.index_cast %swap3A_937 : i32 to index
      %swap3A_939 = arith.constant 48 : index
      %swap3A_940 = tpu.vector_load %arg9[%swap3A_938, %swap3A_939] {strides = array<i32>} : memref<3x128xi32, #tpu.memory_space<vmem>>, vector<16xi32>,
      tpu.vector_store %arg9[%swap3A_938, %swap3A_939], %sub3A_936 {strides = array<i32>} : memref<3x128xi32, #tpu.memory_space<vmem>>, vector<16xi32>,
      %get3A_941 = arith.constant 0 : i32
      %get3A_942 = arith.index_cast %get3A_941 : i32 to index
      %get3A_943 = arith.constant 64 : index
      %get3A_944 = tpu.vector_load %arg8[%get3A_942, %get3A_943] {strides = array<i32>} : memref<3x128xi32, #tpu.memory_space<vmem>>, vector<16xi32>,
      %shift_right_logical3A_945 = arith.constant 16 : i32
      %shift_right_logical3A_946 = vector.broadcast %shift_right_logical3A_945 : i32 to vector<16xi32>
      %shift_right_logical3A_947 = arith.shrui %get3A_944, %shift_right_logical3A_946 : vector<16xi32>
      %sub3A_948 = vector.broadcast %mul3A_14 : i32 to vector<16xi32>
      %sub3A_949 = arith.subi %shift_right_logical3A_947, %sub3A_948 : vector<16xi32>
      %swap3A_950 = arith.constant 0 : i32
      %swap3A_951 = arith.index_cast %swap3A_950 : i32 to index
      %swap3A_952 = arith.constant 64 : index
      %swap3A_953 = tpu.vector_load %arg9[%swap3A_951, %swap3A_952] {strides = array<i32>} : memref<3x128xi32, #tpu.memory_space<vmem>>, vector<16xi32>,
      tpu.vector_store %arg9[%swap3A_951, %swap3A_952], %sub3A_949 {strides = array<i32>} : memref<3x128xi32, #tpu.memory_space<vmem>>, vector<16xi32>,
      %get3A_954 = arith.constant 0 : i32
      %get3A_955 = arith.index_cast %get3A_954 : i32 to index
      %get3A_956 = arith.constant 80 : index
      %get3A_957 = tpu.vector_load %arg8[%get3A_955, %get3A_956] {strides = array<i32>} : memref<3x128xi32, #tpu.memory_space<vmem>>, vector<16xi32>,
      %shift_right_logical3A_958 = arith.constant 16 : i32
      %shift_right_logical3A_959 = vector.broadcast %shift_right_logical3A_958 : i32 to vector<16xi32>
      %shift_right_logical3A_960 = arith.shrui %get3A_957, %shift_right_logical3A_959 : vector<16xi32>
      %sub3A_961 = vector.broadcast %mul3A_14 : i32 to vector<16xi32>
      %sub3A_962 = arith.subi %shift_right_logical3A_960, %sub3A_961 : vector<16xi32>
      %swap3A_963 = arith.constant 0 : i32
      %swap3A_964 = arith.index_cast %swap3A_963 : i32 to index
      %swap3A_965 = arith.constant 80 : index
      %swap3A_966 = tpu.vector_load %arg9[%swap3A_964, %swap3A_965] {strides = array<i32>} : memref<3x128xi32, #tpu.memory_space<vmem>>, vector<16xi32>,
      tpu.vector_store %arg9[%swap3A_964, %swap3A_965], %sub3A_962 {strides = array<i32>} : memref<3x128xi32, #tpu.memory_space<vmem>>, vector<16xi32>,
      %get3A_967 = arith.constant 0 : i32
      %get3A_968 = arith.index_cast %get3A_967 : i32 to index
      %get3A_969 = arith.constant 96 : index
      %get3A_970 = tpu.vector_load %arg8[%get3A_968, %get3A_969] {strides = array<i32>} : memref<3x128xi32, #tpu.memory_space<vmem>>, vector<16xi32>,
      %shift_right_logical3A_971 = arith.constant 16 : i32
      %shift_right_logical3A_972 = vector.broadcast %shift_right_logical3A_971 : i32 to vector<16xi32>
      %shift_right_logical3A_973 = arith.shrui %get3A_970, %shift_right_logical3A_972 : vector<16xi32>
      %sub3A_974 = vector.broadcast %mul3A_14 : i32 to vector<16xi32>
      %sub3A_975 = arith.subi %shift_right_logical3A_973, %sub3A_974 : vector<16xi32>
      %swap3A_976 = arith.constant 0 : i32
      %swap3A_977 = arith.index_cast %swap3A_976 : i32 to index
      %swap3A_978 = arith.constant 96 : index
      %swap3A_979 = tpu.vector_load %arg9[%swap3A_977, %swap3A_978] {strides = array<i32>} : memref<3x128xi32, #tpu.memory_space<vmem>>, vector<16xi32>,
      tpu.vector_store %arg9[%swap3A_977, %swap3A_978], %sub3A_975 {strides = array<i32>} : memref<3x128xi32, #tpu.memory_space<vmem>>, vector<16xi32>,
      %get3A_980 = arith.constant 0 : i32
      %get3A_981 = arith.index_cast %get3A_980 : i32 to index
      %get3A_982 = arith.constant 112 : index
      %get3A_983 = tpu.vector_load %arg8[%get3A_981, %get3A_982] {strides = array<i32>} : memref<3x128xi32, #tpu.memory_space<vmem>>, vector<16xi32>,
      %shift_right_logical3A_984 = arith.constant 16 : i32
      %shift_right_logical3A_985 = vector.broadcast %shift_right_logical3A_984 : i32 to vector<16xi32>
      %shift_right_logical3A_986 = arith.shrui %get3A_983, %shift_right_logical3A_985 : vector<16xi32>
      %sub3A_987 = vector.broadcast %mul3A_14 : i32 to vector<16xi32>
      %sub3A_988 = arith.subi %shift_right_logical3A_986, %sub3A_987 : vector<16xi32>
      %swap3A_989 = arith.constant 0 : i32
      %swap3A_990 = arith.index_cast %swap3A_989 : i32 to index
      %swap3A_991 = arith.constant 112 : index
      %swap3A_992 = tpu.vector_load %arg9[%swap3A_990, %swap3A_991] {strides = array<i32>} : memref<3x128xi32, #tpu.memory_space<vmem>>, vector<16xi32>,
      tpu.vector_store %arg9[%swap3A_990, %swap3A_991], %sub3A_988 {strides = array<i32>} : memref<3x128xi32, #tpu.memory_space<vmem>>, vector<16xi32>,
      %get3A_993 = arith.constant 1 : i32
      %get3A_994 = arith.index_cast %get3A_993 : i32 to index
      %get3A_995 = arith.constant 0 : index
      %get3A_996 = tpu.vector_load %arg8[%get3A_994, %get3A_995] {strides = array<i32>} : memref<3x128xi32, #tpu.memory_space<vmem>>, vector<16xi32>,
      %shift_right_logical3A_997 = arith.constant 16 : i32
      %shift_right_logical3A_998 = vector.broadcast %shift_right_logical3A_997 : i32 to vector<16xi32>
      %shift_right_logical3A_999 = arith.shrui %get3A_996, %shift_right_logical3A_998 : vector<16xi32>
      %sub3A_1000 = vector.broadcast %mul3A_14 : i32 to vector<16xi32>
      %sub3A_1001 = arith.subi %shift_right_logical3A_999, %sub3A_1000 : vector<16xi32>
      %swap3A_1002 = arith.constant 1 : i32
      %swap3A_1003 = arith.index_cast %swap3A_1002 : i32 to index
      %swap3A_1004 = arith.constant 0 : index
      %swap3A_1005 = tpu.vector_load %arg9[%swap3A_1003, %swap3A_1004] {strides = array<i32>} : memref<3x128xi32, #tpu.memory_space<vmem>>, vector<16xi32>,
      tpu.vector_store %arg9[%swap3A_1003, %swap3A_1004], %sub3A_1001 {strides = array<i32>} : memref<3x128xi32, #tpu.memory_space<vmem>>, vector<16xi32>,
      %get3A_1006 = arith.constant 1 : i32
      %get3A_1007 = arith.index_cast %get3A_1006 : i32 to index
      %get3A_1008 = arith.constant 16 : index
      %get3A_1009 = tpu.vector_load %arg8[%get3A_1007, %get3A_1008] {strides = array<i32>} : memref<3x128xi32, #tpu.memory_space<vmem>>, vector<16xi32>,
      %shift_right_logical3A_1010 = arith.constant 16 : i32
      %shift_right_logical3A_1011 = vector.broadcast %shift_right_logical3A_1010 : i32 to vector<16xi32>
      %shift_right_logical3A_1012 = arith.shrui %get3A_1009, %shift_right_logical3A_1011 : vector<16xi32>
      %sub3A_1013 = vector.broadcast %mul3A_14 : i32 to vector<16xi32>
      %sub3A_1014 = arith.subi %shift_right_logical3A_1012, %sub3A_1013 : vector<16xi32>
      %swap3A_1015 = arith.constant 1 : i32
      %swap3A_1016 = arith.index_cast %swap3A_1015 : i32 to index
      %swap3A_1017 = arith.constant 16 : index
      %swap3A_1018 = tpu.vector_load %arg9[%swap3A_1016, %swap3A_1017] {strides = array<i32>} : memref<3x128xi32, #tpu.memory_space<vmem>>, vector<16xi32>,
      tpu.vector_store %arg9[%swap3A_1016, %swap3A_1017], %sub3A_1014 {strides = array<i32>} : memref<3x128xi32, #tpu.memory_space<vmem>>, vector<16xi32>,
      %get3A_1019 = arith.constant 1 : i32
      %get3A_1020 = arith.index_cast %get3A_1019 : i32 to index
      %get3A_1021 = arith.constant 32 : index
      %get3A_1022 = tpu.vector_load %arg8[%get3A_1020, %get3A_1021] {strides = array<i32>} : memref<3x128xi32, #tpu.memory_space<vmem>>, vector<16xi32>,
      %shift_right_logical3A_1023 = arith.constant 16 : i32
      %shift_right_logical3A_1024 = vector.broadcast %shift_right_logical3A_1023 : i32 to vector<16xi32>
      %shift_right_logical3A_1025 = arith.shrui %get3A_1022, %shift_right_logical3A_1024 : vector<16xi32>
      %sub3A_1026 = vector.broadcast %mul3A_14 : i32 to vector<16xi32>
      %sub3A_1027 = arith.subi %shift_right_logical3A_1025, %sub3A_1026 : vector<16xi32>
      %swap3A_1028 = arith.constant 1 : i32
      %swap3A_1029 = arith.index_cast %swap3A_1028 : i32 to index
      %swap3A_1030 = arith.constant 32 : index
      %swap3A_1031 = tpu.vector_load %arg9[%swap3A_1029, %swap3A_1030] {strides = array<i32>} : memref<3x128xi32, #tpu.memory_space<vmem>>, vector<16xi32>,
      tpu.vector_store %arg9[%swap3A_1029, %swap3A_1030], %sub3A_1027 {strides = array<i32>} : memref<3x128xi32, #tpu.memory_space<vmem>>, vector<16xi32>,
      %get3A_1032 = arith.constant 1 : i32
      %get3A_1033 = arith.index_cast %get3A_1032 : i32 to index
      %get3A_1034 = arith.constant 48 : index
      %get3A_1035 = tpu.vector_load %arg8[%get3A_1033, %get3A_1034] {strides = array<i32>} : memref<3x128xi32, #tpu.memory_space<vmem>>, vector<16xi32>,
      %shift_right_logical3A_1036 = arith.constant 16 : i32
      %shift_right_logical3A_1037 = vector.broadcast %shift_right_logical3A_1036 : i32 to vector<16xi32>
      %shift_right_logical3A_1038 = arith.shrui %get3A_1035, %shift_right_logical3A_1037 : vector<16xi32>
      %sub3A_1039 = vector.broadcast %mul3A_14 : i32 to vector<16xi32>
      %sub3A_1040 = arith.subi %shift_right_logical3A_1038, %sub3A_1039 : vector<16xi32>
      %swap3A_1041 = arith.constant 1 : i32
      %swap3A_1042 = arith.index_cast %swap3A_1041 : i32 to index
      %swap3A_1043 = arith.constant 48 : index
      %swap3A_1044 = tpu.vector_load %arg9[%swap3A_1042, %swap3A_1043] {strides = array<i32>} : memref<3x128xi32, #tpu.memory_space<vmem>>, vector<16xi32>,
      tpu.vector_store %arg9[%swap3A_1042, %swap3A_1043], %sub3A_1040 {strides = array<i32>} : memref<3x128xi32, #tpu.memory_space<vmem>>, vector<16xi32>,
      %get3A_1045 = arith.constant 1 : i32
      %get3A_1046 = arith.index_cast %get3A_1045 : i32 to index
      %get3A_1047 = arith.constant 64 : index
      %get3A_1048 = tpu.vector_load %arg8[%get3A_1046, %get3A_1047] {strides = array<i32>} : memref<3x128xi32, #tpu.memory_space<vmem>>, vector<16xi32>,
      %shift_right_logical3A_1049 = arith.constant 16 : i32
      %shift_right_logical3A_1050 = vector.broadcast %shift_right_logical3A_1049 : i32 to vector<16xi32>
      %shift_right_logical3A_1051 = arith.shrui %get3A_1048, %shift_right_logical3A_1050 : vector<16xi32>
      %sub3A_1052 = vector.broadcast %mul3A_14 : i32 to vector<16xi32>
      %sub3A_1053 = arith.subi %shift_right_logical3A_1051, %sub3A_1052 : vector<16xi32>
      %swap3A_1054 = arith.constant 1 : i32
      %swap3A_1055 = arith.index_cast %swap3A_1054 : i32 to index
      %swap3A_1056 = arith.constant 64 : index
      %swap3A_1057 = tpu.vector_load %arg9[%swap3A_1055, %swap3A_1056] {strides = array<i32>} : memref<3x128xi32, #tpu.memory_space<vmem>>, vector<16xi32>,
      tpu.vector_store %arg9[%swap3A_1055, %swap3A_1056], %sub3A_1053 {strides = array<i32>} : memref<3x128xi32, #tpu.memory_space<vmem>>, vector<16xi32>,
      %get3A_1058 = arith.constant 1 : i32
      %get3A_1059 = arith.index_cast %get3A_1058 : i32 to index
      %get3A_1060 = arith.constant 80 : index
      %get3A_1061 = tpu.vector_load %arg8[%get3A_1059, %get3A_1060] {strides = array<i32>} : memref<3x128xi32, #tpu.memory_space<vmem>>, vector<16xi32>,
      %shift_right_logical3A_1062 = arith.constant 16 : i32
      %shift_right_logical3A_1063 = vector.broadcast %shift_right_logical3A_1062 : i32 to vector<16xi32>
      %shift_right_logical3A_1064 = arith.shrui %get3A_1061, %shift_right_logical3A_1063 : vector<16xi32>
      %sub3A_1065 = vector.broadcast %mul3A_14 : i32 to vector<16xi32>
      %sub3A_1066 = arith.subi %shift_right_logical3A_1064, %sub3A_1065 : vector<16xi32>
      %swap3A_1067 = arith.constant 1 : i32
      %swap3A_1068 = arith.index_cast %swap3A_1067 : i32 to index
      %swap3A_1069 = arith.constant 80 : index
      %swap3A_1070 = tpu.vector_load %arg9[%swap3A_1068, %swap3A_1069] {strides = array<i32>} : memref<3x128xi32, #tpu.memory_space<vmem>>, vector<16xi32>,
      tpu.vector_store %arg9[%swap3A_1068, %swap3A_1069], %sub3A_1066 {strides = array<i32>} : memref<3x128xi32, #tpu.memory_space<vmem>>, vector<16xi32>,
      %get3A_1071 = arith.constant 1 : i32
      %get3A_1072 = arith.index_cast %get3A_1071 : i32 to index
      %get3A_1073 = arith.constant 96 : index
      %get3A_1074 = tpu.vector_load %arg8[%get3A_1072, %get3A_1073] {strides = array<i32>} : memref<3x128xi32, #tpu.memory_space<vmem>>, vector<16xi32>,
      %shift_right_logical3A_1075 = arith.constant 16 : i32
      %shift_right_logical3A_1076 = vector.broadcast %shift_right_logical3A_1075 : i32 to vector<16xi32>
      %shift_right_logical3A_1077 = arith.shrui %get3A_1074, %shift_right_logical3A_1076 : vector<16xi32>
      %sub3A_1078 = vector.broadcast %mul3A_14 : i32 to vector<16xi32>
      %sub3A_1079 = arith.subi %shift_right_logical3A_1077, %sub3A_1078 : vector<16xi32>
      %swap3A_1080 = arith.constant 1 : i32
      %swap3A_1081 = arith.index_cast %swap3A_1080 : i32 to index
      %swap3A_1082 = arith.constant 96 : index
      %swap3A_1083 = tpu.vector_load %arg9[%swap3A_1081, %swap3A_1082] {strides = array<i32>} : memref<3x128xi32, #tpu.memory_space<vmem>>, vector<16xi32>,
      tpu.vector_store %arg9[%swap3A_1081, %swap3A_1082], %sub3A_1079 {strides = array<i32>} : memref<3x128xi32, #tpu.memory_space<vmem>>, vector<16xi32>,
      %get3A_1084 = arith.constant 1 : i32
      %get3A_1085 = arith.index_cast %get3A_1084 : i32 to index
      %get3A_1086 = arith.constant 112 : index
      %get3A_1087 = tpu.vector_load %arg8[%get3A_1085, %get3A_1086] {strides = array<i32>} : memref<3x128xi32, #tpu.memory_space<vmem>>, vector<16xi32>,
      %shift_right_logical3A_1088 = arith.constant 16 : i32
      %shift_right_logical3A_1089 = vector.broadcast %shift_right_logical3A_1088 : i32 to vector<16xi32>
      %shift_right_logical3A_1090 = arith.shrui %get3A_1087, %shift_right_logical3A_1089 : vector<16xi32>
      %sub3A_1091 = vector.broadcast %mul3A_14 : i32 to vector<16xi32>
      %sub3A_1092 = arith.subi %shift_right_logical3A_1090, %sub3A_1091 : vector<16xi32>
      %swap3A_1093 = arith.constant 1 : i32
      %swap3A_1094 = arith.index_cast %swap3A_1093 : i32 to index
      %swap3A_1095 = arith.constant 112 : index
      %swap3A_1096 = tpu.vector_load %arg9[%swap3A_1094, %swap3A_1095] {strides = array<i32>} : memref<3x128xi32, #tpu.memory_space<vmem>>, vector<16xi32>,
      tpu.vector_store %arg9[%swap3A_1094, %swap3A_1095], %sub3A_1092 {strides = array<i32>} : memref<3x128xi32, #tpu.memory_space<vmem>>, vector<16xi32>,
      %get3A_1097 = arith.constant 2 : i32
      %get3A_1098 = arith.index_cast %get3A_1097 : i32 to index
      %get3A_1099 = arith.constant 0 : index
      %get3A_1100 = tpu.vector_load %arg8[%get3A_1098, %get3A_1099] {strides = array<i32>} : memref<3x128xi32, #tpu.memory_space<vmem>>, vector<16xi32>,
      %shift_right_logical3A_1101 = arith.constant 16 : i32
      %shift_right_logical3A_1102 = vector.broadcast %shift_right_logical3A_1101 : i32 to vector<16xi32>
      %shift_right_logical3A_1103 = arith.shrui %get3A_1100, %shift_right_logical3A_1102 : vector<16xi32>
      %sub3A_1104 = vector.broadcast %mul3A_14 : i32 to vector<16xi32>
      %sub3A_1105 = arith.subi %shift_right_logical3A_1103, %sub3A_1104 : vector<16xi32>
      %swap3A_1106 = arith.constant 2 : i32
      %swap3A_1107 = arith.index_cast %swap3A_1106 : i32 to index
      %swap3A_1108 = arith.constant 0 : index
      %swap3A_1109 = tpu.vector_load %arg9[%swap3A_1107, %swap3A_1108] {strides = array<i32>} : memref<3x128xi32, #tpu.memory_space<vmem>>, vector<16xi32>,
      tpu.vector_store %arg9[%swap3A_1107, %swap3A_1108], %sub3A_1105 {strides = array<i32>} : memref<3x128xi32, #tpu.memory_space<vmem>>, vector<16xi32>,
      %get3A_1110 = arith.constant 2 : i32
      %get3A_1111 = arith.index_cast %get3A_1110 : i32 to index
      %get3A_1112 = arith.constant 16 : index
      %get3A_1113 = tpu.vector_load %arg8[%get3A_1111, %get3A_1112] {strides = array<i32>} : memref<3x128xi32, #tpu.memory_space<vmem>>, vector<16xi32>,
      %shift_right_logical3A_1114 = arith.constant 16 : i32
      %shift_right_logical3A_1115 = vector.broadcast %shift_right_logical3A_1114 : i32 to vector<16xi32>
      %shift_right_logical3A_1116 = arith.shrui %get3A_1113, %shift_right_logical3A_1115 : vector<16xi32>
      %sub3A_1117 = vector.broadcast %mul3A_14 : i32 to vector<16xi32>
      %sub3A_1118 = arith.subi %shift_right_logical3A_1116, %sub3A_1117 : vector<16xi32>
      %swap3A_1119 = arith.constant 2 : i32
      %swap3A_1120 = arith.index_cast %swap3A_1119 : i32 to index
      %swap3A_1121 = arith.constant 16 : index
      %swap3A_1122 = tpu.vector_load %arg9[%swap3A_1120, %swap3A_1121] {strides = array<i32>} : memref<3x128xi32, #tpu.memory_space<vmem>>, vector<16xi32>,
      tpu.vector_store %arg9[%swap3A_1120, %swap3A_1121], %sub3A_1118 {strides = array<i32>} : memref<3x128xi32, #tpu.memory_space<vmem>>, vector<16xi32>,
      %get3A_1123 = arith.constant 2 : i32
      %get3A_1124 = arith.index_cast %get3A_1123 : i32 to index
      %get3A_1125 = arith.constant 32 : index
      %get3A_1126 = tpu.vector_load %arg8[%get3A_1124, %get3A_1125] {strides = array<i32>} : memref<3x128xi32, #tpu.memory_space<vmem>>, vector<16xi32>,
      %shift_right_logical3A_1127 = arith.constant 16 : i32
      %shift_right_logical3A_1128 = vector.broadcast %shift_right_logical3A_1127 : i32 to vector<16xi32>
      %shift_right_logical3A_1129 = arith.shrui %get3A_1126, %shift_right_logical3A_1128 : vector<16xi32>
      %sub3A_1130 = vector.broadcast %mul3A_14 : i32 to vector<16xi32>
      %sub3A_1131 = arith.subi %shift_right_logical3A_1129, %sub3A_1130 : vector<16xi32>
      %swap3A_1132 = arith.constant 2 : i32
      %swap3A_1133 = arith.index_cast %swap3A_1132 : i32 to index
      %swap3A_1134 = arith.constant 32 : index
      %swap3A_1135 = tpu.vector_load %arg9[%swap3A_1133, %swap3A_1134] {strides = array<i32>} : memref<3x128xi32, #tpu.memory_space<vmem>>, vector<16xi32>,
      tpu.vector_store %arg9[%swap3A_1133, %swap3A_1134], %sub3A_1131 {strides = array<i32>} : memref<3x128xi32, #tpu.memory_space<vmem>>, vector<16xi32>,
      %get3A_1136 = arith.constant 2 : i32
      %get3A_1137 = arith.index_cast %get3A_1136 : i32 to index
      %get3A_1138 = arith.constant 48 : index
      %get3A_1139 = tpu.vector_load %arg8[%get3A_1137, %get3A_1138] {strides = array<i32>} : memref<3x128xi32, #tpu.memory_space<vmem>>, vector<16xi32>,
      %shift_right_logical3A_1140 = arith.constant 16 : i32
      %shift_right_logical3A_1141 = vector.broadcast %shift_right_logical3A_1140 : i32 to vector<16xi32>
      %shift_right_logical3A_1142 = arith.shrui %get3A_1139, %shift_right_logical3A_1141 : vector<16xi32>
      %sub3A_1143 = vector.broadcast %mul3A_14 : i32 to vector<16xi32>
      %sub3A_1144 = arith.subi %shift_right_logical3A_1142, %sub3A_1143 : vector<16xi32>
      %swap3A_1145 = arith.constant 2 : i32
      %swap3A_1146 = arith.index_cast %swap3A_1145 : i32 to index
      %swap3A_1147 = arith.constant 48 : index
      %swap3A_1148 = tpu.vector_load %arg9[%swap3A_1146, %swap3A_1147] {strides = array<i32>} : memref<3x128xi32, #tpu.memory_space<vmem>>, vector<16xi32>,
      tpu.vector_store %arg9[%swap3A_1146, %swap3A_1147], %sub3A_1144 {strides = array<i32>} : memref<3x128xi32, #tpu.memory_space<vmem>>, vector<16xi32>,
      %get3A_1149 = arith.constant 2 : i32
      %get3A_1150 = arith.index_cast %get3A_1149 : i32 to index
      %get3A_1151 = arith.constant 64 : index
      %get3A_1152 = tpu.vector_load %arg8[%get3A_1150, %get3A_1151] {strides = array<i32>} : memref<3x128xi32, #tpu.memory_space<vmem>>, vector<16xi32>,
      %shift_right_logical3A_1153 = arith.constant 16 : i32
      %shift_right_logical3A_1154 = vector.broadcast %shift_right_logical3A_1153 : i32 to vector<16xi32>
      %shift_right_logical3A_1155 = arith.shrui %get3A_1152, %shift_right_logical3A_1154 : vector<16xi32>
      %sub3A_1156 = vector.broadcast %mul3A_14 : i32 to vector<16xi32>
      %sub3A_1157 = arith.subi %shift_right_logical3A_1155, %sub3A_1156 : vector<16xi32>
      %swap3A_1158 = arith.constant 2 : i32
      %swap3A_1159 = arith.index_cast %swap3A_1158 : i32 to index
      %swap3A_1160 = arith.constant 64 : index
      %swap3A_1161 = tpu.vector_load %arg9[%swap3A_1159, %swap3A_1160] {strides = array<i32>} : memref<3x128xi32, #tpu.memory_space<vmem>>, vector<16xi32>,
      tpu.vector_store %arg9[%swap3A_1159, %swap3A_1160], %sub3A_1157 {strides = array<i32>} : memref<3x128xi32, #tpu.memory_space<vmem>>, vector<16xi32>,
      %get3A_1162 = arith.constant 2 : i32
      %get3A_1163 = arith.index_cast %get3A_1162 : i32 to index
      %get3A_1164 = arith.constant 80 : index
      %get3A_1165 = tpu.vector_load %arg8[%get3A_1163, %get3A_1164] {strides = array<i32>} : memref<3x128xi32, #tpu.memory_space<vmem>>, vector<16xi32>,
      %shift_right_logical3A_1166 = arith.constant 16 : i32
      %shift_right_logical3A_1167 = vector.broadcast %shift_right_logical3A_1166 : i32 to vector<16xi32>
      %shift_right_logical3A_1168 = arith.shrui %get3A_1165, %shift_right_logical3A_1167 : vector<16xi32>
      %sub3A_1169 = vector.broadcast %mul3A_14 : i32 to vector<16xi32>
      %sub3A_1170 = arith.subi %shift_right_logical3A_1168, %sub3A_1169 : vector<16xi32>
      %swap3A_1171 = arith.constant 2 : i32
      %swap3A_1172 = arith.index_cast %swap3A_1171 : i32 to index
      %swap3A_1173 = arith.constant 80 : index
      %swap3A_1174 = tpu.vector_load %arg9[%swap3A_1172, %swap3A_1173] {strides = array<i32>} : memref<3x128xi32, #tpu.memory_space<vmem>>, vector<16xi32>,
      tpu.vector_store %arg9[%swap3A_1172, %swap3A_1173], %sub3A_1170 {strides = array<i32>} : memref<3x128xi32, #tpu.memory_space<vmem>>, vector<16xi32>,
      %get3A_1175 = arith.constant 2 : i32
      %get3A_1176 = arith.index_cast %get3A_1175 : i32 to index
      %get3A_1177 = arith.constant 96 : index
      %get3A_1178 = tpu.vector_load %arg8[%get3A_1176, %get3A_1177] {strides = array<i32>} : memref<3x128xi32, #tpu.memory_space<vmem>>, vector<16xi32>,
      %shift_right_logical3A_1179 = arith.constant 16 : i32
      %shift_right_logical3A_1180 = vector.broadcast %shift_right_logical3A_1179 : i32 to vector<16xi32>
      %shift_right_logical3A_1181 = arith.shrui %get3A_1178, %shift_right_logical3A_1180 : vector<16xi32>
      %sub3A_1182 = vector.broadcast %mul3A_14 : i32 to vector<16xi32>
      %sub3A_1183 = arith.subi %shift_right_logical3A_1181, %sub3A_1182 : vector<16xi32>
      %swap3A_1184 = arith.constant 2 : i32
      %swap3A_1185 = arith.index_cast %swap3A_1184 : i32 to index
      %swap3A_1186 = arith.constant 96 : index
      %swap3A_1187 = tpu.vector_load %arg9[%swap3A_1185, %swap3A_1186] {strides = array<i32>} : memref<3x128xi32, #tpu.memory_space<vmem>>, vector<16xi32>,
      tpu.vector_store %arg9[%swap3A_1185, %swap3A_1186], %sub3A_1183 {strides = array<i32>} : memref<3x128xi32, #tpu.memory_space<vmem>>, vector<16xi32>,
      %get3A_1188 = arith.constant 2 : i32
      %get3A_1189 = arith.index_cast %get3A_1188 : i32 to index
      %get3A_1190 = arith.constant 112 : index
      %get3A_1191 = tpu.vector_load %arg8[%get3A_1189, %get3A_1190] {strides = array<i32>} : memref<3x128xi32, #tpu.memory_space<vmem>>, vector<16xi32>,
      %shift_right_logical3A_1192 = arith.constant 16 : i32
      %shift_right_logical3A_1193 = vector.broadcast %shift_right_logical3A_1192 : i32 to vector<16xi32>
      %shift_right_logical3A_1194 = arith.shrui %get3A_1191, %shift_right_logical3A_1193 : vector<16xi32>
      %sub3A_1195 = vector.broadcast %mul3A_14 : i32 to vector<16xi32>
      %sub3A_1196 = arith.subi %shift_right_logical3A_1194, %sub3A_1195 : vector<16xi32>
      %swap3A_1197 = arith.constant 2 : i32
      %swap3A_1198 = arith.index_cast %swap3A_1197 : i32 to index
      %swap3A_1199 = arith.constant 112 : index
      %swap3A_1200 = tpu.vector_load %arg9[%swap3A_1198, %swap3A_1199] {strides = array<i32>} : memref<3x128xi32, #tpu.memory_space<vmem>>, vector<16xi32>,
      tpu.vector_store %arg9[%swap3A_1198, %swap3A_1199], %sub3A_1196 {strides = array<i32>} : memref<3x128xi32, #tpu.memory_space<vmem>>, vector<16xi32>,
      %dma_start3A_1201 = arith.constant 0 : i32
      %dma_start3A_1202 = arith.constant 0 : i32
      %dma_start3A_1203 = tpu.memref_slice %arg11[%dma_start3A_1201, %dma_start3A_1202] : memref<3x128xi32, #tpu.memory_space<vmem>> -> memref<1x128xi32, #tpu.memory_space<vmem>>
      %dma_start3A_1204 = tpu.memref_squeeze %dma_start3A_1203 : memref<1x128xi32, #tpu.memory_space<vmem>> -> memref<128xi32, #tpu.memory_space<vmem>>
      %dma_start3A_1205 = arith.constant 0 : i32
      %dma_start3A_1206 = arith.constant 0 : i32
      %dma_start3A_1207 = tpu.memref_slice %arg5[%dma_start3A_1205, %dma_start3A_1206] : memref<25088x48xf32, #tpu.memory_space<vmem_shared>> -> memref<25088x48xf32, #tpu.memory_space<vmem_shared>>
      tpu.enqueue_indirect_dma source(%arg6 : memref<128x48xf32, #tpu.memory_space<vmem>>) target(%dma_start3A_1207 : memref<25088x48xf32, #tpu.memory_space<vmem_shared>>) offsets(%dma_start3A_1204 : memref<128xi32, #tpu.memory_space<vmem>>) semaphore(%arg14 : memref<!tpu.dma_semaphore, #tpu.memory_space<semaphore_mem>>) {add = true}
      %dma_start3A_1208 = arith.constant 1 : i32
      %dma_start3A_1209 = arith.constant 0 : i32
      %dma_start3A_1210 = tpu.memref_slice %arg11[%dma_start3A_1208, %dma_start3A_1209] : memref<3x128xi32, #tpu.memory_space<vmem>> -> memref<1x128xi32, #tpu.memory_space<vmem>>
      %dma_start3A_1211 = tpu.memref_squeeze %dma_start3A_1210 : memref<1x128xi32, #tpu.memory_space<vmem>> -> memref<128xi32, #tpu.memory_space<vmem>>
      %dma_start3A_1212 = arith.constant 0 : i32
      %dma_start3A_1213 = arith.constant 0 : i32
      %dma_start3A_1214 = tpu.memref_slice %arg5[%dma_start3A_1212, %dma_start3A_1213] : memref<25088x48xf32, #tpu.memory_space<vmem_shared>> -> memref<25088x48xf32, #tpu.memory_space<vmem_shared>>
      tpu.enqueue_indirect_dma source(%arg6 : memref<128x48xf32, #tpu.memory_space<vmem>>) target(%dma_start3A_1214 : memref<25088x48xf32, #tpu.memory_space<vmem_shared>>) offsets(%dma_start3A_1211 : memref<128xi32, #tpu.memory_space<vmem>>) semaphore(%arg14 : memref<!tpu.dma_semaphore, #tpu.memory_space<semaphore_mem>>) {add = true}
      %dma_start3A_1215 = arith.constant 2 : i32
      %dma_start3A_1216 = arith.constant 0 : i32
      %dma_start3A_1217 = tpu.memref_slice %arg11[%dma_start3A_1215, %dma_start3A_1216] : memref<3x128xi32, #tpu.memory_space<vmem>> -> memref<1x128xi32, #tpu.memory_space<vmem>>
      %dma_start3A_1218 = tpu.memref_squeeze %dma_start3A_1217 : memref<1x128xi32, #tpu.memory_space<vmem>> -> memref<128xi32, #tpu.memory_space<vmem>>
      %dma_start3A_1219 = arith.constant 0 : i32
      %dma_start3A_1220 = arith.constant 0 : i32
      %dma_start3A_1221 = tpu.memref_slice %arg5[%dma_start3A_1219, %dma_start3A_1220] : memref<25088x48xf32, #tpu.memory_space<vmem_shared>> -> memref<25088x48xf32, #tpu.memory_space<vmem_shared>>
      tpu.enqueue_indirect_dma source(%arg6 : memref<128x48xf32, #tpu.memory_space<vmem>>) target(%dma_start3A_1221 : memref<25088x48xf32, #tpu.memory_space<vmem_shared>>) offsets(%dma_start3A_1218 : memref<128xi32, #tpu.memory_space<vmem>>) semaphore(%arg14 : memref<!tpu.dma_semaphore, #tpu.memory_space<semaphore_mem>>) {add = true}
      %while3A_1222 = arith.constant 0 : i32
      scf.yield %while3A_1222 : i32
    }
    %while3A_403 = arith.constant 1 : i32
    %while3A_404 = scf.for %while3A_521 = %while3A_400 to %while3A_396 step %while3A_403 iter_args(%while3A_522 = %while3A_402) -> (i32)  : i32 {
      %mul3A_523 = arith.constant 2 : i32
      %mul3A_524 = arith.muli %mul3A_523, %while3A_521 : i32
      %add3A_525 = arith.constant 0 : i32
      %add3A_526 = arith.addi %mul3A_524, %add3A_525 : i32
      %gt3A = arith.constant 0 : i32
      %gt3A_527 = arith.cmpi sgt, %while3A_521, %gt3A : i32
      %convert_element_type3A = arith.extui %gt3A_527 : i1 to i32
      %cond3A = arith.constant 0 : i32
      %cond3A_528 = arith.cmpi ne, %convert_element_type3A, %cond3A : i32
      scf.if %cond3A_528 {
        %dma_wait3A_1223 = arith.constant 0 : i32
        %dma_wait3A_1224 = arith.constant 0 : i32
        %dma_wait3A_1225 = tpu.memref_slice %arg4[%dma_wait3A_1223, %dma_wait3A_1224] : memref<50176x48xf32, #tpu.memory_space<hbm>> -> memref<128x48xf32, #tpu.memory_space<hbm>>
        %dma_wait3A_1226 = arith.constant 0 : i32
        %dma_wait3A_1227 = arith.constant 0 : i32
        %dma_wait3A_1228 = tpu.memref_slice %arg4[%dma_wait3A_1226, %dma_wait3A_1227] : memref<50176x48xf32, #tpu.memory_space<hbm>> -> memref<128x48xf32, #tpu.memory_space<hbm>>
        tpu.wait_dma2 semaphore(%arg14 : memref<!tpu.dma_semaphore, #tpu.memory_space<semaphore_mem>>) src(%dma_wait3A_1228 : memref<128x48xf32, #tpu.memory_space<hbm>>) dst(%arg6 : memref<128x48xf32, #tpu.memory_space<vmem>>)
        %dma_wait3A_1229 = arith.constant 0 : i32
        %dma_wait3A_1230 = arith.constant 0 : i32
        %dma_wait3A_1231 = tpu.memref_slice %arg4[%dma_wait3A_1229, %dma_wait3A_1230] : memref<50176x48xf32, #tpu.memory_space<hbm>> -> memref<128x48xf32, #tpu.memory_space<hbm>>
        %dma_wait3A_1232 = arith.constant 0 : i32
        %dma_wait3A_1233 = arith.constant 0 : i32
        %dma_wait3A_1234 = tpu.memref_slice %arg4[%dma_wait3A_1232, %dma_wait3A_1233] : memref<50176x48xf32, #tpu.memory_space<hbm>> -> memref<128x48xf32, #tpu.memory_space<hbm>>
        tpu.wait_dma2 semaphore(%arg14 : memref<!tpu.dma_semaphore, #tpu.memory_space<semaphore_mem>>) src(%dma_wait3A_1234 : memref<128x48xf32, #tpu.memory_space<hbm>>) dst(%arg6 : memref<128x48xf32, #tpu.memory_space<vmem>>)
        %dma_wait3A_1235 = arith.constant 0 : i32
        %dma_wait3A_1236 = arith.constant 0 : i32
        %dma_wait3A_1237 = tpu.memref_slice %arg4[%dma_wait3A_1235, %dma_wait3A_1236] : memref<50176x48xf32, #tpu.memory_space<hbm>> -> memref<128x48xf32, #tpu.memory_space<hbm>>
        %dma_wait3A_1238 = arith.constant 0 : i32
        %dma_wait3A_1239 = arith.constant 0 : i32
        %dma_wait3A_1240 = tpu.memref_slice %arg4[%dma_wait3A_1238, %dma_wait3A_1239] : memref<50176x48xf32, #tpu.memory_space<hbm>> -> memref<128x48xf32, #tpu.memory_space<hbm>>
        tpu.wait_dma2 semaphore(%arg14 : memref<!tpu.dma_semaphore, #tpu.memory_space<semaphore_mem>>) src(%dma_wait3A_1240 : memref<128x48xf32, #tpu.memory_space<hbm>>) dst(%arg6 : memref<128x48xf32, #tpu.memory_space<vmem>>)
      } else {
      }
      %add3A_529 = arith.constant 1 : i32
      %add3A_530 = arith.addi %add3A_526, %add3A_529 : i32
      %add3A_531 = arith.addi %mul3A_12, %add3A_530 : i32
      "tpu.region"() ({
        %run_scoped3A = tpu.sem_alloc : memref<!tpu.dma_semaphore, #tpu.memory_space<semaphore_mem>>
        %dma_start3A_1223 = arith.constant 0 : i32
        %dma_start3A_1224 = arith.constant 0 : i32
        %dma_start3A_1225 = tpu.memref_slice %arg2[%arg0, %add3A_531, %dma_start3A_1223, %dma_start3A_1224] : memref<2x4193x3x128xi32, #tpu.memory_space<hbm>> -> memref<1x1x3x128xi32, #tpu.memory_space<hbm>>
        %dma_start3A_1226 = tpu.memref_squeeze %dma_start3A_1225 : memref<1x1x3x128xi32, #tpu.memory_space<hbm>> -> memref<3x128xi32, #tpu.memory_space<hbm>>
        %dma_start3A_1227 = arith.constant 0 : i32
        %dma_start3A_1228 = arith.constant 0 : i32
        %dma_start3A_1229 = tpu.memref_slice %arg2[%arg0, %add3A_531, %dma_start3A_1227, %dma_start3A_1228] : memref<2x4193x3x128xi32, #tpu.memory_space<hbm>> -> memref<1x1x3x128xi32, #tpu.memory_space<hbm>>
        %dma_start3A_1230 = tpu.memref_squeeze %dma_start3A_1229 : memref<1x1x3x128xi32, #tpu.memory_space<hbm>> -> memref<3x128xi32, #tpu.memory_space<hbm>>
        tpu.enqueue_dma source(%dma_start3A_1230 : memref<3x128xi32, #tpu.memory_space<hbm>>) target(%arg10 : memref<3x128xi32, #tpu.memory_space<vmem>>) target_semaphore(%run_scoped3A : memref<!tpu.dma_semaphore, #tpu.memory_space<semaphore_mem>>)
        %dma_wait3A_1231 = arith.constant 0 : i32
        %dma_wait3A_1232 = arith.constant 0 : i32
        %dma_wait3A_1233 = tpu.memref_slice %arg2[%arg0, %add3A_531, %dma_wait3A_1231, %dma_wait3A_1232] : memref<2x4193x3x128xi32, #tpu.memory_space<hbm>> -> memref<1x1x3x128xi32, #tpu.memory_space<hbm>>
        %dma_wait3A_1234 = tpu.memref_squeeze %dma_wait3A_1233 : memref<1x1x3x128xi32, #tpu.memory_space<hbm>> -> memref<3x128xi32, #tpu.memory_space<hbm>>
        %dma_wait3A_1235 = arith.constant 0 : i32
        %dma_wait3A_1236 = arith.constant 0 : i32
        %dma_wait3A_1237 = tpu.memref_slice %arg2[%arg0, %add3A_531, %dma_wait3A_1235, %dma_wait3A_1236] : memref<2x4193x3x128xi32, #tpu.memory_space<hbm>> -> memref<1x1x3x128xi32, #tpu.memory_space<hbm>>
        %dma_wait3A_1238 = tpu.memref_squeeze %dma_wait3A_1237 : memref<1x1x3x128xi32, #tpu.memory_space<hbm>> -> memref<3x128xi32, #tpu.memory_space<hbm>>
        tpu.wait_dma2 semaphore(%run_scoped3A : memref<!tpu.dma_semaphore, #tpu.memory_space<semaphore_mem>>) src(%dma_wait3A_1238 : memref<3x128xi32, #tpu.memory_space<hbm>>) dst(%arg10 : memref<3x128xi32, #tpu.memory_space<vmem>>)
        tpu.yield
      }) : () -> ()
      %get3A_532 = arith.constant 0 : i32
      %get3A_533 = arith.index_cast %get3A_532 : i32 to index
      %get3A_534 = arith.constant 0 : index
      %get3A_535 = tpu.vector_load %arg10[%get3A_533, %get3A_534] {strides = array<i32>} : memref<3x128xi32, #tpu.memory_space<vmem>>, vector<16xi32>,
      %shift_right_logical3A_536 = arith.constant 16 : i32
      %shift_right_logical3A_537 = vector.broadcast %shift_right_logical3A_536 : i32 to vector<16xi32>
      %shift_right_logical3A_538 = arith.shrui %get3A_535, %shift_right_logical3A_537 : vector<16xi32>
      %sub3A_539 = vector.broadcast %mul3A_14 : i32 to vector<16xi32>
      %sub3A_540 = arith.subi %shift_right_logical3A_538, %sub3A_539 : vector<16xi32>
      %swap3A_541 = arith.constant 0 : i32
      %swap3A_542 = arith.index_cast %swap3A_541 : i32 to index
      %swap3A_543 = arith.constant 0 : index
      %swap3A_544 = tpu.vector_load %arg11[%swap3A_542, %swap3A_543] {strides = array<i32>} : memref<3x128xi32, #tpu.memory_space<vmem>>, vector<16xi32>,
      tpu.vector_store %arg11[%swap3A_542, %swap3A_543], %sub3A_540 {strides = array<i32>} : memref<3x128xi32, #tpu.memory_space<vmem>>, vector<16xi32>,
      %get3A_545 = arith.constant 0 : i32
      %get3A_546 = arith.index_cast %get3A_545 : i32 to index
      %get3A_547 = arith.constant 16 : index
      %get3A_548 = tpu.vector_load %arg10[%get3A_546, %get3A_547] {strides = array<i32>} : memref<3x128xi32, #tpu.memory_space<vmem>>, vector<16xi32>,
      %shift_right_logical3A_549 = arith.constant 16 : i32
      %shift_right_logical3A_550 = vector.broadcast %shift_right_logical3A_549 : i32 to vector<16xi32>
      %shift_right_logical3A_551 = arith.shrui %get3A_548, %shift_right_logical3A_550 : vector<16xi32>
      %sub3A_552 = vector.broadcast %mul3A_14 : i32 to vector<16xi32>
      %sub3A_553 = arith.subi %shift_right_logical3A_551, %sub3A_552 : vector<16xi32>
      %swap3A_554 = arith.constant 0 : i32
      %swap3A_555 = arith.index_cast %swap3A_554 : i32 to index
      %swap3A_556 = arith.constant 16 : index
      %swap3A_557 = tpu.vector_load %arg11[%swap3A_555, %swap3A_556] {strides = array<i32>} : memref<3x128xi32, #tpu.memory_space<vmem>>, vector<16xi32>,
      tpu.vector_store %arg11[%swap3A_555, %swap3A_556], %sub3A_553 {strides = array<i32>} : memref<3x128xi32, #tpu.memory_space<vmem>>, vector<16xi32>,
      %get3A_558 = arith.constant 0 : i32
      %get3A_559 = arith.index_cast %get3A_558 : i32 to index
      %get3A_560 = arith.constant 32 : index
      %get3A_561 = tpu.vector_load %arg10[%get3A_559, %get3A_560] {strides = array<i32>} : memref<3x128xi32, #tpu.memory_space<vmem>>, vector<16xi32>,
      %shift_right_logical3A_562 = arith.constant 16 : i32
      %shift_right_logical3A_563 = vector.broadcast %shift_right_logical3A_562 : i32 to vector<16xi32>
      %shift_right_logical3A_564 = arith.shrui %get3A_561, %shift_right_logical3A_563 : vector<16xi32>
      %sub3A_565 = vector.broadcast %mul3A_14 : i32 to vector<16xi32>
      %sub3A_566 = arith.subi %shift_right_logical3A_564, %sub3A_565 : vector<16xi32>
      %swap3A_567 = arith.constant 0 : i32
      %swap3A_568 = arith.index_cast %swap3A_567 : i32 to index
      %swap3A_569 = arith.constant 32 : index
      %swap3A_570 = tpu.vector_load %arg11[%swap3A_568, %swap3A_569] {strides = array<i32>} : memref<3x128xi32, #tpu.memory_space<vmem>>, vector<16xi32>,
      tpu.vector_store %arg11[%swap3A_568, %swap3A_569], %sub3A_566 {strides = array<i32>} : memref<3x128xi32, #tpu.memory_space<vmem>>, vector<16xi32>,
      %get3A_571 = arith.constant 0 : i32
      %get3A_572 = arith.index_cast %get3A_571 : i32 to index
      %get3A_573 = arith.constant 48 : index
      %get3A_574 = tpu.vector_load %arg10[%get3A_572, %get3A_573] {strides = array<i32>} : memref<3x128xi32, #tpu.memory_space<vmem>>, vector<16xi32>,
      %shift_right_logical3A_575 = arith.constant 16 : i32
      %shift_right_logical3A_576 = vector.broadcast %shift_right_logical3A_575 : i32 to vector<16xi32>
      %shift_right_logical3A_577 = arith.shrui %get3A_574, %shift_right_logical3A_576 : vector<16xi32>
      %sub3A_578 = vector.broadcast %mul3A_14 : i32 to vector<16xi32>
      %sub3A_579 = arith.subi %shift_right_logical3A_577, %sub3A_578 : vector<16xi32>
      %swap3A_580 = arith.constant 0 : i32
      %swap3A_581 = arith.index_cast %swap3A_580 : i32 to index
      %swap3A_582 = arith.constant 48 : index
      %swap3A_583 = tpu.vector_load %arg11[%swap3A_581, %swap3A_582] {strides = array<i32>} : memref<3x128xi32, #tpu.memory_space<vmem>>, vector<16xi32>,
      tpu.vector_store %arg11[%swap3A_581, %swap3A_582], %sub3A_579 {strides = array<i32>} : memref<3x128xi32, #tpu.memory_space<vmem>>, vector<16xi32>,
      %get3A_584 = arith.constant 0 : i32
      %get3A_585 = arith.index_cast %get3A_584 : i32 to index
      %get3A_586 = arith.constant 64 : index
      %get3A_587 = tpu.vector_load %arg10[%get3A_585, %get3A_586] {strides = array<i32>} : memref<3x128xi32, #tpu.memory_space<vmem>>, vector<16xi32>,
      %shift_right_logical3A_588 = arith.constant 16 : i32
      %shift_right_logical3A_589 = vector.broadcast %shift_right_logical3A_588 : i32 to vector<16xi32>
      %shift_right_logical3A_590 = arith.shrui %get3A_587, %shift_right_logical3A_589 : vector<16xi32>
      %sub3A_591 = vector.broadcast %mul3A_14 : i32 to vector<16xi32>
      %sub3A_592 = arith.subi %shift_right_logical3A_590, %sub3A_591 : vector<16xi32>
      %swap3A_593 = arith.constant 0 : i32
      %swap3A_594 = arith.index_cast %swap3A_593 : i32 to index
      %swap3A_595 = arith.constant 64 : index
      %swap3A_596 = tpu.vector_load %arg11[%swap3A_594, %swap3A_595] {strides = array<i32>} : memref<3x128xi32, #tpu.memory_space<vmem>>, vector<16xi32>,
      tpu.vector_store %arg11[%swap3A_594, %swap3A_595], %sub3A_592 {strides = array<i32>} : memref<3x128xi32, #tpu.memory_space<vmem>>, vector<16xi32>,
      %get3A_597 = arith.constant 0 : i32
      %get3A_598 = arith.index_cast %get3A_597 : i32 to index
      %get3A_599 = arith.constant 80 : index
      %get3A_600 = tpu.vector_load %arg10[%get3A_598, %get3A_599] {strides = array<i32>} : memref<3x128xi32, #tpu.memory_space<vmem>>, vector<16xi32>,
      %shift_right_logical3A_601 = arith.constant 16 : i32
      %shift_right_logical3A_602 = vector.broadcast %shift_right_logical3A_601 : i32 to vector<16xi32>
      %shift_right_logical3A_603 = arith.shrui %get3A_600, %shift_right_logical3A_602 : vector<16xi32>
      %sub3A_604 = vector.broadcast %mul3A_14 : i32 to vector<16xi32>
      %sub3A_605 = arith.subi %shift_right_logical3A_603, %sub3A_604 : vector<16xi32>
      %swap3A_606 = arith.constant 0 : i32
      %swap3A_607 = arith.index_cast %swap3A_606 : i32 to index
      %swap3A_608 = arith.constant 80 : index
      %swap3A_609 = tpu.vector_load %arg11[%swap3A_607, %swap3A_608] {strides = array<i32>} : memref<3x128xi32, #tpu.memory_space<vmem>>, vector<16xi32>,
      tpu.vector_store %arg11[%swap3A_607, %swap3A_608], %sub3A_605 {strides = array<i32>} : memref<3x128xi32, #tpu.memory_space<vmem>>, vector<16xi32>,
      %get3A_610 = arith.constant 0 : i32
      %get3A_611 = arith.index_cast %get3A_610 : i32 to index
      %get3A_612 = arith.constant 96 : index
      %get3A_613 = tpu.vector_load %arg10[%get3A_611, %get3A_612] {strides = array<i32>} : memref<3x128xi32, #tpu.memory_space<vmem>>, vector<16xi32>,
      %shift_right_logical3A_614 = arith.constant 16 : i32
      %shift_right_logical3A_615 = vector.broadcast %shift_right_logical3A_614 : i32 to vector<16xi32>
      %shift_right_logical3A_616 = arith.shrui %get3A_613, %shift_right_logical3A_615 : vector<16xi32>
      %sub3A_617 = vector.broadcast %mul3A_14 : i32 to vector<16xi32>
      %sub3A_618 = arith.subi %shift_right_logical3A_616, %sub3A_617 : vector<16xi32>
      %swap3A_619 = arith.constant 0 : i32
      %swap3A_620 = arith.index_cast %swap3A_619 : i32 to index
      %swap3A_621 = arith.constant 96 : index
      %swap3A_622 = tpu.vector_load %arg11[%swap3A_620, %swap3A_621] {strides = array<i32>} : memref<3x128xi32, #tpu.memory_space<vmem>>, vector<16xi32>,
      tpu.vector_store %arg11[%swap3A_620, %swap3A_621], %sub3A_618 {strides = array<i32>} : memref<3x128xi32, #tpu.memory_space<vmem>>, vector<16xi32>,
      %get3A_623 = arith.constant 0 : i32
      %get3A_624 = arith.index_cast %get3A_623 : i32 to index
      %get3A_625 = arith.constant 112 : index
      %get3A_626 = tpu.vector_load %arg10[%get3A_624, %get3A_625] {strides = array<i32>} : memref<3x128xi32, #tpu.memory_space<vmem>>, vector<16xi32>,
      %shift_right_logical3A_627 = arith.constant 16 : i32
      %shift_right_logical3A_628 = vector.broadcast %shift_right_logical3A_627 : i32 to vector<16xi32>
      %shift_right_logical3A_629 = arith.shrui %get3A_626, %shift_right_logical3A_628 : vector<16xi32>
      %sub3A_630 = vector.broadcast %mul3A_14 : i32 to vector<16xi32>
      %sub3A_631 = arith.subi %shift_right_logical3A_629, %sub3A_630 : vector<16xi32>
      %swap3A_632 = arith.constant 0 : i32
      %swap3A_633 = arith.index_cast %swap3A_632 : i32 to index
      %swap3A_634 = arith.constant 112 : index
      %swap3A_635 = tpu.vector_load %arg11[%swap3A_633, %swap3A_634] {strides = array<i32>} : memref<3x128xi32, #tpu.memory_space<vmem>>, vector<16xi32>,
      tpu.vector_store %arg11[%swap3A_633, %swap3A_634], %sub3A_631 {strides = array<i32>} : memref<3x128xi32, #tpu.memory_space<vmem>>, vector<16xi32>,
      %get3A_636 = arith.constant 1 : i32
      %get3A_637 = arith.index_cast %get3A_636 : i32 to index
      %get3A_638 = arith.constant 0 : index
      %get3A_639 = tpu.vector_load %arg10[%get3A_637, %get3A_638] {strides = array<i32>} : memref<3x128xi32, #tpu.memory_space<vmem>>, vector<16xi32>,
      %shift_right_logical3A_640 = arith.constant 16 : i32
      %shift_right_logical3A_641 = vector.broadcast %shift_right_logical3A_640 : i32 to vector<16xi32>
      %shift_right_logical3A_642 = arith.shrui %get3A_639, %shift_right_logical3A_641 : vector<16xi32>
      %sub3A_643 = vector.broadcast %mul3A_14 : i32 to vector<16xi32>
      %sub3A_644 = arith.subi %shift_right_logical3A_642, %sub3A_643 : vector<16xi32>
      %swap3A_645 = arith.constant 1 : i32
      %swap3A_646 = arith.index_cast %swap3A_645 : i32 to index
      %swap3A_647 = arith.constant 0 : index
      %swap3A_648 = tpu.vector_load %arg11[%swap3A_646, %swap3A_647] {strides = array<i32>} : memref<3x128xi32, #tpu.memory_space<vmem>>, vector<16xi32>,
      tpu.vector_store %arg11[%swap3A_646, %swap3A_647], %sub3A_644 {strides = array<i32>} : memref<3x128xi32, #tpu.memory_space<vmem>>, vector<16xi32>,
      %get3A_649 = arith.constant 1 : i32
      %get3A_650 = arith.index_cast %get3A_649 : i32 to index
      %get3A_651 = arith.constant 16 : index
      %get3A_652 = tpu.vector_load %arg10[%get3A_650, %get3A_651] {strides = array<i32>} : memref<3x128xi32, #tpu.memory_space<vmem>>, vector<16xi32>,
      %shift_right_logical3A_653 = arith.constant 16 : i32
      %shift_right_logical3A_654 = vector.broadcast %shift_right_logical3A_653 : i32 to vector<16xi32>
      %shift_right_logical3A_655 = arith.shrui %get3A_652, %shift_right_logical3A_654 : vector<16xi32>
      %sub3A_656 = vector.broadcast %mul3A_14 : i32 to vector<16xi32>
      %sub3A_657 = arith.subi %shift_right_logical3A_655, %sub3A_656 : vector<16xi32>
      %swap3A_658 = arith.constant 1 : i32
      %swap3A_659 = arith.index_cast %swap3A_658 : i32 to index
      %swap3A_660 = arith.constant 16 : index
      %swap3A_661 = tpu.vector_load %arg11[%swap3A_659, %swap3A_660] {strides = array<i32>} : memref<3x128xi32, #tpu.memory_space<vmem>>, vector<16xi32>,
      tpu.vector_store %arg11[%swap3A_659, %swap3A_660], %sub3A_657 {strides = array<i32>} : memref<3x128xi32, #tpu.memory_space<vmem>>, vector<16xi32>,
      %get3A_662 = arith.constant 1 : i32
      %get3A_663 = arith.index_cast %get3A_662 : i32 to index
      %get3A_664 = arith.constant 32 : index
      %get3A_665 = tpu.vector_load %arg10[%get3A_663, %get3A_664] {strides = array<i32>} : memref<3x128xi32, #tpu.memory_space<vmem>>, vector<16xi32>,
      %shift_right_logical3A_666 = arith.constant 16 : i32
      %shift_right_logical3A_667 = vector.broadcast %shift_right_logical3A_666 : i32 to vector<16xi32>
      %shift_right_logical3A_668 = arith.shrui %get3A_665, %shift_right_logical3A_667 : vector<16xi32>
      %sub3A_669 = vector.broadcast %mul3A_14 : i32 to vector<16xi32>
      %sub3A_670 = arith.subi %shift_right_logical3A_668, %sub3A_669 : vector<16xi32>
      %swap3A_671 = arith.constant 1 : i32
      %swap3A_672 = arith.index_cast %swap3A_671 : i32 to index
      %swap3A_673 = arith.constant 32 : index
      %swap3A_674 = tpu.vector_load %arg11[%swap3A_672, %swap3A_673] {strides = array<i32>} : memref<3x128xi32, #tpu.memory_space<vmem>>, vector<16xi32>,
      tpu.vector_store %arg11[%swap3A_672, %swap3A_673], %sub3A_670 {strides = array<i32>} : memref<3x128xi32, #tpu.memory_space<vmem>>, vector<16xi32>,
      %get3A_675 = arith.constant 1 : i32
      %get3A_676 = arith.index_cast %get3A_675 : i32 to index
      %get3A_677 = arith.constant 48 : index
      %get3A_678 = tpu.vector_load %arg10[%get3A_676, %get3A_677] {strides = array<i32>} : memref<3x128xi32, #tpu.memory_space<vmem>>, vector<16xi32>,
      %shift_right_logical3A_679 = arith.constant 16 : i32
      %shift_right_logical3A_680 = vector.broadcast %shift_right_logical3A_679 : i32 to vector<16xi32>
      %shift_right_logical3A_681 = arith.shrui %get3A_678, %shift_right_logical3A_680 : vector<16xi32>
      %sub3A_682 = vector.broadcast %mul3A_14 : i32 to vector<16xi32>
      %sub3A_683 = arith.subi %shift_right_logical3A_681, %sub3A_682 : vector<16xi32>
      %swap3A_684 = arith.constant 1 : i32
      %swap3A_685 = arith.index_cast %swap3A_684 : i32 to index
      %swap3A_686 = arith.constant 48 : index
      %swap3A_687 = tpu.vector_load %arg11[%swap3A_685, %swap3A_686] {strides = array<i32>} : memref<3x128xi32, #tpu.memory_space<vmem>>, vector<16xi32>,
      tpu.vector_store %arg11[%swap3A_685, %swap3A_686], %sub3A_683 {strides = array<i32>} : memref<3x128xi32, #tpu.memory_space<vmem>>, vector<16xi32>,
      %get3A_688 = arith.constant 1 : i32
      %get3A_689 = arith.index_cast %get3A_688 : i32 to index
      %get3A_690 = arith.constant 64 : index
      %get3A_691 = tpu.vector_load %arg10[%get3A_689, %get3A_690] {strides = array<i32>} : memref<3x128xi32, #tpu.memory_space<vmem>>, vector<16xi32>,
      %shift_right_logical3A_692 = arith.constant 16 : i32
      %shift_right_logical3A_693 = vector.broadcast %shift_right_logical3A_692 : i32 to vector<16xi32>
      %shift_right_logical3A_694 = arith.shrui %get3A_691, %shift_right_logical3A_693 : vector<16xi32>
      %sub3A_695 = vector.broadcast %mul3A_14 : i32 to vector<16xi32>
      %sub3A_696 = arith.subi %shift_right_logical3A_694, %sub3A_695 : vector<16xi32>
      %swap3A_697 = arith.constant 1 : i32
      %swap3A_698 = arith.index_cast %swap3A_697 : i32 to index
      %swap3A_699 = arith.constant 64 : index
      %swap3A_700 = tpu.vector_load %arg11[%swap3A_698, %swap3A_699] {strides = array<i32>} : memref<3x128xi32, #tpu.memory_space<vmem>>, vector<16xi32>,
      tpu.vector_store %arg11[%swap3A_698, %swap3A_699], %sub3A_696 {strides = array<i32>} : memref<3x128xi32, #tpu.memory_space<vmem>>, vector<16xi32>,
      %get3A_701 = arith.constant 1 : i32
      %get3A_702 = arith.index_cast %get3A_701 : i32 to index
      %get3A_703 = arith.constant 80 : index
      %get3A_704 = tpu.vector_load %arg10[%get3A_702, %get3A_703] {strides = array<i32>} : memref<3x128xi32, #tpu.memory_space<vmem>>, vector<16xi32>,
      %shift_right_logical3A_705 = arith.constant 16 : i32
      %shift_right_logical3A_706 = vector.broadcast %shift_right_logical3A_705 : i32 to vector<16xi32>
      %shift_right_logical3A_707 = arith.shrui %get3A_704, %shift_right_logical3A_706 : vector<16xi32>
      %sub3A_708 = vector.broadcast %mul3A_14 : i32 to vector<16xi32>
      %sub3A_709 = arith.subi %shift_right_logical3A_707, %sub3A_708 : vector<16xi32>
      %swap3A_710 = arith.constant 1 : i32
      %swap3A_711 = arith.index_cast %swap3A_710 : i32 to index
      %swap3A_712 = arith.constant 80 : index
      %swap3A_713 = tpu.vector_load %arg11[%swap3A_711, %swap3A_712] {strides = array<i32>} : memref<3x128xi32, #tpu.memory_space<vmem>>, vector<16xi32>,
      tpu.vector_store %arg11[%swap3A_711, %swap3A_712], %sub3A_709 {strides = array<i32>} : memref<3x128xi32, #tpu.memory_space<vmem>>, vector<16xi32>,
      %get3A_714 = arith.constant 1 : i32
      %get3A_715 = arith.index_cast %get3A_714 : i32 to index
      %get3A_716 = arith.constant 96 : index
      %get3A_717 = tpu.vector_load %arg10[%get3A_715, %get3A_716] {strides = array<i32>} : memref<3x128xi32, #tpu.memory_space<vmem>>, vector<16xi32>,
      %shift_right_logical3A_718 = arith.constant 16 : i32
      %shift_right_logical3A_719 = vector.broadcast %shift_right_logical3A_718 : i32 to vector<16xi32>
      %shift_right_logical3A_720 = arith.shrui %get3A_717, %shift_right_logical3A_719 : vector<16xi32>
      %sub3A_721 = vector.broadcast %mul3A_14 : i32 to vector<16xi32>
      %sub3A_722 = arith.subi %shift_right_logical3A_720, %sub3A_721 : vector<16xi32>
      %swap3A_723 = arith.constant 1 : i32
      %swap3A_724 = arith.index_cast %swap3A_723 : i32 to index
      %swap3A_725 = arith.constant 96 : index
      %swap3A_726 = tpu.vector_load %arg11[%swap3A_724, %swap3A_725] {strides = array<i32>} : memref<3x128xi32, #tpu.memory_space<vmem>>, vector<16xi32>,
      tpu.vector_store %arg11[%swap3A_724, %swap3A_725], %sub3A_722 {strides = array<i32>} : memref<3x128xi32, #tpu.memory_space<vmem>>, vector<16xi32>,
      %get3A_727 = arith.constant 1 : i32
      %get3A_728 = arith.index_cast %get3A_727 : i32 to index
      %get3A_729 = arith.constant 112 : index
      %get3A_730 = tpu.vector_load %arg10[%get3A_728, %get3A_729] {strides = array<i32>} : memref<3x128xi32, #tpu.memory_space<vmem>>, vector<16xi32>,
      %shift_right_logical3A_731 = arith.constant 16 : i32
      %shift_right_logical3A_732 = vector.broadcast %shift_right_logical3A_731 : i32 to vector<16xi32>
      %shift_right_logical3A_733 = arith.shrui %get3A_730, %shift_right_logical3A_732 : vector<16xi32>
      %sub3A_734 = vector.broadcast %mul3A_14 : i32 to vector<16xi32>
      %sub3A_735 = arith.subi %shift_right_logical3A_733, %sub3A_734 : vector<16xi32>
      %swap3A_736 = arith.constant 1 : i32
      %swap3A_737 = arith.index_cast %swap3A_736 : i32 to index
      %swap3A_738 = arith.constant 112 : index
      %swap3A_739 = tpu.vector_load %arg11[%swap3A_737, %swap3A_738] {strides = array<i32>} : memref<3x128xi32, #tpu.memory_space<vmem>>, vector<16xi32>,
      tpu.vector_store %arg11[%swap3A_737, %swap3A_738], %sub3A_735 {strides = array<i32>} : memref<3x128xi32, #tpu.memory_space<vmem>>, vector<16xi32>,
      %get3A_740 = arith.constant 2 : i32
      %get3A_741 = arith.index_cast %get3A_740 : i32 to index
      %get3A_742 = arith.constant 0 : index
      %get3A_743 = tpu.vector_load %arg10[%get3A_741, %get3A_742] {strides = array<i32>} : memref<3x128xi32, #tpu.memory_space<vmem>>, vector<16xi32>,
      %shift_right_logical3A_744 = arith.constant 16 : i32
      %shift_right_logical3A_745 = vector.broadcast %shift_right_logical3A_744 : i32 to vector<16xi32>
      %shift_right_logical3A_746 = arith.shrui %get3A_743, %shift_right_logical3A_745 : vector<16xi32>
      %sub3A_747 = vector.broadcast %mul3A_14 : i32 to vector<16xi32>
      %sub3A_748 = arith.subi %shift_right_logical3A_746, %sub3A_747 : vector<16xi32>
      %swap3A_749 = arith.constant 2 : i32
      %swap3A_750 = arith.index_cast %swap3A_749 : i32 to index
      %swap3A_751 = arith.constant 0 : index
      %swap3A_752 = tpu.vector_load %arg11[%swap3A_750, %swap3A_751] {strides = array<i32>} : memref<3x128xi32, #tpu.memory_space<vmem>>, vector<16xi32>,
      tpu.vector_store %arg11[%swap3A_750, %swap3A_751], %sub3A_748 {strides = array<i32>} : memref<3x128xi32, #tpu.memory_space<vmem>>, vector<16xi32>,
      %get3A_753 = arith.constant 2 : i32
      %get3A_754 = arith.index_cast %get3A_753 : i32 to index
      %get3A_755 = arith.constant 16 : index
      %get3A_756 = tpu.vector_load %arg10[%get3A_754, %get3A_755] {strides = array<i32>} : memref<3x128xi32, #tpu.memory_space<vmem>>, vector<16xi32>,
      %shift_right_logical3A_757 = arith.constant 16 : i32
      %shift_right_logical3A_758 = vector.broadcast %shift_right_logical3A_757 : i32 to vector<16xi32>
      %shift_right_logical3A_759 = arith.shrui %get3A_756, %shift_right_logical3A_758 : vector<16xi32>
      %sub3A_760 = vector.broadcast %mul3A_14 : i32 to vector<16xi32>
      %sub3A_761 = arith.subi %shift_right_logical3A_759, %sub3A_760 : vector<16xi32>
      %swap3A_762 = arith.constant 2 : i32
      %swap3A_763 = arith.index_cast %swap3A_762 : i32 to index
      %swap3A_764 = arith.constant 16 : index
      %swap3A_765 = tpu.vector_load %arg11[%swap3A_763, %swap3A_764] {strides = array<i32>} : memref<3x128xi32, #tpu.memory_space<vmem>>, vector<16xi32>,
      tpu.vector_store %arg11[%swap3A_763, %swap3A_764], %sub3A_761 {strides = array<i32>} : memref<3x128xi32, #tpu.memory_space<vmem>>, vector<16xi32>,
      %get3A_766 = arith.constant 2 : i32
      %get3A_767 = arith.index_cast %get3A_766 : i32 to index
      %get3A_768 = arith.constant 32 : index
      %get3A_769 = tpu.vector_load %arg10[%get3A_767, %get3A_768] {strides = array<i32>} : memref<3x128xi32, #tpu.memory_space<vmem>>, vector<16xi32>,
      %shift_right_logical3A_770 = arith.constant 16 : i32
      %shift_right_logical3A_771 = vector.broadcast %shift_right_logical3A_770 : i32 to vector<16xi32>
      %shift_right_logical3A_772 = arith.shrui %get3A_769, %shift_right_logical3A_771 : vector<16xi32>
      %sub3A_773 = vector.broadcast %mul3A_14 : i32 to vector<16xi32>
      %sub3A_774 = arith.subi %shift_right_logical3A_772, %sub3A_773 : vector<16xi32>
      %swap3A_775 = arith.constant 2 : i32
      %swap3A_776 = arith.index_cast %swap3A_775 : i32 to index
      %swap3A_777 = arith.constant 32 : index
      %swap3A_778 = tpu.vector_load %arg11[%swap3A_776, %swap3A_777] {strides = array<i32>} : memref<3x128xi32, #tpu.memory_space<vmem>>, vector<16xi32>,
      tpu.vector_store %arg11[%swap3A_776, %swap3A_777], %sub3A_774 {strides = array<i32>} : memref<3x128xi32, #tpu.memory_space<vmem>>, vector<16xi32>,
      %get3A_779 = arith.constant 2 : i32
      %get3A_780 = arith.index_cast %get3A_779 : i32 to index
      %get3A_781 = arith.constant 48 : index
      %get3A_782 = tpu.vector_load %arg10[%get3A_780, %get3A_781] {strides = array<i32>} : memref<3x128xi32, #tpu.memory_space<vmem>>, vector<16xi32>,
      %shift_right_logical3A_783 = arith.constant 16 : i32
      %shift_right_logical3A_784 = vector.broadcast %shift_right_logical3A_783 : i32 to vector<16xi32>
      %shift_right_logical3A_785 = arith.shrui %get3A_782, %shift_right_logical3A_784 : vector<16xi32>
      %sub3A_786 = vector.broadcast %mul3A_14 : i32 to vector<16xi32>
      %sub3A_787 = arith.subi %shift_right_logical3A_785, %sub3A_786 : vector<16xi32>
      %swap3A_788 = arith.constant 2 : i32
      %swap3A_789 = arith.index_cast %swap3A_788 : i32 to index
      %swap3A_790 = arith.constant 48 : index
      %swap3A_791 = tpu.vector_load %arg11[%swap3A_789, %swap3A_790] {strides = array<i32>} : memref<3x128xi32, #tpu.memory_space<vmem>>, vector<16xi32>,
      tpu.vector_store %arg11[%swap3A_789, %swap3A_790], %sub3A_787 {strides = array<i32>} : memref<3x128xi32, #tpu.memory_space<vmem>>, vector<16xi32>,
      %get3A_792 = arith.constant 2 : i32
      %get3A_793 = arith.index_cast %get3A_792 : i32 to index
      %get3A_794 = arith.constant 64 : index
      %get3A_795 = tpu.vector_load %arg10[%get3A_793, %get3A_794] {strides = array<i32>} : memref<3x128xi32, #tpu.memory_space<vmem>>, vector<16xi32>,
      %shift_right_logical3A_796 = arith.constant 16 : i32
      %shift_right_logical3A_797 = vector.broadcast %shift_right_logical3A_796 : i32 to vector<16xi32>
      %shift_right_logical3A_798 = arith.shrui %get3A_795, %shift_right_logical3A_797 : vector<16xi32>
      %sub3A_799 = vector.broadcast %mul3A_14 : i32 to vector<16xi32>
      %sub3A_800 = arith.subi %shift_right_logical3A_798, %sub3A_799 : vector<16xi32>
      %swap3A_801 = arith.constant 2 : i32
      %swap3A_802 = arith.index_cast %swap3A_801 : i32 to index
      %swap3A_803 = arith.constant 64 : index
      %swap3A_804 = tpu.vector_load %arg11[%swap3A_802, %swap3A_803] {strides = array<i32>} : memref<3x128xi32, #tpu.memory_space<vmem>>, vector<16xi32>,
      tpu.vector_store %arg11[%swap3A_802, %swap3A_803], %sub3A_800 {strides = array<i32>} : memref<3x128xi32, #tpu.memory_space<vmem>>, vector<16xi32>,
      %get3A_805 = arith.constant 2 : i32
      %get3A_806 = arith.index_cast %get3A_805 : i32 to index
      %get3A_807 = arith.constant 80 : index
      %get3A_808 = tpu.vector_load %arg10[%get3A_806, %get3A_807] {strides = array<i32>} : memref<3x128xi32, #tpu.memory_space<vmem>>, vector<16xi32>,
      %shift_right_logical3A_809 = arith.constant 16 : i32
      %shift_right_logical3A_810 = vector.broadcast %shift_right_logical3A_809 : i32 to vector<16xi32>
      %shift_right_logical3A_811 = arith.shrui %get3A_808, %shift_right_logical3A_810 : vector<16xi32>
      %sub3A_812 = vector.broadcast %mul3A_14 : i32 to vector<16xi32>
      %sub3A_813 = arith.subi %shift_right_logical3A_811, %sub3A_812 : vector<16xi32>
      %swap3A_814 = arith.constant 2 : i32
      %swap3A_815 = arith.index_cast %swap3A_814 : i32 to index
      %swap3A_816 = arith.constant 80 : index
      %swap3A_817 = tpu.vector_load %arg11[%swap3A_815, %swap3A_816] {strides = array<i32>} : memref<3x128xi32, #tpu.memory_space<vmem>>, vector<16xi32>,
      tpu.vector_store %arg11[%swap3A_815, %swap3A_816], %sub3A_813 {strides = array<i32>} : memref<3x128xi32, #tpu.memory_space<vmem>>, vector<16xi32>,
      %get3A_818 = arith.constant 2 : i32
      %get3A_819 = arith.index_cast %get3A_818 : i32 to index
      %get3A_820 = arith.constant 96 : index
      %get3A_821 = tpu.vector_load %arg10[%get3A_819, %get3A_820] {strides = array<i32>} : memref<3x128xi32, #tpu.memory_space<vmem>>, vector<16xi32>,
      %shift_right_logical3A_822 = arith.constant 16 : i32
      %shift_right_logical3A_823 = vector.broadcast %shift_right_logical3A_822 : i32 to vector<16xi32>
      %shift_right_logical3A_824 = arith.shrui %get3A_821, %shift_right_logical3A_823 : vector<16xi32>
      %sub3A_825 = vector.broadcast %mul3A_14 : i32 to vector<16xi32>
      %sub3A_826 = arith.subi %shift_right_logical3A_824, %sub3A_825 : vector<16xi32>
      %swap3A_827 = arith.constant 2 : i32
      %swap3A_828 = arith.index_cast %swap3A_827 : i32 to index
      %swap3A_829 = arith.constant 96 : index
      %swap3A_830 = tpu.vector_load %arg11[%swap3A_828, %swap3A_829] {strides = array<i32>} : memref<3x128xi32, #tpu.memory_space<vmem>>, vector<16xi32>,
      tpu.vector_store %arg11[%swap3A_828, %swap3A_829], %sub3A_826 {strides = array<i32>} : memref<3x128xi32, #tpu.memory_space<vmem>>, vector<16xi32>,
      %get3A_831 = arith.constant 2 : i32
      %get3A_832 = arith.index_cast %get3A_831 : i32 to index
      %get3A_833 = arith.constant 112 : index
      %get3A_834 = tpu.vector_load %arg10[%get3A_832, %get3A_833] {strides = array<i32>} : memref<3x128xi32, #tpu.memory_space<vmem>>, vector<16xi32>,
      %shift_right_logical3A_835 = arith.constant 16 : i32
      %shift_right_logical3A_836 = vector.broadcast %shift_right_logical3A_835 : i32 to vector<16xi32>
      %shift_right_logical3A_837 = arith.shrui %get3A_834, %shift_right_logical3A_836 : vector<16xi32>
      %sub3A_838 = vector.broadcast %mul3A_14 : i32 to vector<16xi32>
      %sub3A_839 = arith.subi %shift_right_logical3A_837, %sub3A_838 : vector<16xi32>
      %swap3A_840 = arith.constant 2 : i32
      %swap3A_841 = arith.index_cast %swap3A_840 : i32 to index
      %swap3A_842 = arith.constant 112 : index
      %swap3A_843 = tpu.vector_load %arg11[%swap3A_841, %swap3A_842] {strides = array<i32>} : memref<3x128xi32, #tpu.memory_space<vmem>>, vector<16xi32>,
      tpu.vector_store %arg11[%swap3A_841, %swap3A_842], %sub3A_839 {strides = array<i32>} : memref<3x128xi32, #tpu.memory_space<vmem>>, vector<16xi32>,
      %dma_start3A = arith.constant 0 : i32
      %dma_start3A_844 = arith.constant 0 : i32
      %dma_start3A_845 = tpu.memref_slice %arg9[%dma_start3A, %dma_start3A_844] : memref<3x128xi32, #tpu.memory_space<vmem>> -> memref<1x128xi32, #tpu.memory_space<vmem>>
      %dma_start3A_846 = tpu.memref_squeeze %dma_start3A_845 : memref<1x128xi32, #tpu.memory_space<vmem>> -> memref<128xi32, #tpu.memory_space<vmem>>
      %dma_start3A_847 = arith.constant 0 : i32
      %dma_start3A_848 = arith.constant 0 : i32
      %dma_start3A_849 = tpu.memref_slice %arg5[%dma_start3A_847, %dma_start3A_848] : memref<25088x48xf32, #tpu.memory_space<vmem_shared>> -> memref<25088x48xf32, #tpu.memory_space<vmem_shared>>
      tpu.enqueue_indirect_dma source(%arg6 : memref<128x48xf32, #tpu.memory_space<vmem>>) target(%dma_start3A_849 : memref<25088x48xf32, #tpu.memory_space<vmem_shared>>) offsets(%dma_start3A_846 : memref<128xi32, #tpu.memory_space<vmem>>) semaphore(%arg13 : memref<!tpu.dma_semaphore, #tpu.memory_space<semaphore_mem>>) {add = true}
      %dma_start3A_850 = arith.constant 1 : i32
      %dma_start3A_851 = arith.constant 0 : i32
      %dma_start3A_852 = tpu.memref_slice %arg9[%dma_start3A_850, %dma_start3A_851] : memref<3x128xi32, #tpu.memory_space<vmem>> -> memref<1x128xi32, #tpu.memory_space<vmem>>
      %dma_start3A_853 = tpu.memref_squeeze %dma_start3A_852 : memref<1x128xi32, #tpu.memory_space<vmem>> -> memref<128xi32, #tpu.memory_space<vmem>>
      %dma_start3A_854 = arith.constant 0 : i32
      %dma_start3A_855 = arith.constant 0 : i32
      %dma_start3A_856 = tpu.memref_slice %arg5[%dma_start3A_854, %dma_start3A_855] : memref<25088x48xf32, #tpu.memory_space<vmem_shared>> -> memref<25088x48xf32, #tpu.memory_space<vmem_shared>>
      tpu.enqueue_indirect_dma source(%arg6 : memref<128x48xf32, #tpu.memory_space<vmem>>) target(%dma_start3A_856 : memref<25088x48xf32, #tpu.memory_space<vmem_shared>>) offsets(%dma_start3A_853 : memref<128xi32, #tpu.memory_space<vmem>>) semaphore(%arg13 : memref<!tpu.dma_semaphore, #tpu.memory_space<semaphore_mem>>) {add = true}
      %dma_start3A_857 = arith.constant 2 : i32
      %dma_start3A_858 = arith.constant 0 : i32
      %dma_start3A_859 = tpu.memref_slice %arg9[%dma_start3A_857, %dma_start3A_858] : memref<3x128xi32, #tpu.memory_space<vmem>> -> memref<1x128xi32, #tpu.memory_space<vmem>>
      %dma_start3A_860 = tpu.memref_squeeze %dma_start3A_859 : memref<1x128xi32, #tpu.memory_space<vmem>> -> memref<128xi32, #tpu.memory_space<vmem>>
      %dma_start3A_861 = arith.constant 0 : i32
      %dma_start3A_862 = arith.constant 0 : i32
      %dma_start3A_863 = tpu.memref_slice %arg5[%dma_start3A_861, %dma_start3A_862] : memref<25088x48xf32, #tpu.memory_space<vmem_shared>> -> memref<25088x48xf32, #tpu.memory_space<vmem_shared>>
      tpu.enqueue_indirect_dma source(%arg6 : memref<128x48xf32, #tpu.memory_space<vmem>>) target(%dma_start3A_863 : memref<25088x48xf32, #tpu.memory_space<vmem_shared>>) offsets(%dma_start3A_860 : memref<128xi32, #tpu.memory_space<vmem>>) semaphore(%arg13 : memref<!tpu.dma_semaphore, #tpu.memory_space<semaphore_mem>>) {add = true}
      %mul3A_864 = arith.constant 2 : i32
      %mul3A_865 = arith.muli %mul3A_864, %while3A_521 : i32
      %add3A_866 = arith.constant 1 : i32
      %add3A_867 = arith.addi %mul3A_865, %add3A_866 : i32
      %dma_wait3A_868 = arith.constant 0 : i32
      %dma_wait3A_869 = arith.constant 0 : i32
      %dma_wait3A_870 = tpu.memref_slice %arg4[%dma_wait3A_868, %dma_wait3A_869] : memref<50176x48xf32, #tpu.memory_space<hbm>> -> memref<128x48xf32, #tpu.memory_space<hbm>>
      %dma_wait3A_871 = arith.constant 0 : i32
      %dma_wait3A_872 = arith.constant 0 : i32
      %dma_wait3A_873 = tpu.memref_slice %arg4[%dma_wait3A_871, %dma_wait3A_872] : memref<50176x48xf32, #tpu.memory_space<hbm>> -> memref<128x48xf32, #tpu.memory_space<hbm>>
      tpu.wait_dma2 semaphore(%arg13 : memref<!tpu.dma_semaphore, #tpu.memory_space<semaphore_mem>>) src(%dma_wait3A_873 : memref<128x48xf32, #tpu.memory_space<hbm>>) dst(%arg6 : memref<128x48xf32, #tpu.memory_space<vmem>>)
      %dma_wait3A_874 = arith.constant 0 : i32
      %dma_wait3A_875 = arith.constant 0 : i32
      %dma_wait3A_876 = tpu.memref_slice %arg4[%dma_wait3A_874, %dma_wait3A_875] : memref<50176x48xf32, #tpu.memory_space<hbm>> -> memref<128x48xf32, #tpu.memory_space<hbm>>
      %dma_wait3A_877 = arith.constant 0 : i32
      %dma_wait3A_878 = arith.constant 0 : i32
      %dma_wait3A_879 = tpu.memref_slice %arg4[%dma_wait3A_877, %dma_wait3A_878] : memref<50176x48xf32, #tpu.memory_space<hbm>> -> memref<128x48xf32, #tpu.memory_space<hbm>>
      tpu.wait_dma2 semaphore(%arg13 : memref<!tpu.dma_semaphore, #tpu.memory_space<semaphore_mem>>) src(%dma_wait3A_879 : memref<128x48xf32, #tpu.memory_space<hbm>>) dst(%arg6 : memref<128x48xf32, #tpu.memory_space<vmem>>)
      %dma_wait3A_880 = arith.constant 0 : i32
      %dma_wait3A_881 = arith.constant 0 : i32
      %dma_wait3A_882 = tpu.memref_slice %arg4[%dma_wait3A_880, %dma_wait3A_881] : memref<50176x48xf32, #tpu.memory_space<hbm>> -> memref<128x48xf32, #tpu.memory_space<hbm>>
      %dma_wait3A_883 = arith.constant 0 : i32
      %dma_wait3A_884 = arith.constant 0 : i32
      %dma_wait3A_885 = tpu.memref_slice %arg4[%dma_wait3A_883, %dma_wait3A_884] : memref<50176x48xf32, #tpu.memory_space<hbm>> -> memref<128x48xf32, #tpu.memory_space<hbm>>
      tpu.wait_dma2 semaphore(%arg13 : memref<!tpu.dma_semaphore, #tpu.memory_space<semaphore_mem>>) src(%dma_wait3A_885 : memref<128x48xf32, #tpu.memory_space<hbm>>) dst(%arg6 : memref<128x48xf32, #tpu.memory_space<vmem>>)
      %add3A_886 = arith.constant 1 : i32
      %add3A_887 = arith.addi %add3A_867, %add3A_886 : i32
      %add3A_888 = arith.addi %mul3A_12, %add3A_887 : i32
      "tpu.region"() ({
        %run_scoped3A = tpu.sem_alloc : memref<!tpu.dma_semaphore, #tpu.memory_space<semaphore_mem>>
        %dma_start3A_1223 = arith.constant 0 : i32
        %dma_start3A_1224 = arith.constant 0 : i32
        %dma_start3A_1225 = tpu.memref_slice %arg2[%arg0, %add3A_888, %dma_start3A_1223, %dma_start3A_1224] : memref<2x4193x3x128xi32, #tpu.memory_space<hbm>> -> memref<1x1x3x128xi32, #tpu.memory_space<hbm>>
        %dma_start3A_1226 = tpu.memref_squeeze %dma_start3A_1225 : memref<1x1x3x128xi32, #tpu.memory_space<hbm>> -> memref<3x128xi32, #tpu.memory_space<hbm>>
        %dma_start3A_1227 = arith.constant 0 : i32
        %dma_start3A_1228 = arith.constant 0 : i32
        %dma_start3A_1229 = tpu.memref_slice %arg2[%arg0, %add3A_888, %dma_start3A_1227, %dma_start3A_1228] : memref<2x4193x3x128xi32, #tpu.memory_space<hbm>> -> memref<1x1x3x128xi32, #tpu.memory_space<hbm>>
        %dma_start3A_1230 = tpu.memref_squeeze %dma_start3A_1229 : memref<1x1x3x128xi32, #tpu.memory_space<hbm>> -> memref<3x128xi32, #tpu.memory_space<hbm>>
        tpu.enqueue_dma source(%dma_start3A_1230 : memref<3x128xi32, #tpu.memory_space<hbm>>) target(%arg8 : memref<3x128xi32, #tpu.memory_space<vmem>>) target_semaphore(%run_scoped3A : memref<!tpu.dma_semaphore, #tpu.memory_space<semaphore_mem>>)
        %dma_wait3A_1231 = arith.constant 0 : i32
        %dma_wait3A_1232 = arith.constant 0 : i32
        %dma_wait3A_1233 = tpu.memref_slice %arg2[%arg0, %add3A_888, %dma_wait3A_1231, %dma_wait3A_1232] : memref<2x4193x3x128xi32, #tpu.memory_space<hbm>> -> memref<1x1x3x128xi32, #tpu.memory_space<hbm>>
        %dma_wait3A_1234 = tpu.memref_squeeze %dma_wait3A_1233 : memref<1x1x3x128xi32, #tpu.memory_space<hbm>> -> memref<3x128xi32, #tpu.memory_space<hbm>>
        %dma_wait3A_1235 = arith.constant 0 : i32
        %dma_wait3A_1236 = arith.constant 0 : i32
        %dma_wait3A_1237 = tpu.memref_slice %arg2[%arg0, %add3A_888, %dma_wait3A_1235, %dma_wait3A_1236] : memref<2x4193x3x128xi32, #tpu.memory_space<hbm>> -> memref<1x1x3x128xi32, #tpu.memory_space<hbm>>
        %dma_wait3A_1238 = tpu.memref_squeeze %dma_wait3A_1237 : memref<1x1x3x128xi32, #tpu.memory_space<hbm>> -> memref<3x128xi32, #tpu.memory_space<hbm>>
        tpu.wait_dma2 semaphore(%run_scoped3A : memref<!tpu.dma_semaphore, #tpu.memory_space<semaphore_mem>>) src(%dma_wait3A_1238 : memref<3x128xi32, #tpu.memory_space<hbm>>) dst(%arg8 : memref<3x128xi32, #tpu.memory_space<vmem>>)
        tpu.yield
      }) : () -> ()
      %get3A_889 = arith.constant 0 : i32
      %get3A_890 = arith.index_cast %get3A_889 : i32 to index
      %get3A_891 = arith.constant 0 : index
      %get3A_892 = tpu.vector_load %arg8[%get3A_890, %get3A_891] {strides = array<i32>} : memref<3x128xi32, #tpu.memory_space<vmem>>, vector<16xi32>,
      %shift_right_logical3A_893 = arith.constant 16 : i32
      %shift_right_logical3A_894 = vector.broadcast %shift_right_logical3A_893 : i32 to vector<16xi32>
      %shift_right_logical3A_895 = arith.shrui %get3A_892, %shift_right_logical3A_894 : vector<16xi32>
      %sub3A_896 = vector.broadcast %mul3A_14 : i32 to vector<16xi32>
      %sub3A_897 = arith.subi %shift_right_logical3A_895, %sub3A_896 : vector<16xi32>
      %swap3A_898 = arith.constant 0 : i32
      %swap3A_899 = arith.index_cast %swap3A_898 : i32 to index
      %swap3A_900 = arith.constant 0 : index
      %swap3A_901 = tpu.vector_load %arg9[%swap3A_899, %swap3A_900] {strides = array<i32>} : memref<3x128xi32, #tpu.memory_space<vmem>>, vector<16xi32>,
      tpu.vector_store %arg9[%swap3A_899, %swap3A_900], %sub3A_897 {strides = array<i32>} : memref<3x128xi32, #tpu.memory_space<vmem>>, vector<16xi32>,
      %get3A_902 = arith.constant 0 : i32
      %get3A_903 = arith.index_cast %get3A_902 : i32 to index
      %get3A_904 = arith.constant 16 : index
      %get3A_905 = tpu.vector_load %arg8[%get3A_903, %get3A_904] {strides = array<i32>} : memref<3x128xi32, #tpu.memory_space<vmem>>, vector<16xi32>,
      %shift_right_logical3A_906 = arith.constant 16 : i32
      %shift_right_logical3A_907 = vector.broadcast %shift_right_logical3A_906 : i32 to vector<16xi32>
      %shift_right_logical3A_908 = arith.shrui %get3A_905, %shift_right_logical3A_907 : vector<16xi32>
      %sub3A_909 = vector.broadcast %mul3A_14 : i32 to vector<16xi32>
      %sub3A_910 = arith.subi %shift_right_logical3A_908, %sub3A_909 : vector<16xi32>
      %swap3A_911 = arith.constant 0 : i32
      %swap3A_912 = arith.index_cast %swap3A_911 : i32 to index
      %swap3A_913 = arith.constant 16 : index
      %swap3A_914 = tpu.vector_load %arg9[%swap3A_912, %swap3A_913] {strides = array<i32>} : memref<3x128xi32, #tpu.memory_space<vmem>>, vector<16xi32>,
      tpu.vector_store %arg9[%swap3A_912, %swap3A_913], %sub3A_910 {strides = array<i32>} : memref<3x128xi32, #tpu.memory_space<vmem>>, vector<16xi32>,
      %get3A_915 = arith.constant 0 : i32
      %get3A_916 = arith.index_cast %get3A_915 : i32 to index
      %get3A_917 = arith.constant 32 : index
      %get3A_918 = tpu.vector_load %arg8[%get3A_916, %get3A_917] {strides = array<i32>} : memref<3x128xi32, #tpu.memory_space<vmem>>, vector<16xi32>,
      %shift_right_logical3A_919 = arith.constant 16 : i32
      %shift_right_logical3A_920 = vector.broadcast %shift_right_logical3A_919 : i32 to vector<16xi32>
      %shift_right_logical3A_921 = arith.shrui %get3A_918, %shift_right_logical3A_920 : vector<16xi32>
      %sub3A_922 = vector.broadcast %mul3A_14 : i32 to vector<16xi32>
      %sub3A_923 = arith.subi %shift_right_logical3A_921, %sub3A_922 : vector<16xi32>
      %swap3A_924 = arith.constant 0 : i32
      %swap3A_925 = arith.index_cast %swap3A_924 : i32 to index
      %swap3A_926 = arith.constant 32 : index
      %swap3A_927 = tpu.vector_load %arg9[%swap3A_925, %swap3A_926] {strides = array<i32>} : memref<3x128xi32, #tpu.memory_space<vmem>>, vector<16xi32>,
      tpu.vector_store %arg9[%swap3A_925, %swap3A_926], %sub3A_923 {strides = array<i32>} : memref<3x128xi32, #tpu.memory_space<vmem>>, vector<16xi32>,
      %get3A_928 = arith.constant 0 : i32
      %get3A_929 = arith.index_cast %get3A_928 : i32 to index
      %get3A_930 = arith.constant 48 : index
      %get3A_931 = tpu.vector_load %arg8[%get3A_929, %get3A_930] {strides = array<i32>} : memref<3x128xi32, #tpu.memory_space<vmem>>, vector<16xi32>,
      %shift_right_logical3A_932 = arith.constant 16 : i32
      %shift_right_logical3A_933 = vector.broadcast %shift_right_logical3A_932 : i32 to vector<16xi32>
      %shift_right_logical3A_934 = arith.shrui %get3A_931, %shift_right_logical3A_933 : vector<16xi32>
      %sub3A_935 = vector.broadcast %mul3A_14 : i32 to vector<16xi32>
      %sub3A_936 = arith.subi %shift_right_logical3A_934, %sub3A_935 : vector<16xi32>
      %swap3A_937 = arith.constant 0 : i32
      %swap3A_938 = arith.index_cast %swap3A_937 : i32 to index
      %swap3A_939 = arith.constant 48 : index
      %swap3A_940 = tpu.vector_load %arg9[%swap3A_938, %swap3A_939] {strides = array<i32>} : memref<3x128xi32, #tpu.memory_space<vmem>>, vector<16xi32>,
      tpu.vector_store %arg9[%swap3A_938, %swap3A_939], %sub3A_936 {strides = array<i32>} : memref<3x128xi32, #tpu.memory_space<vmem>>, vector<16xi32>,
      %get3A_941 = arith.constant 0 : i32
      %get3A_942 = arith.index_cast %get3A_941 : i32 to index
      %get3A_943 = arith.constant 64 : index
      %get3A_944 = tpu.vector_load %arg8[%get3A_942, %get3A_943] {strides = array<i32>} : memref<3x128xi32, #tpu.memory_space<vmem>>, vector<16xi32>,
      %shift_right_logical3A_945 = arith.constant 16 : i32
      %shift_right_logical3A_946 = vector.broadcast %shift_right_logical3A_945 : i32 to vector<16xi32>
      %shift_right_logical3A_947 = arith.shrui %get3A_944, %shift_right_logical3A_946 : vector<16xi32>
      %sub3A_948 = vector.broadcast %mul3A_14 : i32 to vector<16xi32>
      %sub3A_949 = arith.subi %shift_right_logical3A_947, %sub3A_948 : vector<16xi32>
      %swap3A_950 = arith.constant 0 : i32
      %swap3A_951 = arith.index_cast %swap3A_950 : i32 to index
      %swap3A_952 = arith.constant 64 : index
      %swap3A_953 = tpu.vector_load %arg9[%swap3A_951, %swap3A_952] {strides = array<i32>} : memref<3x128xi32, #tpu.memory_space<vmem>>, vector<16xi32>,
      tpu.vector_store %arg9[%swap3A_951, %swap3A_952], %sub3A_949 {strides = array<i32>} : memref<3x128xi32, #tpu.memory_space<vmem>>, vector<16xi32>,
      %get3A_954 = arith.constant 0 : i32
      %get3A_955 = arith.index_cast %get3A_954 : i32 to index
      %get3A_956 = arith.constant 80 : index
      %get3A_957 = tpu.vector_load %arg8[%get3A_955, %get3A_956] {strides = array<i32>} : memref<3x128xi32, #tpu.memory_space<vmem>>, vector<16xi32>,
      %shift_right_logical3A_958 = arith.constant 16 : i32
      %shift_right_logical3A_959 = vector.broadcast %shift_right_logical3A_958 : i32 to vector<16xi32>
      %shift_right_logical3A_960 = arith.shrui %get3A_957, %shift_right_logical3A_959 : vector<16xi32>
      %sub3A_961 = vector.broadcast %mul3A_14 : i32 to vector<16xi32>
      %sub3A_962 = arith.subi %shift_right_logical3A_960, %sub3A_961 : vector<16xi32>
      %swap3A_963 = arith.constant 0 : i32
      %swap3A_964 = arith.index_cast %swap3A_963 : i32 to index
      %swap3A_965 = arith.constant 80 : index
      %swap3A_966 = tpu.vector_load %arg9[%swap3A_964, %swap3A_965] {strides = array<i32>} : memref<3x128xi32, #tpu.memory_space<vmem>>, vector<16xi32>,
      tpu.vector_store %arg9[%swap3A_964, %swap3A_965], %sub3A_962 {strides = array<i32>} : memref<3x128xi32, #tpu.memory_space<vmem>>, vector<16xi32>,
      %get3A_967 = arith.constant 0 : i32
      %get3A_968 = arith.index_cast %get3A_967 : i32 to index
      %get3A_969 = arith.constant 96 : index
      %get3A_970 = tpu.vector_load %arg8[%get3A_968, %get3A_969] {strides = array<i32>} : memref<3x128xi32, #tpu.memory_space<vmem>>, vector<16xi32>,
      %shift_right_logical3A_971 = arith.constant 16 : i32
      %shift_right_logical3A_972 = vector.broadcast %shift_right_logical3A_971 : i32 to vector<16xi32>
      %shift_right_logical3A_973 = arith.shrui %get3A_970, %shift_right_logical3A_972 : vector<16xi32>
      %sub3A_974 = vector.broadcast %mul3A_14 : i32 to vector<16xi32>
      %sub3A_975 = arith.subi %shift_right_logical3A_973, %sub3A_974 : vector<16xi32>
      %swap3A_976 = arith.constant 0 : i32
      %swap3A_977 = arith.index_cast %swap3A_976 : i32 to index
      %swap3A_978 = arith.constant 96 : index
      %swap3A_979 = tpu.vector_load %arg9[%swap3A_977, %swap3A_978] {strides = array<i32>} : memref<3x128xi32, #tpu.memory_space<vmem>>, vector<16xi32>,
      tpu.vector_store %arg9[%swap3A_977, %swap3A_978], %sub3A_975 {strides = array<i32>} : memref<3x128xi32, #tpu.memory_space<vmem>>, vector<16xi32>,
      %get3A_980 = arith.constant 0 : i32
      %get3A_981 = arith.index_cast %get3A_980 : i32 to index
      %get3A_982 = arith.constant 112 : index
      %get3A_983 = tpu.vector_load %arg8[%get3A_981, %get3A_982] {strides = array<i32>} : memref<3x128xi32, #tpu.memory_space<vmem>>, vector<16xi32>,
      %shift_right_logical3A_984 = arith.constant 16 : i32
      %shift_right_logical3A_985 = vector.broadcast %shift_right_logical3A_984 : i32 to vector<16xi32>
      %shift_right_logical3A_986 = arith.shrui %get3A_983, %shift_right_logical3A_985 : vector<16xi32>
      %sub3A_987 = vector.broadcast %mul3A_14 : i32 to vector<16xi32>
      %sub3A_988 = arith.subi %shift_right_logical3A_986, %sub3A_987 : vector<16xi32>
      %swap3A_989 = arith.constant 0 : i32
      %swap3A_990 = arith.index_cast %swap3A_989 : i32 to index
      %swap3A_991 = arith.constant 112 : index
      %swap3A_992 = tpu.vector_load %arg9[%swap3A_990, %swap3A_991] {strides = array<i32>} : memref<3x128xi32, #tpu.memory_space<vmem>>, vector<16xi32>,
      tpu.vector_store %arg9[%swap3A_990, %swap3A_991], %sub3A_988 {strides = array<i32>} : memref<3x128xi32, #tpu.memory_space<vmem>>, vector<16xi32>,
      %get3A_993 = arith.constant 1 : i32
      %get3A_994 = arith.index_cast %get3A_993 : i32 to index
      %get3A_995 = arith.constant 0 : index
      %get3A_996 = tpu.vector_load %arg8[%get3A_994, %get3A_995] {strides = array<i32>} : memref<3x128xi32, #tpu.memory_space<vmem>>, vector<16xi32>,
      %shift_right_logical3A_997 = arith.constant 16 : i32
      %shift_right_logical3A_998 = vector.broadcast %shift_right_logical3A_997 : i32 to vector<16xi32>
      %shift_right_logical3A_999 = arith.shrui %get3A_996, %shift_right_logical3A_998 : vector<16xi32>
      %sub3A_1000 = vector.broadcast %mul3A_14 : i32 to vector<16xi32>
      %sub3A_1001 = arith.subi %shift_right_logical3A_999, %sub3A_1000 : vector<16xi32>
      %swap3A_1002 = arith.constant 1 : i32
      %swap3A_1003 = arith.index_cast %swap3A_1002 : i32 to index
      %swap3A_1004 = arith.constant 0 : index
      %swap3A_1005 = tpu.vector_load %arg9[%swap3A_1003, %swap3A_1004] {strides = array<i32>} : memref<3x128xi32, #tpu.memory_space<vmem>>, vector<16xi32>,
      tpu.vector_store %arg9[%swap3A_1003, %swap3A_1004], %sub3A_1001 {strides = array<i32>} : memref<3x128xi32, #tpu.memory_space<vmem>>, vector<16xi32>,
      %get3A_1006 = arith.constant 1 : i32
      %get3A_1007 = arith.index_cast %get3A_1006 : i32 to index
      %get3A_1008 = arith.constant 16 : index
      %get3A_1009 = tpu.vector_load %arg8[%get3A_1007, %get3A_1008] {strides = array<i32>} : memref<3x128xi32, #tpu.memory_space<vmem>>, vector<16xi32>,
      %shift_right_logical3A_1010 = arith.constant 16 : i32
      %shift_right_logical3A_1011 = vector.broadcast %shift_right_logical3A_1010 : i32 to vector<16xi32>
      %shift_right_logical3A_1012 = arith.shrui %get3A_1009, %shift_right_logical3A_1011 : vector<16xi32>
      %sub3A_1013 = vector.broadcast %mul3A_14 : i32 to vector<16xi32>
      %sub3A_1014 = arith.subi %shift_right_logical3A_1012, %sub3A_1013 : vector<16xi32>
      %swap3A_1015 = arith.constant 1 : i32
      %swap3A_1016 = arith.index_cast %swap3A_1015 : i32 to index
      %swap3A_1017 = arith.constant 16 : index
      %swap3A_1018 = tpu.vector_load %arg9[%swap3A_1016, %swap3A_1017] {strides = array<i32>} : memref<3x128xi32, #tpu.memory_space<vmem>>, vector<16xi32>,
      tpu.vector_store %arg9[%swap3A_1016, %swap3A_1017], %sub3A_1014 {strides = array<i32>} : memref<3x128xi32, #tpu.memory_space<vmem>>, vector<16xi32>,
      %get3A_1019 = arith.constant 1 : i32
      %get3A_1020 = arith.index_cast %get3A_1019 : i32 to index
      %get3A_1021 = arith.constant 32 : index
      %get3A_1022 = tpu.vector_load %arg8[%get3A_1020, %get3A_1021] {strides = array<i32>} : memref<3x128xi32, #tpu.memory_space<vmem>>, vector<16xi32>,
      %shift_right_logical3A_1023 = arith.constant 16 : i32
      %shift_right_logical3A_1024 = vector.broadcast %shift_right_logical3A_1023 : i32 to vector<16xi32>
      %shift_right_logical3A_1025 = arith.shrui %get3A_1022, %shift_right_logical3A_1024 : vector<16xi32>
      %sub3A_1026 = vector.broadcast %mul3A_14 : i32 to vector<16xi32>
      %sub3A_1027 = arith.subi %shift_right_logical3A_1025, %sub3A_1026 : vector<16xi32>
      %swap3A_1028 = arith.constant 1 : i32
      %swap3A_1029 = arith.index_cast %swap3A_1028 : i32 to index
      %swap3A_1030 = arith.constant 32 : index
      %swap3A_1031 = tpu.vector_load %arg9[%swap3A_1029, %swap3A_1030] {strides = array<i32>} : memref<3x128xi32, #tpu.memory_space<vmem>>, vector<16xi32>,
      tpu.vector_store %arg9[%swap3A_1029, %swap3A_1030], %sub3A_1027 {strides = array<i32>} : memref<3x128xi32, #tpu.memory_space<vmem>>, vector<16xi32>,
      %get3A_1032 = arith.constant 1 : i32
      %get3A_1033 = arith.index_cast %get3A_1032 : i32 to index
      %get3A_1034 = arith.constant 48 : index
      %get3A_1035 = tpu.vector_load %arg8[%get3A_1033, %get3A_1034] {strides = array<i32>} : memref<3x128xi32, #tpu.memory_space<vmem>>, vector<16xi32>,
      %shift_right_logical3A_1036 = arith.constant 16 : i32
      %shift_right_logical3A_1037 = vector.broadcast %shift_right_logical3A_1036 : i32 to vector<16xi32>
      %shift_right_logical3A_1038 = arith.shrui %get3A_1035, %shift_right_logical3A_1037 : vector<16xi32>
      %sub3A_1039 = vector.broadcast %mul3A_14 : i32 to vector<16xi32>
      %sub3A_1040 = arith.subi %shift_right_logical3A_1038, %sub3A_1039 : vector<16xi32>
      %swap3A_1041 = arith.constant 1 : i32
      %swap3A_1042 = arith.index_cast %swap3A_1041 : i32 to index
      %swap3A_1043 = arith.constant 48 : index
      %swap3A_1044 = tpu.vector_load %arg9[%swap3A_1042, %swap3A_1043] {strides = array<i32>} : memref<3x128xi32, #tpu.memory_space<vmem>>, vector<16xi32>,
      tpu.vector_store %arg9[%swap3A_1042, %swap3A_1043], %sub3A_1040 {strides = array<i32>} : memref<3x128xi32, #tpu.memory_space<vmem>>, vector<16xi32>,
      %get3A_1045 = arith.constant 1 : i32
      %get3A_1046 = arith.index_cast %get3A_1045 : i32 to index
      %get3A_1047 = arith.constant 64 : index
      %get3A_1048 = tpu.vector_load %arg8[%get3A_1046, %get3A_1047] {strides = array<i32>} : memref<3x128xi32, #tpu.memory_space<vmem>>, vector<16xi32>,
      %shift_right_logical3A_1049 = arith.constant 16 : i32
      %shift_right_logical3A_1050 = vector.broadcast %shift_right_logical3A_1049 : i32 to vector<16xi32>
      %shift_right_logical3A_1051 = arith.shrui %get3A_1048, %shift_right_logical3A_1050 : vector<16xi32>
      %sub3A_1052 = vector.broadcast %mul3A_14 : i32 to vector<16xi32>
      %sub3A_1053 = arith.subi %shift_right_logical3A_1051, %sub3A_1052 : vector<16xi32>
      %swap3A_1054 = arith.constant 1 : i32
      %swap3A_1055 = arith.index_cast %swap3A_1054 : i32 to index
      %swap3A_1056 = arith.constant 64 : index
      %swap3A_1057 = tpu.vector_load %arg9[%swap3A_1055, %swap3A_1056] {strides = array<i32>} : memref<3x128xi32, #tpu.memory_space<vmem>>, vector<16xi32>,
      tpu.vector_store %arg9[%swap3A_1055, %swap3A_1056], %sub3A_1053 {strides = array<i32>} : memref<3x128xi32, #tpu.memory_space<vmem>>, vector<16xi32>,
      %get3A_1058 = arith.constant 1 : i32
      %get3A_1059 = arith.index_cast %get3A_1058 : i32 to index
      %get3A_1060 = arith.constant 80 : index
      %get3A_1061 = tpu.vector_load %arg8[%get3A_1059, %get3A_1060] {strides = array<i32>} : memref<3x128xi32, #tpu.memory_space<vmem>>, vector<16xi32>,
      %shift_right_logical3A_1062 = arith.constant 16 : i32
      %shift_right_logical3A_1063 = vector.broadcast %shift_right_logical3A_1062 : i32 to vector<16xi32>
      %shift_right_logical3A_1064 = arith.shrui %get3A_1061, %shift_right_logical3A_1063 : vector<16xi32>
      %sub3A_1065 = vector.broadcast %mul3A_14 : i32 to vector<16xi32>
      %sub3A_1066 = arith.subi %shift_right_logical3A_1064, %sub3A_1065 : vector<16xi32>
      %swap3A_1067 = arith.constant 1 : i32
      %swap3A_1068 = arith.index_cast %swap3A_1067 : i32 to index
      %swap3A_1069 = arith.constant 80 : index
      %swap3A_1070 = tpu.vector_load %arg9[%swap3A_1068, %swap3A_1069] {strides = array<i32>} : memref<3x128xi32, #tpu.memory_space<vmem>>, vector<16xi32>,
      tpu.vector_store %arg9[%swap3A_1068, %swap3A_1069], %sub3A_1066 {strides = array<i32>} : memref<3x128xi32, #tpu.memory_space<vmem>>, vector<16xi32>,
      %get3A_1071 = arith.constant 1 : i32
      %get3A_1072 = arith.index_cast %get3A_1071 : i32 to index
      %get3A_1073 = arith.constant 96 : index
      %get3A_1074 = tpu.vector_load %arg8[%get3A_1072, %get3A_1073] {strides = array<i32>} : memref<3x128xi32, #tpu.memory_space<vmem>>, vector<16xi32>,
      %shift_right_logical3A_1075 = arith.constant 16 : i32
      %shift_right_logical3A_1076 = vector.broadcast %shift_right_logical3A_1075 : i32 to vector<16xi32>
      %shift_right_logical3A_1077 = arith.shrui %get3A_1074, %shift_right_logical3A_1076 : vector<16xi32>
      %sub3A_1078 = vector.broadcast %mul3A_14 : i32 to vector<16xi32>
      %sub3A_1079 = arith.subi %shift_right_logical3A_1077, %sub3A_1078 : vector<16xi32>
      %swap3A_1080 = arith.constant 1 : i32
      %swap3A_1081 = arith.index_cast %swap3A_1080 : i32 to index
      %swap3A_1082 = arith.constant 96 : index
      %swap3A_1083 = tpu.vector_load %arg9[%swap3A_1081, %swap3A_1082] {strides = array<i32>} : memref<3x128xi32, #tpu.memory_space<vmem>>, vector<16xi32>,
      tpu.vector_store %arg9[%swap3A_1081, %swap3A_1082], %sub3A_1079 {strides = array<i32>} : memref<3x128xi32, #tpu.memory_space<vmem>>, vector<16xi32>,
      %get3A_1084 = arith.constant 1 : i32
      %get3A_1085 = arith.index_cast %get3A_1084 : i32 to index
      %get3A_1086 = arith.constant 112 : index
      %get3A_1087 = tpu.vector_load %arg8[%get3A_1085, %get3A_1086] {strides = array<i32>} : memref<3x128xi32, #tpu.memory_space<vmem>>, vector<16xi32>,
      %shift_right_logical3A_1088 = arith.constant 16 : i32
      %shift_right_logical3A_1089 = vector.broadcast %shift_right_logical3A_1088 : i32 to vector<16xi32>
      %shift_right_logical3A_1090 = arith.shrui %get3A_1087, %shift_right_logical3A_1089 : vector<16xi32>
      %sub3A_1091 = vector.broadcast %mul3A_14 : i32 to vector<16xi32>
      %sub3A_1092 = arith.subi %shift_right_logical3A_1090, %sub3A_1091 : vector<16xi32>
      %swap3A_1093 = arith.constant 1 : i32
      %swap3A_1094 = arith.index_cast %swap3A_1093 : i32 to index
      %swap3A_1095 = arith.constant 112 : index
      %swap3A_1096 = tpu.vector_load %arg9[%swap3A_1094, %swap3A_1095] {strides = array<i32>} : memref<3x128xi32, #tpu.memory_space<vmem>>, vector<16xi32>,
      tpu.vector_store %arg9[%swap3A_1094, %swap3A_1095], %sub3A_1092 {strides = array<i32>} : memref<3x128xi32, #tpu.memory_space<vmem>>, vector<16xi32>,
      %get3A_1097 = arith.constant 2 : i32
      %get3A_1098 = arith.index_cast %get3A_1097 : i32 to index
      %get3A_1099 = arith.constant 0 : index
      %get3A_1100 = tpu.vector_load %arg8[%get3A_1098, %get3A_1099] {strides = array<i32>} : memref<3x128xi32, #tpu.memory_space<vmem>>, vector<16xi32>,
      %shift_right_logical3A_1101 = arith.constant 16 : i32
      %shift_right_logical3A_1102 = vector.broadcast %shift_right_logical3A_1101 : i32 to vector<16xi32>
      %shift_right_logical3A_1103 = arith.shrui %get3A_1100, %shift_right_logical3A_1102 : vector<16xi32>
      %sub3A_1104 = vector.broadcast %mul3A_14 : i32 to vector<16xi32>
      %sub3A_1105 = arith.subi %shift_right_logical3A_1103, %sub3A_1104 : vector<16xi32>
      %swap3A_1106 = arith.constant 2 : i32
      %swap3A_1107 = arith.index_cast %swap3A_1106 : i32 to index
      %swap3A_1108 = arith.constant 0 : index
      %swap3A_1109 = tpu.vector_load %arg9[%swap3A_1107, %swap3A_1108] {strides = array<i32>} : memref<3x128xi32, #tpu.memory_space<vmem>>, vector<16xi32>,
      tpu.vector_store %arg9[%swap3A_1107, %swap3A_1108], %sub3A_1105 {strides = array<i32>} : memref<3x128xi32, #tpu.memory_space<vmem>>, vector<16xi32>,
      %get3A_1110 = arith.constant 2 : i32
      %get3A_1111 = arith.index_cast %get3A_1110 : i32 to index
      %get3A_1112 = arith.constant 16 : index
      %get3A_1113 = tpu.vector_load %arg8[%get3A_1111, %get3A_1112] {strides = array<i32>} : memref<3x128xi32, #tpu.memory_space<vmem>>, vector<16xi32>,
      %shift_right_logical3A_1114 = arith.constant 16 : i32
      %shift_right_logical3A_1115 = vector.broadcast %shift_right_logical3A_1114 : i32 to vector<16xi32>
      %shift_right_logical3A_1116 = arith.shrui %get3A_1113, %shift_right_logical3A_1115 : vector<16xi32>
      %sub3A_1117 = vector.broadcast %mul3A_14 : i32 to vector<16xi32>
      %sub3A_1118 = arith.subi %shift_right_logical3A_1116, %sub3A_1117 : vector<16xi32>
      %swap3A_1119 = arith.constant 2 : i32
      %swap3A_1120 = arith.index_cast %swap3A_1119 : i32 to index
      %swap3A_1121 = arith.constant 16 : index
      %swap3A_1122 = tpu.vector_load %arg9[%swap3A_1120, %swap3A_1121] {strides = array<i32>} : memref<3x128xi32, #tpu.memory_space<vmem>>, vector<16xi32>,
      tpu.vector_store %arg9[%swap3A_1120, %swap3A_1121], %sub3A_1118 {strides = array<i32>} : memref<3x128xi32, #tpu.memory_space<vmem>>, vector<16xi32>,
      %get3A_1123 = arith.constant 2 : i32
      %get3A_1124 = arith.index_cast %get3A_1123 : i32 to index
      %get3A_1125 = arith.constant 32 : index
      %get3A_1126 = tpu.vector_load %arg8[%get3A_1124, %get3A_1125] {strides = array<i32>} : memref<3x128xi32, #tpu.memory_space<vmem>>, vector<16xi32>,
      %shift_right_logical3A_1127 = arith.constant 16 : i32
      %shift_right_logical3A_1128 = vector.broadcast %shift_right_logical3A_1127 : i32 to vector<16xi32>
      %shift_right_logical3A_1129 = arith.shrui %get3A_1126, %shift_right_logical3A_1128 : vector<16xi32>
      %sub3A_1130 = vector.broadcast %mul3A_14 : i32 to vector<16xi32>
      %sub3A_1131 = arith.subi %shift_right_logical3A_1129, %sub3A_1130 : vector<16xi32>
      %swap3A_1132 = arith.constant 2 : i32
      %swap3A_1133 = arith.index_cast %swap3A_1132 : i32 to index
      %swap3A_1134 = arith.constant 32 : index
      %swap3A_1135 = tpu.vector_load %arg9[%swap3A_1133, %swap3A_1134] {strides = array<i32>} : memref<3x128xi32, #tpu.memory_space<vmem>>, vector<16xi32>,
      tpu.vector_store %arg9[%swap3A_1133, %swap3A_1134], %sub3A_1131 {strides = array<i32>} : memref<3x128xi32, #tpu.memory_space<vmem>>, vector<16xi32>,
      %get3A_1136 = arith.constant 2 : i32
      %get3A_1137 = arith.index_cast %get3A_1136 : i32 to index
      %get3A_1138 = arith.constant 48 : index
      %get3A_1139 = tpu.vector_load %arg8[%get3A_1137, %get3A_1138] {strides = array<i32>} : memref<3x128xi32, #tpu.memory_space<vmem>>, vector<16xi32>,
      %shift_right_logical3A_1140 = arith.constant 16 : i32
      %shift_right_logical3A_1141 = vector.broadcast %shift_right_logical3A_1140 : i32 to vector<16xi32>
      %shift_right_logical3A_1142 = arith.shrui %get3A_1139, %shift_right_logical3A_1141 : vector<16xi32>
      %sub3A_1143 = vector.broadcast %mul3A_14 : i32 to vector<16xi32>
      %sub3A_1144 = arith.subi %shift_right_logical3A_1142, %sub3A_1143 : vector<16xi32>
      %swap3A_1145 = arith.constant 2 : i32
      %swap3A_1146 = arith.index_cast %swap3A_1145 : i32 to index
      %swap3A_1147 = arith.constant 48 : index
      %swap3A_1148 = tpu.vector_load %arg9[%swap3A_1146, %swap3A_1147] {strides = array<i32>} : memref<3x128xi32, #tpu.memory_space<vmem>>, vector<16xi32>,
      tpu.vector_store %arg9[%swap3A_1146, %swap3A_1147], %sub3A_1144 {strides = array<i32>} : memref<3x128xi32, #tpu.memory_space<vmem>>, vector<16xi32>,
      %get3A_1149 = arith.constant 2 : i32
      %get3A_1150 = arith.index_cast %get3A_1149 : i32 to index
      %get3A_1151 = arith.constant 64 : index
      %get3A_1152 = tpu.vector_load %arg8[%get3A_1150, %get3A_1151] {strides = array<i32>} : memref<3x128xi32, #tpu.memory_space<vmem>>, vector<16xi32>,
      %shift_right_logical3A_1153 = arith.constant 16 : i32
      %shift_right_logical3A_1154 = vector.broadcast %shift_right_logical3A_1153 : i32 to vector<16xi32>
      %shift_right_logical3A_1155 = arith.shrui %get3A_1152, %shift_right_logical3A_1154 : vector<16xi32>
      %sub3A_1156 = vector.broadcast %mul3A_14 : i32 to vector<16xi32>
      %sub3A_1157 = arith.subi %shift_right_logical3A_1155, %sub3A_1156 : vector<16xi32>
      %swap3A_1158 = arith.constant 2 : i32
      %swap3A_1159 = arith.index_cast %swap3A_1158 : i32 to index
      %swap3A_1160 = arith.constant 64 : index
      %swap3A_1161 = tpu.vector_load %arg9[%swap3A_1159, %swap3A_1160] {strides = array<i32>} : memref<3x128xi32, #tpu.memory_space<vmem>>, vector<16xi32>,
      tpu.vector_store %arg9[%swap3A_1159, %swap3A_1160], %sub3A_1157 {strides = array<i32>} : memref<3x128xi32, #tpu.memory_space<vmem>>, vector<16xi32>,
      %get3A_1162 = arith.constant 2 : i32
      %get3A_1163 = arith.index_cast %get3A_1162 : i32 to index
      %get3A_1164 = arith.constant 80 : index
      %get3A_1165 = tpu.vector_load %arg8[%get3A_1163, %get3A_1164] {strides = array<i32>} : memref<3x128xi32, #tpu.memory_space<vmem>>, vector<16xi32>,
      %shift_right_logical3A_1166 = arith.constant 16 : i32
      %shift_right_logical3A_1167 = vector.broadcast %shift_right_logical3A_1166 : i32 to vector<16xi32>
      %shift_right_logical3A_1168 = arith.shrui %get3A_1165, %shift_right_logical3A_1167 : vector<16xi32>
      %sub3A_1169 = vector.broadcast %mul3A_14 : i32 to vector<16xi32>
      %sub3A_1170 = arith.subi %shift_right_logical3A_1168, %sub3A_1169 : vector<16xi32>
      %swap3A_1171 = arith.constant 2 : i32
      %swap3A_1172 = arith.index_cast %swap3A_1171 : i32 to index
      %swap3A_1173 = arith.constant 80 : index
      %swap3A_1174 = tpu.vector_load %arg9[%swap3A_1172, %swap3A_1173] {strides = array<i32>} : memref<3x128xi32, #tpu.memory_space<vmem>>, vector<16xi32>,
      tpu.vector_store %arg9[%swap3A_1172, %swap3A_1173], %sub3A_1170 {strides = array<i32>} : memref<3x128xi32, #tpu.memory_space<vmem>>, vector<16xi32>,
      %get3A_1175 = arith.constant 2 : i32
      %get3A_1176 = arith.index_cast %get3A_1175 : i32 to index
      %get3A_1177 = arith.constant 96 : index
      %get3A_1178 = tpu.vector_load %arg8[%get3A_1176, %get3A_1177] {strides = array<i32>} : memref<3x128xi32, #tpu.memory_space<vmem>>, vector<16xi32>,
      %shift_right_logical3A_1179 = arith.constant 16 : i32
      %shift_right_logical3A_1180 = vector.broadcast %shift_right_logical3A_1179 : i32 to vector<16xi32>
      %shift_right_logical3A_1181 = arith.shrui %get3A_1178, %shift_right_logical3A_1180 : vector<16xi32>
      %sub3A_1182 = vector.broadcast %mul3A_14 : i32 to vector<16xi32>
      %sub3A_1183 = arith.subi %shift_right_logical3A_1181, %sub3A_1182 : vector<16xi32>
      %swap3A_1184 = arith.constant 2 : i32
      %swap3A_1185 = arith.index_cast %swap3A_1184 : i32 to index
      %swap3A_1186 = arith.constant 96 : index
      %swap3A_1187 = tpu.vector_load %arg9[%swap3A_1185, %swap3A_1186] {strides = array<i32>} : memref<3x128xi32, #tpu.memory_space<vmem>>, vector<16xi32>,
      tpu.vector_store %arg9[%swap3A_1185, %swap3A_1186], %sub3A_1183 {strides = array<i32>} : memref<3x128xi32, #tpu.memory_space<vmem>>, vector<16xi32>,
      %get3A_1188 = arith.constant 2 : i32
      %get3A_1189 = arith.index_cast %get3A_1188 : i32 to index
      %get3A_1190 = arith.constant 112 : index
      %get3A_1191 = tpu.vector_load %arg8[%get3A_1189, %get3A_1190] {strides = array<i32>} : memref<3x128xi32, #tpu.memory_space<vmem>>, vector<16xi32>,
      %shift_right_logical3A_1192 = arith.constant 16 : i32
      %shift_right_logical3A_1193 = vector.broadcast %shift_right_logical3A_1192 : i32 to vector<16xi32>
      %shift_right_logical3A_1194 = arith.shrui %get3A_1191, %shift_right_logical3A_1193 : vector<16xi32>
      %sub3A_1195 = vector.broadcast %mul3A_14 : i32 to vector<16xi32>
      %sub3A_1196 = arith.subi %shift_right_logical3A_1194, %sub3A_1195 : vector<16xi32>
      %swap3A_1197 = arith.constant 2 : i32
      %swap3A_1198 = arith.index_cast %swap3A_1197 : i32 to index
      %swap3A_1199 = arith.constant 112 : index
      %swap3A_1200 = tpu.vector_load %arg9[%swap3A_1198, %swap3A_1199] {strides = array<i32>} : memref<3x128xi32, #tpu.memory_space<vmem>>, vector<16xi32>,
      tpu.vector_store %arg9[%swap3A_1198, %swap3A_1199], %sub3A_1196 {strides = array<i32>} : memref<3x128xi32, #tpu.memory_space<vmem>>, vector<16xi32>,
      %dma_start3A_1201 = arith.constant 0 : i32
      %dma_start3A_1202 = arith.constant 0 : i32
      %dma_start3A_1203 = tpu.memref_slice %arg11[%dma_start3A_1201, %dma_start3A_1202] : memref<3x128xi32, #tpu.memory_space<vmem>> -> memref<1x128xi32, #tpu.memory_space<vmem>>
      %dma_start3A_1204 = tpu.memref_squeeze %dma_start3A_1203 : memref<1x128xi32, #tpu.memory_space<vmem>> -> memref<128xi32, #tpu.memory_space<vmem>>
      %dma_start3A_1205 = arith.constant 0 : i32
      %dma_start3A_1206 = arith.constant 0 : i32
      %dma_start3A_1207 = tpu.memref_slice %arg5[%dma_start3A_1205, %dma_start3A_1206] : memref<25088x48xf32, #tpu.memory_space<vmem_shared>> -> memref<25088x48xf32, #tpu.memory_space<vmem_shared>>
      tpu.enqueue_indirect_dma source(%arg6 : memref<128x48xf32, #tpu.memory_space<vmem>>) target(%dma_start3A_1207 : memref<25088x48xf32, #tpu.memory_space<vmem_shared>>) offsets(%dma_start3A_1204 : memref<128xi32, #tpu.memory_space<vmem>>) semaphore(%arg14 : memref<!tpu.dma_semaphore, #tpu.memory_space<semaphore_mem>>) {add = true}
      %dma_start3A_1208 = arith.constant 1 : i32
      %dma_start3A_1209 = arith.constant 0 : i32
      %dma_start3A_1210 = tpu.memref_slice %arg11[%dma_start3A_1208, %dma_start3A_1209] : memref<3x128xi32, #tpu.memory_space<vmem>> -> memref<1x128xi32, #tpu.memory_space<vmem>>
      %dma_start3A_1211 = tpu.memref_squeeze %dma_start3A_1210 : memref<1x128xi32, #tpu.memory_space<vmem>> -> memref<128xi32, #tpu.memory_space<vmem>>
      %dma_start3A_1212 = arith.constant 0 : i32
      %dma_start3A_1213 = arith.constant 0 : i32
      %dma_start3A_1214 = tpu.memref_slice %arg5[%dma_start3A_1212, %dma_start3A_1213] : memref<25088x48xf32, #tpu.memory_space<vmem_shared>> -> memref<25088x48xf32, #tpu.memory_space<vmem_shared>>
      tpu.enqueue_indirect_dma source(%arg6 : memref<128x48xf32, #tpu.memory_space<vmem>>) target(%dma_start3A_1214 : memref<25088x48xf32, #tpu.memory_space<vmem_shared>>) offsets(%dma_start3A_1211 : memref<128xi32, #tpu.memory_space<vmem>>) semaphore(%arg14 : memref<!tpu.dma_semaphore, #tpu.memory_space<semaphore_mem>>) {add = true}
      %dma_start3A_1215 = arith.constant 2 : i32
      %dma_start3A_1216 = arith.constant 0 : i32
      %dma_start3A_1217 = tpu.memref_slice %arg11[%dma_start3A_1215, %dma_start3A_1216] : memref<3x128xi32, #tpu.memory_space<vmem>> -> memref<1x128xi32, #tpu.memory_space<vmem>>
      %dma_start3A_1218 = tpu.memref_squeeze %dma_start3A_1217 : memref<1x128xi32, #tpu.memory_space<vmem>> -> memref<128xi32, #tpu.memory_space<vmem>>
      %dma_start3A_1219 = arith.constant 0 : i32
      %dma_start3A_1220 = arith.constant 0 : i32
      %dma_start3A_1221 = tpu.memref_slice %arg5[%dma_start3A_1219, %dma_start3A_1220] : memref<25088x48xf32, #tpu.memory_space<vmem_shared>> -> memref<25088x48xf32, #tpu.memory_space<vmem_shared>>
      tpu.enqueue_indirect_dma source(%arg6 : memref<128x48xf32, #tpu.memory_space<vmem>>) target(%dma_start3A_1221 : memref<25088x48xf32, #tpu.memory_space<vmem_shared>>) offsets(%dma_start3A_1218 : memref<128xi32, #tpu.memory_space<vmem>>) semaphore(%arg14 : memref<!tpu.dma_semaphore, #tpu.memory_space<semaphore_mem>>) {add = true}
      %while3A_1222 = arith.constant 0 : i32
      scf.yield %while3A_1222 : i32
    }
    %dma_wait3A = arith.constant 0 : i32
    %dma_wait3A_405 = arith.constant 0 : i32
    %dma_wait3A_406 = tpu.memref_slice %arg4[%dma_wait3A, %dma_wait3A_405] : memref<50176x48xf32, #tpu.memory_space<hbm>> -> memref<128x48xf32, #tpu.memory_space<hbm>>
    %dma_wait3A_407 = arith.constant 0 : i32
    %dma_wait3A_408 = arith.constant 0 : i32
    %dma_wait3A_409 = tpu.memref_slice %arg4[%dma_wait3A_407, %dma_wait3A_408] : memref<50176x48xf32, #tpu.memory_space<hbm>> -> memref<128x48xf32, #tpu.memory_space<hbm>>
    tpu.wait_dma2 semaphore(%arg14 : memref<!tpu.dma_semaphore, #tpu.memory_space<semaphore_mem>>) src(%dma_wait3A_409 : memref<128x48xf32, #tpu.memory_space<hbm>>) dst(%arg6 : memref<128x48xf32, #tpu.memory_space<vmem>>)
    %dma_wait3A_410 = arith.constant 0 : i32
    %dma_wait3A_411 = arith.constant 0 : i32
    %dma_wait3A_412 = tpu.memref_slice %arg4[%dma_wait3A_410, %dma_wait3A_411] : memref<50176x48xf32, #tpu.memory_space<hbm>> -> memref<128x48xf32, #tpu.memory_space<hbm>>
    %dma_wait3A_413 = arith.constant 0 : i32
    %dma_wait3A_414 = arith.constant 0 : i32
    %dma_wait3A_415 = tpu.memref_slice %arg4[%dma_wait3A_413, %dma_wait3A_414] : memref<50176x48xf32, #tpu.memory_space<hbm>> -> memref<128x48xf32, #tpu.memory_space<hbm>>
    tpu.wait_dma2 semaphore(%arg14 : memref<!tpu.dma_semaphore, #tpu.memory_space<semaphore_mem>>) src(%dma_wait3A_415 : memref<128x48xf32, #tpu.memory_space<hbm>>) dst(%arg6 : memref<128x48xf32, #tpu.memory_space<vmem>>)
    %dma_wait3A_416 = arith.constant 0 : i32
    %dma_wait3A_417 = arith.constant 0 : i32
    %dma_wait3A_418 = tpu.memref_slice %arg4[%dma_wait3A_416, %dma_wait3A_417] : memref<50176x48xf32, #tpu.memory_space<hbm>> -> memref<128x48xf32, #tpu.memory_space<hbm>>
    %dma_wait3A_419 = arith.constant 0 : i32
    %dma_wait3A_420 = arith.constant 0 : i32
    %dma_wait3A_421 = tpu.memref_slice %arg4[%dma_wait3A_419, %dma_wait3A_420] : memref<50176x48xf32, #tpu.memory_space<hbm>> -> memref<128x48xf32, #tpu.memory_space<hbm>>
    tpu.wait_dma2 semaphore(%arg14 : memref<!tpu.dma_semaphore, #tpu.memory_space<semaphore_mem>>) src(%dma_wait3A_421 : memref<128x48xf32, #tpu.memory_space<hbm>>) dst(%arg6 : memref<128x48xf32, #tpu.memory_space<vmem>>)
    %barrier3A_422 = arith.constant 0 : index
    tpu.barrier barrier_id(%barrier3A_422)
    %mul3A_423 = arith.constant 1568 : i32
    %mul3A_424 = arith.muli %arg1, %mul3A_423 : i32
    %add3A_425 = arith.constant 0 : i32
    %add3A_426 = arith.addi %mul3A_424, %add3A_425 : i32
    %mul3A_427 = arith.constant 25088 : i32
    %mul3A_428 = arith.muli %arg0, %mul3A_427 : i32
    %add3A_429 = arith.addi %mul3A_428, %add3A_426 : i32
    "tpu.region"() ({
      %run_scoped3A = tpu.sem_alloc : memref<!tpu.dma_semaphore, #tpu.memory_space<semaphore_mem>>
      %dma_start3A = arith.constant 0 : i32
      %dma_start3A_521 = tpu.memref_slice %arg5[%add3A_426, %dma_start3A] : memref<25088x48xf32, #tpu.memory_space<vmem_shared>> -> memref<112x48xf32, #tpu.memory_space<vmem_shared>>
      %dma_start3A_522 = arith.constant 0 : i32
      %dma_start3A_523 = tpu.memref_slice %arg5[%add3A_426, %dma_start3A_522] : memref<25088x48xf32, #tpu.memory_space<vmem_shared>> -> memref<112x48xf32, #tpu.memory_space<vmem_shared>>
      tpu.enqueue_dma source(%dma_start3A_523 : memref<112x48xf32, #tpu.memory_space<vmem_shared>>) target(%arg12 : memref<112x48xf32, #tpu.memory_space<vmem>>) target_semaphore(%run_scoped3A : memref<!tpu.dma_semaphore, #tpu.memory_space<semaphore_mem>>)
      %dma_wait3A_524 = arith.constant 0 : i32
      %dma_wait3A_525 = tpu.memref_slice %arg5[%add3A_426, %dma_wait3A_524] : memref<25088x48xf32, #tpu.memory_space<vmem_shared>> -> memref<112x48xf32, #tpu.memory_space<vmem_shared>>
      %dma_wait3A_526 = arith.constant 0 : i32
      %dma_wait3A_527 = tpu.memref_slice %arg5[%add3A_426, %dma_wait3A_526] : memref<25088x48xf32, #tpu.memory_space<vmem_shared>> -> memref<112x48xf32, #tpu.memory_space<vmem_shared>>
      tpu.wait_dma2 semaphore(%run_scoped3A : memref<!tpu.dma_semaphore, #tpu.memory_space<semaphore_mem>>) src(%dma_wait3A_527 : memref<112x48xf32, #tpu.memory_space<vmem_shared>>) dst(%arg12 : memref<112x48xf32, #tpu.memory_space<vmem>>)
      tpu.yield
    }) : () -> ()
    "tpu.region"() ({
      %run_scoped3A = tpu.sem_alloc : memref<!tpu.dma_semaphore, #tpu.memory_space<semaphore_mem>>
      %dma_start3A = arith.constant 0 : i32
      %dma_start3A_521 = tpu.memref_slice %arg4[%add3A_429, %dma_start3A] : memref<50176x48xf32, #tpu.memory_space<hbm>> -> memref<112x48xf32, #tpu.memory_space<hbm>>
      %dma_start3A_522 = arith.constant 0 : i32
      %dma_start3A_523 = tpu.memref_slice %arg4[%add3A_429, %dma_start3A_522] : memref<50176x48xf32, #tpu.memory_space<hbm>> -> memref<112x48xf32, #tpu.memory_space<hbm>>
      tpu.enqueue_dma source(%arg12 : memref<112x48xf32, #tpu.memory_space<vmem>>) target(%dma_start3A_523 : memref<112x48xf32, #tpu.memory_space<hbm>>) target_semaphore(%run_scoped3A : memref<!tpu.dma_semaphore, #tpu.memory_space<semaphore_mem>>)
      %dma_wait3A_524 = arith.constant 0 : i32
      %dma_wait3A_525 = tpu.memref_slice %arg4[%add3A_429, %dma_wait3A_524] : memref<50176x48xf32, #tpu.memory_space<hbm>> -> memref<112x48xf32, #tpu.memory_space<hbm>>
      %dma_wait3A_526 = arith.constant 0 : i32
      %dma_wait3A_527 = tpu.memref_slice %arg4[%add3A_429, %dma_wait3A_526] : memref<50176x48xf32, #tpu.memory_space<hbm>> -> memref<112x48xf32, #tpu.memory_space<hbm>>
      tpu.wait_dma2 semaphore(%run_scoped3A : memref<!tpu.dma_semaphore, #tpu.memory_space<semaphore_mem>>) src(%arg12 : memref<112x48xf32, #tpu.memory_space<vmem>>) dst(%dma_wait3A_527 : memref<112x48xf32, #tpu.memory_space<hbm>>)
      tpu.yield
    }) : () -> ()
    %mul3A_430 = arith.constant 1568 : i32
    %mul3A_431 = arith.muli %arg1, %mul3A_430 : i32
    %add3A_432 = arith.constant 112 : i32
    %add3A_433 = arith.addi %mul3A_431, %add3A_432 : i32
    %mul3A_434 = arith.constant 25088 : i32
    %mul3A_435 = arith.muli %arg0, %mul3A_434 : i32
    %add3A_436 = arith.addi %mul3A_435, %add3A_433 : i32
    "tpu.region"() ({
      %run_scoped3A = tpu.sem_alloc : memref<!tpu.dma_semaphore, #tpu.memory_space<semaphore_mem>>
      %dma_start3A = arith.constant 0 : i32
      %dma_start3A_521 = tpu.memref_slice %arg5[%add3A_433, %dma_start3A] : memref<25088x48xf32, #tpu.memory_space<vmem_shared>> -> memref<112x48xf32, #tpu.memory_space<vmem_shared>>
      %dma_start3A_522 = arith.constant 0 : i32
      %dma_start3A_523 = tpu.memref_slice %arg5[%add3A_433, %dma_start3A_522] : memref<25088x48xf32, #tpu.memory_space<vmem_shared>> -> memref<112x48xf32, #tpu.memory_space<vmem_shared>>
      tpu.enqueue_dma source(%dma_start3A_523 : memref<112x48xf32, #tpu.memory_space<vmem_shared>>) target(%arg12 : memref<112x48xf32, #tpu.memory_space<vmem>>) target_semaphore(%run_scoped3A : memref<!tpu.dma_semaphore, #tpu.memory_space<semaphore_mem>>)
      %dma_wait3A_524 = arith.constant 0 : i32
      %dma_wait3A_525 = tpu.memref_slice %arg5[%add3A_433, %dma_wait3A_524] : memref<25088x48xf32, #tpu.memory_space<vmem_shared>> -> memref<112x48xf32, #tpu.memory_space<vmem_shared>>
      %dma_wait3A_526 = arith.constant 0 : i32
      %dma_wait3A_527 = tpu.memref_slice %arg5[%add3A_433, %dma_wait3A_526] : memref<25088x48xf32, #tpu.memory_space<vmem_shared>> -> memref<112x48xf32, #tpu.memory_space<vmem_shared>>
      tpu.wait_dma2 semaphore(%run_scoped3A : memref<!tpu.dma_semaphore, #tpu.memory_space<semaphore_mem>>) src(%dma_wait3A_527 : memref<112x48xf32, #tpu.memory_space<vmem_shared>>) dst(%arg12 : memref<112x48xf32, #tpu.memory_space<vmem>>)
      tpu.yield
    }) : () -> ()
    "tpu.region"() ({
      %run_scoped3A = tpu.sem_alloc : memref<!tpu.dma_semaphore, #tpu.memory_space<semaphore_mem>>
      %dma_start3A = arith.constant 0 : i32
      %dma_start3A_521 = tpu.memref_slice %arg4[%add3A_436, %dma_start3A] : memref<50176x48xf32, #tpu.memory_space<hbm>> -> memref<112x48xf32, #tpu.memory_space<hbm>>
      %dma_start3A_522 = arith.constant 0 : i32
      %dma_start3A_523 = tpu.memref_slice %arg4[%add3A_436, %dma_start3A_522] : memref<50176x48xf32, #tpu.memory_space<hbm>> -> memref<112x48xf32, #tpu.memory_space<hbm>>
      tpu.enqueue_dma source(%arg12 : memref<112x48xf32, #tpu.memory_space<vmem>>) target(%dma_start3A_523 : memref<112x48xf32, #tpu.memory_space<hbm>>) target_semaphore(%run_scoped3A : memref<!tpu.dma_semaphore, #tpu.memory_space<semaphore_mem>>)
      %dma_wait3A_524 = arith.constant 0 : i32
      %dma_wait3A_525 = tpu.memref_slice %arg4[%add3A_436, %dma_wait3A_524] : memref<50176x48xf32, #tpu.memory_space<hbm>> -> memref<112x48xf32, #tpu.memory_space<hbm>>
      %dma_wait3A_526 = arith.constant 0 : i32
      %dma_wait3A_527 = tpu.memref_slice %arg4[%add3A_436, %dma_wait3A_526] : memref<50176x48xf32, #tpu.memory_space<hbm>> -> memref<112x48xf32, #tpu.memory_space<hbm>>
      tpu.wait_dma2 semaphore(%run_scoped3A : memref<!tpu.dma_semaphore, #tpu.memory_space<semaphore_mem>>) src(%arg12 : memref<112x48xf32, #tpu.memory_space<vmem>>) dst(%dma_wait3A_527 : memref<112x48xf32, #tpu.memory_space<hbm>>)
      tpu.yield
    }) : () -> ()
    %mul3A_437 = arith.constant 1568 : i32
    %mul3A_438 = arith.muli %arg1, %mul3A_437 : i32
    %add3A_439 = arith.constant 224 : i32
    %add3A_440 = arith.addi %mul3A_438, %add3A_439 : i32
    %mul3A_441 = arith.constant 25088 : i32
    %mul3A_442 = arith.muli %arg0, %mul3A_441 : i32
    %add3A_443 = arith.addi %mul3A_442, %add3A_440 : i32
    "tpu.region"() ({
      %run_scoped3A = tpu.sem_alloc : memref<!tpu.dma_semaphore, #tpu.memory_space<semaphore_mem>>
      %dma_start3A = arith.constant 0 : i32
      %dma_start3A_521 = tpu.memref_slice %arg5[%add3A_440, %dma_start3A] : memref<25088x48xf32, #tpu.memory_space<vmem_shared>> -> memref<112x48xf32, #tpu.memory_space<vmem_shared>>
      %dma_start3A_522 = arith.constant 0 : i32
      %dma_start3A_523 = tpu.memref_slice %arg5[%add3A_440, %dma_start3A_522] : memref<25088x48xf32, #tpu.memory_space<vmem_shared>> -> memref<112x48xf32, #tpu.memory_space<vmem_shared>>
      tpu.enqueue_dma source(%dma_start3A_523 : memref<112x48xf32, #tpu.memory_space<vmem_shared>>) target(%arg12 : memref<112x48xf32, #tpu.memory_space<vmem>>) target_semaphore(%run_scoped3A : memref<!tpu.dma_semaphore, #tpu.memory_space<semaphore_mem>>)
      %dma_wait3A_524 = arith.constant 0 : i32
      %dma_wait3A_525 = tpu.memref_slice %arg5[%add3A_440, %dma_wait3A_524] : memref<25088x48xf32, #tpu.memory_space<vmem_shared>> -> memref<112x48xf32, #tpu.memory_space<vmem_shared>>
      %dma_wait3A_526 = arith.constant 0 : i32
      %dma_wait3A_527 = tpu.memref_slice %arg5[%add3A_440, %dma_wait3A_526] : memref<25088x48xf32, #tpu.memory_space<vmem_shared>> -> memref<112x48xf32, #tpu.memory_space<vmem_shared>>
      tpu.wait_dma2 semaphore(%run_scoped3A : memref<!tpu.dma_semaphore, #tpu.memory_space<semaphore_mem>>) src(%dma_wait3A_527 : memref<112x48xf32, #tpu.memory_space<vmem_shared>>) dst(%arg12 : memref<112x48xf32, #tpu.memory_space<vmem>>)
      tpu.yield
    }) : () -> ()
    "tpu.region"() ({
      %run_scoped3A = tpu.sem_alloc : memref<!tpu.dma_semaphore, #tpu.memory_space<semaphore_mem>>
      %dma_start3A = arith.constant 0 : i32
      %dma_start3A_521 = tpu.memref_slice %arg4[%add3A_443, %dma_start3A] : memref<50176x48xf32, #tpu.memory_space<hbm>> -> memref<112x48xf32, #tpu.memory_space<hbm>>
      %dma_start3A_522 = arith.constant 0 : i32
      %dma_start3A_523 = tpu.memref_slice %arg4[%add3A_443, %dma_start3A_522] : memref<50176x48xf32, #tpu.memory_space<hbm>> -> memref<112x48xf32, #tpu.memory_space<hbm>>
      tpu.enqueue_dma source(%arg12 : memref<112x48xf32, #tpu.memory_space<vmem>>) target(%dma_start3A_523 : memref<112x48xf32, #tpu.memory_space<hbm>>) target_semaphore(%run_scoped3A : memref<!tpu.dma_semaphore, #tpu.memory_space<semaphore_mem>>)
      %dma_wait3A_524 = arith.constant 0 : i32
      %dma_wait3A_525 = tpu.memref_slice %arg4[%add3A_443, %dma_wait3A_524] : memref<50176x48xf32, #tpu.memory_space<hbm>> -> memref<112x48xf32, #tpu.memory_space<hbm>>
      %dma_wait3A_526 = arith.constant 0 : i32
      %dma_wait3A_527 = tpu.memref_slice %arg4[%add3A_443, %dma_wait3A_526] : memref<50176x48xf32, #tpu.memory_space<hbm>> -> memref<112x48xf32, #tpu.memory_space<hbm>>
      tpu.wait_dma2 semaphore(%run_scoped3A : memref<!tpu.dma_semaphore, #tpu.memory_space<semaphore_mem>>) src(%arg12 : memref<112x48xf32, #tpu.memory_space<vmem>>) dst(%dma_wait3A_527 : memref<112x48xf32, #tpu.memory_space<hbm>>)
      tpu.yield
    }) : () -> ()
    %mul3A_444 = arith.constant 1568 : i32
    %mul3A_445 = arith.muli %arg1, %mul3A_444 : i32
    %add3A_446 = arith.constant 336 : i32
    %add3A_447 = arith.addi %mul3A_445, %add3A_446 : i32
    %mul3A_448 = arith.constant 25088 : i32
    %mul3A_449 = arith.muli %arg0, %mul3A_448 : i32
    %add3A_450 = arith.addi %mul3A_449, %add3A_447 : i32
    "tpu.region"() ({
      %run_scoped3A = tpu.sem_alloc : memref<!tpu.dma_semaphore, #tpu.memory_space<semaphore_mem>>
      %dma_start3A = arith.constant 0 : i32
      %dma_start3A_521 = tpu.memref_slice %arg5[%add3A_447, %dma_start3A] : memref<25088x48xf32, #tpu.memory_space<vmem_shared>> -> memref<112x48xf32, #tpu.memory_space<vmem_shared>>
      %dma_start3A_522 = arith.constant 0 : i32
      %dma_start3A_523 = tpu.memref_slice %arg5[%add3A_447, %dma_start3A_522] : memref<25088x48xf32, #tpu.memory_space<vmem_shared>> -> memref<112x48xf32, #tpu.memory_space<vmem_shared>>
      tpu.enqueue_dma source(%dma_start3A_523 : memref<112x48xf32, #tpu.memory_space<vmem_shared>>) target(%arg12 : memref<112x48xf32, #tpu.memory_space<vmem>>) target_semaphore(%run_scoped3A : memref<!tpu.dma_semaphore, #tpu.memory_space<semaphore_mem>>)
      %dma_wait3A_524 = arith.constant 0 : i32
      %dma_wait3A_525 = tpu.memref_slice %arg5[%add3A_447, %dma_wait3A_524] : memref<25088x48xf32, #tpu.memory_space<vmem_shared>> -> memref<112x48xf32, #tpu.memory_space<vmem_shared>>
      %dma_wait3A_526 = arith.constant 0 : i32
      %dma_wait3A_527 = tpu.memref_slice %arg5[%add3A_447, %dma_wait3A_526] : memref<25088x48xf32, #tpu.memory_space<vmem_shared>> -> memref<112x48xf32, #tpu.memory_space<vmem_shared>>
      tpu.wait_dma2 semaphore(%run_scoped3A : memref<!tpu.dma_semaphore, #tpu.memory_space<semaphore_mem>>) src(%dma_wait3A_527 : memref<112x48xf32, #tpu.memory_space<vmem_shared>>) dst(%arg12 : memref<112x48xf32, #tpu.memory_space<vmem>>)
      tpu.yield
    }) : () -> ()
    "tpu.region"() ({
      %run_scoped3A = tpu.sem_alloc : memref<!tpu.dma_semaphore, #tpu.memory_space<semaphore_mem>>
      %dma_start3A = arith.constant 0 : i32
      %dma_start3A_521 = tpu.memref_slice %arg4[%add3A_450, %dma_start3A] : memref<50176x48xf32, #tpu.memory_space<hbm>> -> memref<112x48xf32, #tpu.memory_space<hbm>>
      %dma_start3A_522 = arith.constant 0 : i32
      %dma_start3A_523 = tpu.memref_slice %arg4[%add3A_450, %dma_start3A_522] : memref<50176x48xf32, #tpu.memory_space<hbm>> -> memref<112x48xf32, #tpu.memory_space<hbm>>
      tpu.enqueue_dma source(%arg12 : memref<112x48xf32, #tpu.memory_space<vmem>>) target(%dma_start3A_523 : memref<112x48xf32, #tpu.memory_space<hbm>>) target_semaphore(%run_scoped3A : memref<!tpu.dma_semaphore, #tpu.memory_space<semaphore_mem>>)
      %dma_wait3A_524 = arith.constant 0 : i32
      %dma_wait3A_525 = tpu.memref_slice %arg4[%add3A_450, %dma_wait3A_524] : memref<50176x48xf32, #tpu.memory_space<hbm>> -> memref<112x48xf32, #tpu.memory_space<hbm>>
      %dma_wait3A_526 = arith.constant 0 : i32
      %dma_wait3A_527 = tpu.memref_slice %arg4[%add3A_450, %dma_wait3A_526] : memref<50176x48xf32, #tpu.memory_space<hbm>> -> memref<112x48xf32, #tpu.memory_space<hbm>>
      tpu.wait_dma2 semaphore(%run_scoped3A : memref<!tpu.dma_semaphore, #tpu.memory_space<semaphore_mem>>) src(%arg12 : memref<112x48xf32, #tpu.memory_space<vmem>>) dst(%dma_wait3A_527 : memref<112x48xf32, #tpu.memory_space<hbm>>)
      tpu.yield
    }) : () -> ()
    %mul3A_451 = arith.constant 1568 : i32
    %mul3A_452 = arith.muli %arg1, %mul3A_451 : i32
    %add3A_453 = arith.constant 448 : i32
    %add3A_454 = arith.addi %mul3A_452, %add3A_453 : i32
    %mul3A_455 = arith.constant 25088 : i32
    %mul3A_456 = arith.muli %arg0, %mul3A_455 : i32
    %add3A_457 = arith.addi %mul3A_456, %add3A_454 : i32
    "tpu.region"() ({
      %run_scoped3A = tpu.sem_alloc : memref<!tpu.dma_semaphore, #tpu.memory_space<semaphore_mem>>
      %dma_start3A = arith.constant 0 : i32
      %dma_start3A_521 = tpu.memref_slice %arg5[%add3A_454, %dma_start3A] : memref<25088x48xf32, #tpu.memory_space<vmem_shared>> -> memref<112x48xf32, #tpu.memory_space<vmem_shared>>
      %dma_start3A_522 = arith.constant 0 : i32
      %dma_start3A_523 = tpu.memref_slice %arg5[%add3A_454, %dma_start3A_522] : memref<25088x48xf32, #tpu.memory_space<vmem_shared>> -> memref<112x48xf32, #tpu.memory_space<vmem_shared>>
      tpu.enqueue_dma source(%dma_start3A_523 : memref<112x48xf32, #tpu.memory_space<vmem_shared>>) target(%arg12 : memref<112x48xf32, #tpu.memory_space<vmem>>) target_semaphore(%run_scoped3A : memref<!tpu.dma_semaphore, #tpu.memory_space<semaphore_mem>>)
      %dma_wait3A_524 = arith.constant 0 : i32
      %dma_wait3A_525 = tpu.memref_slice %arg5[%add3A_454, %dma_wait3A_524] : memref<25088x48xf32, #tpu.memory_space<vmem_shared>> -> memref<112x48xf32, #tpu.memory_space<vmem_shared>>
      %dma_wait3A_526 = arith.constant 0 : i32
      %dma_wait3A_527 = tpu.memref_slice %arg5[%add3A_454, %dma_wait3A_526] : memref<25088x48xf32, #tpu.memory_space<vmem_shared>> -> memref<112x48xf32, #tpu.memory_space<vmem_shared>>
      tpu.wait_dma2 semaphore(%run_scoped3A : memref<!tpu.dma_semaphore, #tpu.memory_space<semaphore_mem>>) src(%dma_wait3A_527 : memref<112x48xf32, #tpu.memory_space<vmem_shared>>) dst(%arg12 : memref<112x48xf32, #tpu.memory_space<vmem>>)
      tpu.yield
    }) : () -> ()
    "tpu.region"() ({
      %run_scoped3A = tpu.sem_alloc : memref<!tpu.dma_semaphore, #tpu.memory_space<semaphore_mem>>
      %dma_start3A = arith.constant 0 : i32
      %dma_start3A_521 = tpu.memref_slice %arg4[%add3A_457, %dma_start3A] : memref<50176x48xf32, #tpu.memory_space<hbm>> -> memref<112x48xf32, #tpu.memory_space<hbm>>
      %dma_start3A_522 = arith.constant 0 : i32
      %dma_start3A_523 = tpu.memref_slice %arg4[%add3A_457, %dma_start3A_522] : memref<50176x48xf32, #tpu.memory_space<hbm>> -> memref<112x48xf32, #tpu.memory_space<hbm>>
      tpu.enqueue_dma source(%arg12 : memref<112x48xf32, #tpu.memory_space<vmem>>) target(%dma_start3A_523 : memref<112x48xf32, #tpu.memory_space<hbm>>) target_semaphore(%run_scoped3A : memref<!tpu.dma_semaphore, #tpu.memory_space<semaphore_mem>>)
      %dma_wait3A_524 = arith.constant 0 : i32
      %dma_wait3A_525 = tpu.memref_slice %arg4[%add3A_457, %dma_wait3A_524] : memref<50176x48xf32, #tpu.memory_space<hbm>> -> memref<112x48xf32, #tpu.memory_space<hbm>>
      %dma_wait3A_526 = arith.constant 0 : i32
      %dma_wait3A_527 = tpu.memref_slice %arg4[%add3A_457, %dma_wait3A_526] : memref<50176x48xf32, #tpu.memory_space<hbm>> -> memref<112x48xf32, #tpu.memory_space<hbm>>
      tpu.wait_dma2 semaphore(%run_scoped3A : memref<!tpu.dma_semaphore, #tpu.memory_space<semaphore_mem>>) src(%arg12 : memref<112x48xf32, #tpu.memory_space<vmem>>) dst(%dma_wait3A_527 : memref<112x48xf32, #tpu.memory_space<hbm>>)
      tpu.yield
    }) : () -> ()
    %mul3A_458 = arith.constant 1568 : i32
    %mul3A_459 = arith.muli %arg1, %mul3A_458 : i32
    %add3A_460 = arith.constant 560 : i32
    %add3A_461 = arith.addi %mul3A_459, %add3A_460 : i32
    %mul3A_462 = arith.constant 25088 : i32
    %mul3A_463 = arith.muli %arg0, %mul3A_462 : i32
    %add3A_464 = arith.addi %mul3A_463, %add3A_461 : i32
    "tpu.region"() ({
      %run_scoped3A = tpu.sem_alloc : memref<!tpu.dma_semaphore, #tpu.memory_space<semaphore_mem>>
      %dma_start3A = arith.constant 0 : i32
      %dma_start3A_521 = tpu.memref_slice %arg5[%add3A_461, %dma_start3A] : memref<25088x48xf32, #tpu.memory_space<vmem_shared>> -> memref<112x48xf32, #tpu.memory_space<vmem_shared>>
      %dma_start3A_522 = arith.constant 0 : i32
      %dma_start3A_523 = tpu.memref_slice %arg5[%add3A_461, %dma_start3A_522] : memref<25088x48xf32, #tpu.memory_space<vmem_shared>> -> memref<112x48xf32, #tpu.memory_space<vmem_shared>>
      tpu.enqueue_dma source(%dma_start3A_523 : memref<112x48xf32, #tpu.memory_space<vmem_shared>>) target(%arg12 : memref<112x48xf32, #tpu.memory_space<vmem>>) target_semaphore(%run_scoped3A : memref<!tpu.dma_semaphore, #tpu.memory_space<semaphore_mem>>)
      %dma_wait3A_524 = arith.constant 0 : i32
      %dma_wait3A_525 = tpu.memref_slice %arg5[%add3A_461, %dma_wait3A_524] : memref<25088x48xf32, #tpu.memory_space<vmem_shared>> -> memref<112x48xf32, #tpu.memory_space<vmem_shared>>
      %dma_wait3A_526 = arith.constant 0 : i32
      %dma_wait3A_527 = tpu.memref_slice %arg5[%add3A_461, %dma_wait3A_526] : memref<25088x48xf32, #tpu.memory_space<vmem_shared>> -> memref<112x48xf32, #tpu.memory_space<vmem_shared>>
      tpu.wait_dma2 semaphore(%run_scoped3A : memref<!tpu.dma_semaphore, #tpu.memory_space<semaphore_mem>>) src(%dma_wait3A_527 : memref<112x48xf32, #tpu.memory_space<vmem_shared>>) dst(%arg12 : memref<112x48xf32, #tpu.memory_space<vmem>>)
      tpu.yield
    }) : () -> ()
    "tpu.region"() ({
      %run_scoped3A = tpu.sem_alloc : memref<!tpu.dma_semaphore, #tpu.memory_space<semaphore_mem>>
      %dma_start3A = arith.constant 0 : i32
      %dma_start3A_521 = tpu.memref_slice %arg4[%add3A_464, %dma_start3A] : memref<50176x48xf32, #tpu.memory_space<hbm>> -> memref<112x48xf32, #tpu.memory_space<hbm>>
      %dma_start3A_522 = arith.constant 0 : i32
      %dma_start3A_523 = tpu.memref_slice %arg4[%add3A_464, %dma_start3A_522] : memref<50176x48xf32, #tpu.memory_space<hbm>> -> memref<112x48xf32, #tpu.memory_space<hbm>>
      tpu.enqueue_dma source(%arg12 : memref<112x48xf32, #tpu.memory_space<vmem>>) target(%dma_start3A_523 : memref<112x48xf32, #tpu.memory_space<hbm>>) target_semaphore(%run_scoped3A : memref<!tpu.dma_semaphore, #tpu.memory_space<semaphore_mem>>)
      %dma_wait3A_524 = arith.constant 0 : i32
      %dma_wait3A_525 = tpu.memref_slice %arg4[%add3A_464, %dma_wait3A_524] : memref<50176x48xf32, #tpu.memory_space<hbm>> -> memref<112x48xf32, #tpu.memory_space<hbm>>
      %dma_wait3A_526 = arith.constant 0 : i32
      %dma_wait3A_527 = tpu.memref_slice %arg4[%add3A_464, %dma_wait3A_526] : memref<50176x48xf32, #tpu.memory_space<hbm>> -> memref<112x48xf32, #tpu.memory_space<hbm>>
      tpu.wait_dma2 semaphore(%run_scoped3A : memref<!tpu.dma_semaphore, #tpu.memory_space<semaphore_mem>>) src(%arg12 : memref<112x48xf32, #tpu.memory_space<vmem>>) dst(%dma_wait3A_527 : memref<112x48xf32, #tpu.memory_space<hbm>>)
      tpu.yield
    }) : () -> ()
    %mul3A_465 = arith.constant 1568 : i32
    %mul3A_466 = arith.muli %arg1, %mul3A_465 : i32
    %add3A_467 = arith.constant 672 : i32
    %add3A_468 = arith.addi %mul3A_466, %add3A_467 : i32
    %mul3A_469 = arith.constant 25088 : i32
    %mul3A_470 = arith.muli %arg0, %mul3A_469 : i32
    %add3A_471 = arith.addi %mul3A_470, %add3A_468 : i32
    "tpu.region"() ({
      %run_scoped3A = tpu.sem_alloc : memref<!tpu.dma_semaphore, #tpu.memory_space<semaphore_mem>>
      %dma_start3A = arith.constant 0 : i32
      %dma_start3A_521 = tpu.memref_slice %arg5[%add3A_468, %dma_start3A] : memref<25088x48xf32, #tpu.memory_space<vmem_shared>> -> memref<112x48xf32, #tpu.memory_space<vmem_shared>>
      %dma_start3A_522 = arith.constant 0 : i32
      %dma_start3A_523 = tpu.memref_slice %arg5[%add3A_468, %dma_start3A_522] : memref<25088x48xf32, #tpu.memory_space<vmem_shared>> -> memref<112x48xf32, #tpu.memory_space<vmem_shared>>
      tpu.enqueue_dma source(%dma_start3A_523 : memref<112x48xf32, #tpu.memory_space<vmem_shared>>) target(%arg12 : memref<112x48xf32, #tpu.memory_space<vmem>>) target_semaphore(%run_scoped3A : memref<!tpu.dma_semaphore, #tpu.memory_space<semaphore_mem>>)
      %dma_wait3A_524 = arith.constant 0 : i32
      %dma_wait3A_525 = tpu.memref_slice %arg5[%add3A_468, %dma_wait3A_524] : memref<25088x48xf32, #tpu.memory_space<vmem_shared>> -> memref<112x48xf32, #tpu.memory_space<vmem_shared>>
      %dma_wait3A_526 = arith.constant 0 : i32
      %dma_wait3A_527 = tpu.memref_slice %arg5[%add3A_468, %dma_wait3A_526] : memref<25088x48xf32, #tpu.memory_space<vmem_shared>> -> memref<112x48xf32, #tpu.memory_space<vmem_shared>>
      tpu.wait_dma2 semaphore(%run_scoped3A : memref<!tpu.dma_semaphore, #tpu.memory_space<semaphore_mem>>) src(%dma_wait3A_527 : memref<112x48xf32, #tpu.memory_space<vmem_shared>>) dst(%arg12 : memref<112x48xf32, #tpu.memory_space<vmem>>)
      tpu.yield
    }) : () -> ()
    "tpu.region"() ({
      %run_scoped3A = tpu.sem_alloc : memref<!tpu.dma_semaphore, #tpu.memory_space<semaphore_mem>>
      %dma_start3A = arith.constant 0 : i32
      %dma_start3A_521 = tpu.memref_slice %arg4[%add3A_471, %dma_start3A] : memref<50176x48xf32, #tpu.memory_space<hbm>> -> memref<112x48xf32, #tpu.memory_space<hbm>>
      %dma_start3A_522 = arith.constant 0 : i32
      %dma_start3A_523 = tpu.memref_slice %arg4[%add3A_471, %dma_start3A_522] : memref<50176x48xf32, #tpu.memory_space<hbm>> -> memref<112x48xf32, #tpu.memory_space<hbm>>
      tpu.enqueue_dma source(%arg12 : memref<112x48xf32, #tpu.memory_space<vmem>>) target(%dma_start3A_523 : memref<112x48xf32, #tpu.memory_space<hbm>>) target_semaphore(%run_scoped3A : memref<!tpu.dma_semaphore, #tpu.memory_space<semaphore_mem>>)
      %dma_wait3A_524 = arith.constant 0 : i32
      %dma_wait3A_525 = tpu.memref_slice %arg4[%add3A_471, %dma_wait3A_524] : memref<50176x48xf32, #tpu.memory_space<hbm>> -> memref<112x48xf32, #tpu.memory_space<hbm>>
      %dma_wait3A_526 = arith.constant 0 : i32
      %dma_wait3A_527 = tpu.memref_slice %arg4[%add3A_471, %dma_wait3A_526] : memref<50176x48xf32, #tpu.memory_space<hbm>> -> memref<112x48xf32, #tpu.memory_space<hbm>>
      tpu.wait_dma2 semaphore(%run_scoped3A : memref<!tpu.dma_semaphore, #tpu.memory_space<semaphore_mem>>) src(%arg12 : memref<112x48xf32, #tpu.memory_space<vmem>>) dst(%dma_wait3A_527 : memref<112x48xf32, #tpu.memory_space<hbm>>)
      tpu.yield
    }) : () -> ()
    %mul3A_472 = arith.constant 1568 : i32
    %mul3A_473 = arith.muli %arg1, %mul3A_472 : i32
    %add3A_474 = arith.constant 784 : i32
    %add3A_475 = arith.addi %mul3A_473, %add3A_474 : i32
    %mul3A_476 = arith.constant 25088 : i32
    %mul3A_477 = arith.muli %arg0, %mul3A_476 : i32
    %add3A_478 = arith.addi %mul3A_477, %add3A_475 : i32
    "tpu.region"() ({
      %run_scoped3A = tpu.sem_alloc : memref<!tpu.dma_semaphore, #tpu.memory_space<semaphore_mem>>
      %dma_start3A = arith.constant 0 : i32
      %dma_start3A_521 = tpu.memref_slice %arg5[%add3A_475, %dma_start3A] : memref<25088x48xf32, #tpu.memory_space<vmem_shared>> -> memref<112x48xf32, #tpu.memory_space<vmem_shared>>
      %dma_start3A_522 = arith.constant 0 : i32
      %dma_start3A_523 = tpu.memref_slice %arg5[%add3A_475, %dma_start3A_522] : memref<25088x48xf32, #tpu.memory_space<vmem_shared>> -> memref<112x48xf32, #tpu.memory_space<vmem_shared>>
      tpu.enqueue_dma source(%dma_start3A_523 : memref<112x48xf32, #tpu.memory_space<vmem_shared>>) target(%arg12 : memref<112x48xf32, #tpu.memory_space<vmem>>) target_semaphore(%run_scoped3A : memref<!tpu.dma_semaphore, #tpu.memory_space<semaphore_mem>>)
      %dma_wait3A_524 = arith.constant 0 : i32
      %dma_wait3A_525 = tpu.memref_slice %arg5[%add3A_475, %dma_wait3A_524] : memref<25088x48xf32, #tpu.memory_space<vmem_shared>> -> memref<112x48xf32, #tpu.memory_space<vmem_shared>>
      %dma_wait3A_526 = arith.constant 0 : i32
      %dma_wait3A_527 = tpu.memref_slice %arg5[%add3A_475, %dma_wait3A_526] : memref<25088x48xf32, #tpu.memory_space<vmem_shared>> -> memref<112x48xf32, #tpu.memory_space<vmem_shared>>
      tpu.wait_dma2 semaphore(%run_scoped3A : memref<!tpu.dma_semaphore, #tpu.memory_space<semaphore_mem>>) src(%dma_wait3A_527 : memref<112x48xf32, #tpu.memory_space<vmem_shared>>) dst(%arg12 : memref<112x48xf32, #tpu.memory_space<vmem>>)
      tpu.yield
    }) : () -> ()
    "tpu.region"() ({
      %run_scoped3A = tpu.sem_alloc : memref<!tpu.dma_semaphore, #tpu.memory_space<semaphore_mem>>
      %dma_start3A = arith.constant 0 : i32
      %dma_start3A_521 = tpu.memref_slice %arg4[%add3A_478, %dma_start3A] : memref<50176x48xf32, #tpu.memory_space<hbm>> -> memref<112x48xf32, #tpu.memory_space<hbm>>
      %dma_start3A_522 = arith.constant 0 : i32
      %dma_start3A_523 = tpu.memref_slice %arg4[%add3A_478, %dma_start3A_522] : memref<50176x48xf32, #tpu.memory_space<hbm>> -> memref<112x48xf32, #tpu.memory_space<hbm>>
      tpu.enqueue_dma source(%arg12 : memref<112x48xf32, #tpu.memory_space<vmem>>) target(%dma_start3A_523 : memref<112x48xf32, #tpu.memory_space<hbm>>) target_semaphore(%run_scoped3A : memref<!tpu.dma_semaphore, #tpu.memory_space<semaphore_mem>>)
      %dma_wait3A_524 = arith.constant 0 : i32
      %dma_wait3A_525 = tpu.memref_slice %arg4[%add3A_478, %dma_wait3A_524] : memref<50176x48xf32, #tpu.memory_space<hbm>> -> memref<112x48xf32, #tpu.memory_space<hbm>>
      %dma_wait3A_526 = arith.constant 0 : i32
      %dma_wait3A_527 = tpu.memref_slice %arg4[%add3A_478, %dma_wait3A_526] : memref<50176x48xf32, #tpu.memory_space<hbm>> -> memref<112x48xf32, #tpu.memory_space<hbm>>
      tpu.wait_dma2 semaphore(%run_scoped3A : memref<!tpu.dma_semaphore, #tpu.memory_space<semaphore_mem>>) src(%arg12 : memref<112x48xf32, #tpu.memory_space<vmem>>) dst(%dma_wait3A_527 : memref<112x48xf32, #tpu.memory_space<hbm>>)
      tpu.yield
    }) : () -> ()
    %mul3A_479 = arith.constant 1568 : i32
    %mul3A_480 = arith.muli %arg1, %mul3A_479 : i32
    %add3A_481 = arith.constant 896 : i32
    %add3A_482 = arith.addi %mul3A_480, %add3A_481 : i32
    %mul3A_483 = arith.constant 25088 : i32
    %mul3A_484 = arith.muli %arg0, %mul3A_483 : i32
    %add3A_485 = arith.addi %mul3A_484, %add3A_482 : i32
    "tpu.region"() ({
      %run_scoped3A = tpu.sem_alloc : memref<!tpu.dma_semaphore, #tpu.memory_space<semaphore_mem>>
      %dma_start3A = arith.constant 0 : i32
      %dma_start3A_521 = tpu.memref_slice %arg5[%add3A_482, %dma_start3A] : memref<25088x48xf32, #tpu.memory_space<vmem_shared>> -> memref<112x48xf32, #tpu.memory_space<vmem_shared>>
      %dma_start3A_522 = arith.constant 0 : i32
      %dma_start3A_523 = tpu.memref_slice %arg5[%add3A_482, %dma_start3A_522] : memref<25088x48xf32, #tpu.memory_space<vmem_shared>> -> memref<112x48xf32, #tpu.memory_space<vmem_shared>>
      tpu.enqueue_dma source(%dma_start3A_523 : memref<112x48xf32, #tpu.memory_space<vmem_shared>>) target(%arg12 : memref<112x48xf32, #tpu.memory_space<vmem>>) target_semaphore(%run_scoped3A : memref<!tpu.dma_semaphore, #tpu.memory_space<semaphore_mem>>)
      %dma_wait3A_524 = arith.constant 0 : i32
      %dma_wait3A_525 = tpu.memref_slice %arg5[%add3A_482, %dma_wait3A_524] : memref<25088x48xf32, #tpu.memory_space<vmem_shared>> -> memref<112x48xf32, #tpu.memory_space<vmem_shared>>
      %dma_wait3A_526 = arith.constant 0 : i32
      %dma_wait3A_527 = tpu.memref_slice %arg5[%add3A_482, %dma_wait3A_526] : memref<25088x48xf32, #tpu.memory_space<vmem_shared>> -> memref<112x48xf32, #tpu.memory_space<vmem_shared>>
      tpu.wait_dma2 semaphore(%run_scoped3A : memref<!tpu.dma_semaphore, #tpu.memory_space<semaphore_mem>>) src(%dma_wait3A_527 : memref<112x48xf32, #tpu.memory_space<vmem_shared>>) dst(%arg12 : memref<112x48xf32, #tpu.memory_space<vmem>>)
      tpu.yield
    }) : () -> ()
    "tpu.region"() ({
      %run_scoped3A = tpu.sem_alloc : memref<!tpu.dma_semaphore, #tpu.memory_space<semaphore_mem>>
      %dma_start3A = arith.constant 0 : i32
      %dma_start3A_521 = tpu.memref_slice %arg4[%add3A_485, %dma_start3A] : memref<50176x48xf32, #tpu.memory_space<hbm>> -> memref<112x48xf32, #tpu.memory_space<hbm>>
      %dma_start3A_522 = arith.constant 0 : i32
      %dma_start3A_523 = tpu.memref_slice %arg4[%add3A_485, %dma_start3A_522] : memref<50176x48xf32, #tpu.memory_space<hbm>> -> memref<112x48xf32, #tpu.memory_space<hbm>>
      tpu.enqueue_dma source(%arg12 : memref<112x48xf32, #tpu.memory_space<vmem>>) target(%dma_start3A_523 : memref<112x48xf32, #tpu.memory_space<hbm>>) target_semaphore(%run_scoped3A : memref<!tpu.dma_semaphore, #tpu.memory_space<semaphore_mem>>)
      %dma_wait3A_524 = arith.constant 0 : i32
      %dma_wait3A_525 = tpu.memref_slice %arg4[%add3A_485, %dma_wait3A_524] : memref<50176x48xf32, #tpu.memory_space<hbm>> -> memref<112x48xf32, #tpu.memory_space<hbm>>
      %dma_wait3A_526 = arith.constant 0 : i32
      %dma_wait3A_527 = tpu.memref_slice %arg4[%add3A_485, %dma_wait3A_526] : memref<50176x48xf32, #tpu.memory_space<hbm>> -> memref<112x48xf32, #tpu.memory_space<hbm>>
      tpu.wait_dma2 semaphore(%run_scoped3A : memref<!tpu.dma_semaphore, #tpu.memory_space<semaphore_mem>>) src(%arg12 : memref<112x48xf32, #tpu.memory_space<vmem>>) dst(%dma_wait3A_527 : memref<112x48xf32, #tpu.memory_space<hbm>>)
      tpu.yield
    }) : () -> ()
    %mul3A_486 = arith.constant 1568 : i32
    %mul3A_487 = arith.muli %arg1, %mul3A_486 : i32
    %add3A_488 = arith.constant 1008 : i32
    %add3A_489 = arith.addi %mul3A_487, %add3A_488 : i32
    %mul3A_490 = arith.constant 25088 : i32
    %mul3A_491 = arith.muli %arg0, %mul3A_490 : i32
    %add3A_492 = arith.addi %mul3A_491, %add3A_489 : i32
    "tpu.region"() ({
      %run_scoped3A = tpu.sem_alloc : memref<!tpu.dma_semaphore, #tpu.memory_space<semaphore_mem>>
      %dma_start3A = arith.constant 0 : i32
      %dma_start3A_521 = tpu.memref_slice %arg5[%add3A_489, %dma_start3A] : memref<25088x48xf32, #tpu.memory_space<vmem_shared>> -> memref<112x48xf32, #tpu.memory_space<vmem_shared>>
      %dma_start3A_522 = arith.constant 0 : i32
      %dma_start3A_523 = tpu.memref_slice %arg5[%add3A_489, %dma_start3A_522] : memref<25088x48xf32, #tpu.memory_space<vmem_shared>> -> memref<112x48xf32, #tpu.memory_space<vmem_shared>>
      tpu.enqueue_dma source(%dma_start3A_523 : memref<112x48xf32, #tpu.memory_space<vmem_shared>>) target(%arg12 : memref<112x48xf32, #tpu.memory_space<vmem>>) target_semaphore(%run_scoped3A : memref<!tpu.dma_semaphore, #tpu.memory_space<semaphore_mem>>)
      %dma_wait3A_524 = arith.constant 0 : i32
      %dma_wait3A_525 = tpu.memref_slice %arg5[%add3A_489, %dma_wait3A_524] : memref<25088x48xf32, #tpu.memory_space<vmem_shared>> -> memref<112x48xf32, #tpu.memory_space<vmem_shared>>
      %dma_wait3A_526 = arith.constant 0 : i32
      %dma_wait3A_527 = tpu.memref_slice %arg5[%add3A_489, %dma_wait3A_526] : memref<25088x48xf32, #tpu.memory_space<vmem_shared>> -> memref<112x48xf32, #tpu.memory_space<vmem_shared>>
      tpu.wait_dma2 semaphore(%run_scoped3A : memref<!tpu.dma_semaphore, #tpu.memory_space<semaphore_mem>>) src(%dma_wait3A_527 : memref<112x48xf32, #tpu.memory_space<vmem_shared>>) dst(%arg12 : memref<112x48xf32, #tpu.memory_space<vmem>>)
      tpu.yield
    }) : () -> ()
    "tpu.region"() ({
      %run_scoped3A = tpu.sem_alloc : memref<!tpu.dma_semaphore, #tpu.memory_space<semaphore_mem>>
      %dma_start3A = arith.constant 0 : i32
      %dma_start3A_521 = tpu.memref_slice %arg4[%add3A_492, %dma_start3A] : memref<50176x48xf32, #tpu.memory_space<hbm>> -> memref<112x48xf32, #tpu.memory_space<hbm>>
      %dma_start3A_522 = arith.constant 0 : i32
      %dma_start3A_523 = tpu.memref_slice %arg4[%add3A_492, %dma_start3A_522] : memref<50176x48xf32, #tpu.memory_space<hbm>> -> memref<112x48xf32, #tpu.memory_space<hbm>>
      tpu.enqueue_dma source(%arg12 : memref<112x48xf32, #tpu.memory_space<vmem>>) target(%dma_start3A_523 : memref<112x48xf32, #tpu.memory_space<hbm>>) target_semaphore(%run_scoped3A : memref<!tpu.dma_semaphore, #tpu.memory_space<semaphore_mem>>)
      %dma_wait3A_524 = arith.constant 0 : i32
      %dma_wait3A_525 = tpu.memref_slice %arg4[%add3A_492, %dma_wait3A_524] : memref<50176x48xf32, #tpu.memory_space<hbm>> -> memref<112x48xf32, #tpu.memory_space<hbm>>
      %dma_wait3A_526 = arith.constant 0 : i32
      %dma_wait3A_527 = tpu.memref_slice %arg4[%add3A_492, %dma_wait3A_526] : memref<50176x48xf32, #tpu.memory_space<hbm>> -> memref<112x48xf32, #tpu.memory_space<hbm>>
      tpu.wait_dma2 semaphore(%run_scoped3A : memref<!tpu.dma_semaphore, #tpu.memory_space<semaphore_mem>>) src(%arg12 : memref<112x48xf32, #tpu.memory_space<vmem>>) dst(%dma_wait3A_527 : memref<112x48xf32, #tpu.memory_space<hbm>>)
      tpu.yield
    }) : () -> ()
    %mul3A_493 = arith.constant 1568 : i32
    %mul3A_494 = arith.muli %arg1, %mul3A_493 : i32
    %add3A_495 = arith.constant 1120 : i32
    %add3A_496 = arith.addi %mul3A_494, %add3A_495 : i32
    %mul3A_497 = arith.constant 25088 : i32
    %mul3A_498 = arith.muli %arg0, %mul3A_497 : i32
    %add3A_499 = arith.addi %mul3A_498, %add3A_496 : i32
    "tpu.region"() ({
      %run_scoped3A = tpu.sem_alloc : memref<!tpu.dma_semaphore, #tpu.memory_space<semaphore_mem>>
      %dma_start3A = arith.constant 0 : i32
      %dma_start3A_521 = tpu.memref_slice %arg5[%add3A_496, %dma_start3A] : memref<25088x48xf32, #tpu.memory_space<vmem_shared>> -> memref<112x48xf32, #tpu.memory_space<vmem_shared>>
      %dma_start3A_522 = arith.constant 0 : i32
      %dma_start3A_523 = tpu.memref_slice %arg5[%add3A_496, %dma_start3A_522] : memref<25088x48xf32, #tpu.memory_space<vmem_shared>> -> memref<112x48xf32, #tpu.memory_space<vmem_shared>>
      tpu.enqueue_dma source(%dma_start3A_523 : memref<112x48xf32, #tpu.memory_space<vmem_shared>>) target(%arg12 : memref<112x48xf32, #tpu.memory_space<vmem>>) target_semaphore(%run_scoped3A : memref<!tpu.dma_semaphore, #tpu.memory_space<semaphore_mem>>)
      %dma_wait3A_524 = arith.constant 0 : i32
      %dma_wait3A_525 = tpu.memref_slice %arg5[%add3A_496, %dma_wait3A_524] : memref<25088x48xf32, #tpu.memory_space<vmem_shared>> -> memref<112x48xf32, #tpu.memory_space<vmem_shared>>
      %dma_wait3A_526 = arith.constant 0 : i32
      %dma_wait3A_527 = tpu.memref_slice %arg5[%add3A_496, %dma_wait3A_526] : memref<25088x48xf32, #tpu.memory_space<vmem_shared>> -> memref<112x48xf32, #tpu.memory_space<vmem_shared>>
      tpu.wait_dma2 semaphore(%run_scoped3A : memref<!tpu.dma_semaphore, #tpu.memory_space<semaphore_mem>>) src(%dma_wait3A_527 : memref<112x48xf32, #tpu.memory_space<vmem_shared>>) dst(%arg12 : memref<112x48xf32, #tpu.memory_space<vmem>>)
      tpu.yield
    }) : () -> ()
    "tpu.region"() ({
      %run_scoped3A = tpu.sem_alloc : memref<!tpu.dma_semaphore, #tpu.memory_space<semaphore_mem>>
      %dma_start3A = arith.constant 0 : i32
      %dma_start3A_521 = tpu.memref_slice %arg4[%add3A_499, %dma_start3A] : memref<50176x48xf32, #tpu.memory_space<hbm>> -> memref<112x48xf32, #tpu.memory_space<hbm>>
      %dma_start3A_522 = arith.constant 0 : i32
      %dma_start3A_523 = tpu.memref_slice %arg4[%add3A_499, %dma_start3A_522] : memref<50176x48xf32, #tpu.memory_space<hbm>> -> memref<112x48xf32, #tpu.memory_space<hbm>>
      tpu.enqueue_dma source(%arg12 : memref<112x48xf32, #tpu.memory_space<vmem>>) target(%dma_start3A_523 : memref<112x48xf32, #tpu.memory_space<hbm>>) target_semaphore(%run_scoped3A : memref<!tpu.dma_semaphore, #tpu.memory_space<semaphore_mem>>)
      %dma_wait3A_524 = arith.constant 0 : i32
      %dma_wait3A_525 = tpu.memref_slice %arg4[%add3A_499, %dma_wait3A_524] : memref<50176x48xf32, #tpu.memory_space<hbm>> -> memref<112x48xf32, #tpu.memory_space<hbm>>
      %dma_wait3A_526 = arith.constant 0 : i32
      %dma_wait3A_527 = tpu.memref_slice %arg4[%add3A_499, %dma_wait3A_526] : memref<50176x48xf32, #tpu.memory_space<hbm>> -> memref<112x48xf32, #tpu.memory_space<hbm>>
      tpu.wait_dma2 semaphore(%run_scoped3A : memref<!tpu.dma_semaphore, #tpu.memory_space<semaphore_mem>>) src(%arg12 : memref<112x48xf32, #tpu.memory_space<vmem>>) dst(%dma_wait3A_527 : memref<112x48xf32, #tpu.memory_space<hbm>>)
      tpu.yield
    }) : () -> ()
    %mul3A_500 = arith.constant 1568 : i32
    %mul3A_501 = arith.muli %arg1, %mul3A_500 : i32
    %add3A_502 = arith.constant 1232 : i32
    %add3A_503 = arith.addi %mul3A_501, %add3A_502 : i32
    %mul3A_504 = arith.constant 25088 : i32
    %mul3A_505 = arith.muli %arg0, %mul3A_504 : i32
    %add3A_506 = arith.addi %mul3A_505, %add3A_503 : i32
    "tpu.region"() ({
      %run_scoped3A = tpu.sem_alloc : memref<!tpu.dma_semaphore, #tpu.memory_space<semaphore_mem>>
      %dma_start3A = arith.constant 0 : i32
      %dma_start3A_521 = tpu.memref_slice %arg5[%add3A_503, %dma_start3A] : memref<25088x48xf32, #tpu.memory_space<vmem_shared>> -> memref<112x48xf32, #tpu.memory_space<vmem_shared>>
      %dma_start3A_522 = arith.constant 0 : i32
      %dma_start3A_523 = tpu.memref_slice %arg5[%add3A_503, %dma_start3A_522] : memref<25088x48xf32, #tpu.memory_space<vmem_shared>> -> memref<112x48xf32, #tpu.memory_space<vmem_shared>>
      tpu.enqueue_dma source(%dma_start3A_523 : memref<112x48xf32, #tpu.memory_space<vmem_shared>>) target(%arg12 : memref<112x48xf32, #tpu.memory_space<vmem>>) target_semaphore(%run_scoped3A : memref<!tpu.dma_semaphore, #tpu.memory_space<semaphore_mem>>)
      %dma_wait3A_524 = arith.constant 0 : i32
      %dma_wait3A_525 = tpu.memref_slice %arg5[%add3A_503, %dma_wait3A_524] : memref<25088x48xf32, #tpu.memory_space<vmem_shared>> -> memref<112x48xf32, #tpu.memory_space<vmem_shared>>
      %dma_wait3A_526 = arith.constant 0 : i32
      %dma_wait3A_527 = tpu.memref_slice %arg5[%add3A_503, %dma_wait3A_526] : memref<25088x48xf32, #tpu.memory_space<vmem_shared>> -> memref<112x48xf32, #tpu.memory_space<vmem_shared>>
      tpu.wait_dma2 semaphore(%run_scoped3A : memref<!tpu.dma_semaphore, #tpu.memory_space<semaphore_mem>>) src(%dma_wait3A_527 : memref<112x48xf32, #tpu.memory_space<vmem_shared>>) dst(%arg12 : memref<112x48xf32, #tpu.memory_space<vmem>>)
      tpu.yield
    }) : () -> ()
    "tpu.region"() ({
      %run_scoped3A = tpu.sem_alloc : memref<!tpu.dma_semaphore, #tpu.memory_space<semaphore_mem>>
      %dma_start3A = arith.constant 0 : i32
      %dma_start3A_521 = tpu.memref_slice %arg4[%add3A_506, %dma_start3A] : memref<50176x48xf32, #tpu.memory_space<hbm>> -> memref<112x48xf32, #tpu.memory_space<hbm>>
      %dma_start3A_522 = arith.constant 0 : i32
      %dma_start3A_523 = tpu.memref_slice %arg4[%add3A_506, %dma_start3A_522] : memref<50176x48xf32, #tpu.memory_space<hbm>> -> memref<112x48xf32, #tpu.memory_space<hbm>>
      tpu.enqueue_dma source(%arg12 : memref<112x48xf32, #tpu.memory_space<vmem>>) target(%dma_start3A_523 : memref<112x48xf32, #tpu.memory_space<hbm>>) target_semaphore(%run_scoped3A : memref<!tpu.dma_semaphore, #tpu.memory_space<semaphore_mem>>)
      %dma_wait3A_524 = arith.constant 0 : i32
      %dma_wait3A_525 = tpu.memref_slice %arg4[%add3A_506, %dma_wait3A_524] : memref<50176x48xf32, #tpu.memory_space<hbm>> -> memref<112x48xf32, #tpu.memory_space<hbm>>
      %dma_wait3A_526 = arith.constant 0 : i32
      %dma_wait3A_527 = tpu.memref_slice %arg4[%add3A_506, %dma_wait3A_526] : memref<50176x48xf32, #tpu.memory_space<hbm>> -> memref<112x48xf32, #tpu.memory_space<hbm>>
      tpu.wait_dma2 semaphore(%run_scoped3A : memref<!tpu.dma_semaphore, #tpu.memory_space<semaphore_mem>>) src(%arg12 : memref<112x48xf32, #tpu.memory_space<vmem>>) dst(%dma_wait3A_527 : memref<112x48xf32, #tpu.memory_space<hbm>>)
      tpu.yield
    }) : () -> ()
    %mul3A_507 = arith.constant 1568 : i32
    %mul3A_508 = arith.muli %arg1, %mul3A_507 : i32
    %add3A_509 = arith.constant 1344 : i32
    %add3A_510 = arith.addi %mul3A_508, %add3A_509 : i32
    %mul3A_511 = arith.constant 25088 : i32
    %mul3A_512 = arith.muli %arg0, %mul3A_511 : i32
    %add3A_513 = arith.addi %mul3A_512, %add3A_510 : i32
    "tpu.region"() ({
      %run_scoped3A = tpu.sem_alloc : memref<!tpu.dma_semaphore, #tpu.memory_space<semaphore_mem>>
      %dma_start3A = arith.constant 0 : i32
      %dma_start3A_521 = tpu.memref_slice %arg5[%add3A_510, %dma_start3A] : memref<25088x48xf32, #tpu.memory_space<vmem_shared>> -> memref<112x48xf32, #tpu.memory_space<vmem_shared>>
      %dma_start3A_522 = arith.constant 0 : i32
      %dma_start3A_523 = tpu.memref_slice %arg5[%add3A_510, %dma_start3A_522] : memref<25088x48xf32, #tpu.memory_space<vmem_shared>> -> memref<112x48xf32, #tpu.memory_space<vmem_shared>>
      tpu.enqueue_dma source(%dma_start3A_523 : memref<112x48xf32, #tpu.memory_space<vmem_shared>>) target(%arg12 : memref<112x48xf32, #tpu.memory_space<vmem>>) target_semaphore(%run_scoped3A : memref<!tpu.dma_semaphore, #tpu.memory_space<semaphore_mem>>)
      %dma_wait3A_524 = arith.constant 0 : i32
      %dma_wait3A_525 = tpu.memref_slice %arg5[%add3A_510, %dma_wait3A_524] : memref<25088x48xf32, #tpu.memory_space<vmem_shared>> -> memref<112x48xf32, #tpu.memory_space<vmem_shared>>
      %dma_wait3A_526 = arith.constant 0 : i32
      %dma_wait3A_527 = tpu.memref_slice %arg5[%add3A_510, %dma_wait3A_526] : memref<25088x48xf32, #tpu.memory_space<vmem_shared>> -> memref<112x48xf32, #tpu.memory_space<vmem_shared>>
      tpu.wait_dma2 semaphore(%run_scoped3A : memref<!tpu.dma_semaphore, #tpu.memory_space<semaphore_mem>>) src(%dma_wait3A_527 : memref<112x48xf32, #tpu.memory_space<vmem_shared>>) dst(%arg12 : memref<112x48xf32, #tpu.memory_space<vmem>>)
      tpu.yield
    }) : () -> ()
    "tpu.region"() ({
      %run_scoped3A = tpu.sem_alloc : memref<!tpu.dma_semaphore, #tpu.memory_space<semaphore_mem>>
      %dma_start3A = arith.constant 0 : i32
      %dma_start3A_521 = tpu.memref_slice %arg4[%add3A_513, %dma_start3A] : memref<50176x48xf32, #tpu.memory_space<hbm>> -> memref<112x48xf32, #tpu.memory_space<hbm>>
      %dma_start3A_522 = arith.constant 0 : i32
      %dma_start3A_523 = tpu.memref_slice %arg4[%add3A_513, %dma_start3A_522] : memref<50176x48xf32, #tpu.memory_space<hbm>> -> memref<112x48xf32, #tpu.memory_space<hbm>>
      tpu.enqueue_dma source(%arg12 : memref<112x48xf32, #tpu.memory_space<vmem>>) target(%dma_start3A_523 : memref<112x48xf32, #tpu.memory_space<hbm>>) target_semaphore(%run_scoped3A : memref<!tpu.dma_semaphore, #tpu.memory_space<semaphore_mem>>)
      %dma_wait3A_524 = arith.constant 0 : i32
      %dma_wait3A_525 = tpu.memref_slice %arg4[%add3A_513, %dma_wait3A_524] : memref<50176x48xf32, #tpu.memory_space<hbm>> -> memref<112x48xf32, #tpu.memory_space<hbm>>
      %dma_wait3A_526 = arith.constant 0 : i32
      %dma_wait3A_527 = tpu.memref_slice %arg4[%add3A_513, %dma_wait3A_526] : memref<50176x48xf32, #tpu.memory_space<hbm>> -> memref<112x48xf32, #tpu.memory_space<hbm>>
      tpu.wait_dma2 semaphore(%run_scoped3A : memref<!tpu.dma_semaphore, #tpu.memory_space<semaphore_mem>>) src(%arg12 : memref<112x48xf32, #tpu.memory_space<vmem>>) dst(%dma_wait3A_527 : memref<112x48xf32, #tpu.memory_space<hbm>>)
      tpu.yield
    }) : () -> ()
    %mul3A_514 = arith.constant 1568 : i32
    %mul3A_515 = arith.muli %arg1, %mul3A_514 : i32
    %add3A_516 = arith.constant 1456 : i32
    %add3A_517 = arith.addi %mul3A_515, %add3A_516 : i32
    %mul3A_518 = arith.constant 25088 : i32
    %mul3A_519 = arith.muli %arg0, %mul3A_518 : i32
    %add3A_520 = arith.addi %mul3A_519, %add3A_517 : i32
    "tpu.region"() ({
      %run_scoped3A = tpu.sem_alloc : memref<!tpu.dma_semaphore, #tpu.memory_space<semaphore_mem>>
      %dma_start3A = arith.constant 0 : i32
      %dma_start3A_521 = tpu.memref_slice %arg5[%add3A_517, %dma_start3A] : memref<25088x48xf32, #tpu.memory_space<vmem_shared>> -> memref<112x48xf32, #tpu.memory_space<vmem_shared>>
      %dma_start3A_522 = arith.constant 0 : i32
      %dma_start3A_523 = tpu.memref_slice %arg5[%add3A_517, %dma_start3A_522] : memref<25088x48xf32, #tpu.memory_space<vmem_shared>> -> memref<112x48xf32, #tpu.memory_space<vmem_shared>>
      tpu.enqueue_dma source(%dma_start3A_523 : memref<112x48xf32, #tpu.memory_space<vmem_shared>>) target(%arg12 : memref<112x48xf32, #tpu.memory_space<vmem>>) target_semaphore(%run_scoped3A : memref<!tpu.dma_semaphore, #tpu.memory_space<semaphore_mem>>)
      %dma_wait3A_524 = arith.constant 0 : i32
      %dma_wait3A_525 = tpu.memref_slice %arg5[%add3A_517, %dma_wait3A_524] : memref<25088x48xf32, #tpu.memory_space<vmem_shared>> -> memref<112x48xf32, #tpu.memory_space<vmem_shared>>
      %dma_wait3A_526 = arith.constant 0 : i32
      %dma_wait3A_527 = tpu.memref_slice %arg5[%add3A_517, %dma_wait3A_526] : memref<25088x48xf32, #tpu.memory_space<vmem_shared>> -> memref<112x48xf32, #tpu.memory_space<vmem_shared>>
      tpu.wait_dma2 semaphore(%run_scoped3A : memref<!tpu.dma_semaphore, #tpu.memory_space<semaphore_mem>>) src(%dma_wait3A_527 : memref<112x48xf32, #tpu.memory_space<vmem_shared>>) dst(%arg12 : memref<112x48xf32, #tpu.memory_space<vmem>>)
      tpu.yield
    }) : () -> ()
    "tpu.region"() ({
      %run_scoped3A = tpu.sem_alloc : memref<!tpu.dma_semaphore, #tpu.memory_space<semaphore_mem>>
      %dma_start3A = arith.constant 0 : i32
      %dma_start3A_521 = tpu.memref_slice %arg4[%add3A_520, %dma_start3A] : memref<50176x48xf32, #tpu.memory_space<hbm>> -> memref<112x48xf32, #tpu.memory_space<hbm>>
      %dma_start3A_522 = arith.constant 0 : i32
      %dma_start3A_523 = tpu.memref_slice %arg4[%add3A_520, %dma_start3A_522] : memref<50176x48xf32, #tpu.memory_space<hbm>> -> memref<112x48xf32, #tpu.memory_space<hbm>>
      tpu.enqueue_dma source(%arg12 : memref<112x48xf32, #tpu.memory_space<vmem>>) target(%dma_start3A_523 : memref<112x48xf32, #tpu.memory_space<hbm>>) target_semaphore(%run_scoped3A : memref<!tpu.dma_semaphore, #tpu.memory_space<semaphore_mem>>)
      %dma_wait3A_524 = arith.constant 0 : i32
      %dma_wait3A_525 = tpu.memref_slice %arg4[%add3A_520, %dma_wait3A_524] : memref<50176x48xf32, #tpu.memory_space<hbm>> -> memref<112x48xf32, #tpu.memory_space<hbm>>
      %dma_wait3A_526 = arith.constant 0 : i32
      %dma_wait3A_527 = tpu.memref_slice %arg4[%add3A_520, %dma_wait3A_526] : memref<50176x48xf32, #tpu.memory_space<hbm>> -> memref<112x48xf32, #tpu.memory_space<hbm>>
      tpu.wait_dma2 semaphore(%run_scoped3A : memref<!tpu.dma_semaphore, #tpu.memory_space<semaphore_mem>>) src(%arg12 : memref<112x48xf32, #tpu.memory_space<vmem>>) dst(%dma_wait3A_527 : memref<112x48xf32, #tpu.memory_space<hbm>>)
      tpu.yield
    }) : () -> ()
    return
  }
}

</mosaic_0001>

<sc_bundles>
// kernel: _deg.3.cloned.1.call-start
scs
__scs_entry_jumppad:
0x0: {  	(pc) =	sbr.rel $0x88, $3  }
0x1: {  	(tag) =	ssettag $0x0;
	lr =	simm.s32 $0x1  }
0x2: {  	[smem:$0x3F9F] =	sst lr;
	_ =	strace $0xD0000000  }
0x3: {  	_ = 	snop  }
0x4: {  	_ = 	snop  }
0x5: {  	_ = 	snop  }
0x6: {  	_ = 	snop  }
0x7: {  	_ = 	snop  }
__scs_overlays_trampoline_lowered:
0x8: {  	[smem:$0x3FAE] =	sst s0  }
0x9: {  	[smem:$0x3FAF] =	sst s1  }
0xa: {  	[smem:$0x3FB0] =	sst s2  }
0xb: {  	[smem:$0x3FB1] =	sst s3  }
0xc: {  	[smem:$0x3FB2] =	sst s4  }
0xd: {  	[smem:$0x3FB3] =	sst s5  }
0xe: {  	[smem:$0x3FB4] =	sst s6  }
0xf: {  	[smem:$0x3FB5] =	sst s7  }
0x10: {  	[smem:$0x3FB6] =	sst s8  }
0x11: {  	[smem:$0x3FB7] =	sst s9;
	s0 =	simm.s32 @!p0 $0x0  }
0x12: {  	s1 =	sld [smem:$0x3F9D];
	s0 =	simm.s32 @p0 $0x1  }
0x13: {  	[smem:$0x3FB8] =	sst s0;
	s0 =	simm.s32 @!p1 $0x0  }
0x14: {  	s2 =	sld [smem:$0x3F9C];
	s0 =	simm.s32 @p1 $0x1  }
0x15: {  	[smem:$0x3FB9] =	sst s0;
	s0 =	simm.s32 @!p2 $0x0  }
0x16: {  	s3 =	sld [smem:$0x3FDB];
	s0 =	simm.s32 @p2 $0x1  }
0x17: {  	s4 =	simm.s32 $0x1BF5;
	[smem:$0x3FBB] =	sst s0  }
0x18: {  	s0 =	sld [smem:$0x3F9E];
	_ =	swait.ge [sflag:s4], $0x0  }
0x19: {  	s7 =	sld [smem:$0x3F9F]  }
0x1a: {  	s8 =	sadd.s32 $0xFFFFE003, lr  }
0x1b: {  	s9 =	sadd.s32 $0xFFFFFEF7, lr;
	s5 =	simm.s32 $0xFFFFFFFF;
	p2 =	slt.u32 s8, $0xFFFFF086  }
0x1c: {  	p1 =	slt.u32 s9, $0xF7A;
	s5 =	simm.s32 @!p2 $0x0  }
0x1d: {  	s5 =	simm.s32 @p1 $0x1;
	p0 =	seq.s32 s7, s2  }
0x1e: {  	s7 =	smul.u32 @!p0 $0xF7A, s2;
	p2 =	seq.s32 @!p0 s5, $0x0  }
0x1f: {  	s9 =	smul.u32 $0xF7A, s1;
	s8 =	simm.s32 @!p0 $0x1BF5;
	p2 =	por !p2, p0  }
0x20: {  	[sflag:s8] =	ssyncset.s32 @!p0 $0xFFFFF086;
	s6 =	sadd.s32 @!p0 s3, s7;
	s7 =	simm.s32 @!p0 $0x108  }
0x21: {  	s3 =	sadd.s32 s3, s9;
	s6 =	sadd.s32 @!p0 $0x88, s6;
	s7 =	simm.s32 @p2 $0x1082  }
0x22: {  	[simem:s7], [sflag:s8] =	dma.local @!p0 [hbm:s6], $0xF7A  }
0x23: {  	s9 =	sor.u32 $0xD0000000, s2;
	s6 =	simm.s32 $0x108;
	_ =	swait.ge @!p0 [sflag:s8], $0x0  }
0x24: {  	s3 =	sadd.s32 $0x88, s3;
	s6 =	simm.s32 @!p1 $0x1082;
	[sflag:s4] =	ssyncset.s32 $0xFFFFF086  }
0x25: {  	[simem:s6], [sflag:s4] =	dma.local [hbm:s3], $0xF7A  }
0x26: {  	[smem:$0x3F9F] =	sst s1;
	(tag) =	ssettag s2;
	_ =	strace s9  }
0x27: {  	s1 =	sld [smem:$0x3FAF]  }
0x28: {  	s2 =	sld [smem:$0x3FB0]  }
0x29: {  	s4 =	sld [smem:$0x3FB2]  }
0x2a: {  	p0 =	seq.s32 s5, $0x0;
	s5 =	sld [smem:$0x3FB3]  }
0x2b: {  	s6 =	sld [smem:$0x3FB4]  }
0x2c: {  	s7 =	sld [smem:$0x3FB5]  }
0x2d: {  	s3 =	simm.s32 $0x108;
	s8 =	sld [smem:$0x3FB6]  }
0x2e: {  	s3 =	simm.s32 @!p0 $0x1082;
	s9 =	sld [smem:$0x3FB7]  }
0x2f: {  	lr =	sadd.s32 s0, s3;
	s0 =	sld [smem:$0x3FAE]  }
0x30: {  	s3 =	sld [smem:$0x3FB1]  }
0x31: {  	[smem:$0x3FBA] =	sst s10  }
0x32: {  	s10 =	sld [smem:$0x3FB8];
	_ =	sdelay $0x3  }
0x33: {  	p0 =	seq.s32 s10, $0x1;
	s10 =	sld [smem:$0x3FBA];
	_ =	sdelay $0x3  }
0x34: {  	[smem:$0x3FBA] =	sst s10  }
0x35: {  	s10 =	sld [smem:$0x3FB9];
	_ =	sdelay $0x3  }
0x36: {  	p1 =	seq.s32 s10, $0x1;
	s10 =	sld [smem:$0x3FBA];
	_ =	sdelay $0x3  }
0x37: {  	[smem:$0x3FBA] =	sst s10  }
0x38: {  	s10 =	sld [smem:$0x3FBB]  }
0x39: {  	_ = 	snop;
	(pc) =	sbr.ind lr, $3  }
0x3a: {  	_ = 	snop  }
0x3b: {  	_ = 	snop  }
0x3c: {  	p2 =	seq.s32 s10, $0x1;
	s10 =	sld [smem:$0x3FBA]  }
0x3d: {  	_ =	shalt  }
0x3e: {  	_ =	shalt  }
0x3f: {  	_ =	shalt  }
0x40: {  	_ =	shalt  }
0x41: {  	_ =	shalt  }
0x42: {  	_ =	shalt  }
0x43: {  	_ =	shalt  }
0x44: {  	_ =	shalt  }
0x45: {  	_ =	shalt  }
0x46: {  	_ =	shalt  }
0x47: {  	_ =	shalt  }
0x48: {  	_ =	shalt  }
0x49: {  	_ =	shalt  }
0x4a: {  	_ =	shalt  }
0x4b: {  	_ =	shalt  }
0x4c: {  	_ =	shalt  }
0x4d: {  	_ =	shalt  }
0x4e: {  	_ =	shalt  }
0x4f: {  	_ =	shalt  }
0x50: {  	_ =	shalt  }
0x51: {  	_ =	shalt  }
0x52: {  	_ =	shalt  }
0x53: {  	_ =	shalt  }
0x54: {  	_ =	shalt  }
0x55: {  	_ =	shalt  }
0x56: {  	_ =	shalt  }
0x57: {  	_ =	shalt  }
0x58: {  	_ =	shalt  }
0x59: {  	_ =	shalt  }
0x5a: {  	_ =	shalt  }
0x5b: {  	_ =	shalt  }
0x5c: {  	_ =	shalt  }
0x5d: {  	_ =	shalt  }
0x5e: {  	_ =	shalt  }
0x5f: {  	_ =	shalt  }
0x60: {  	_ =	shalt  }
0x61: {  	_ =	shalt  }
0x62: {  	_ =	shalt  }
0x63: {  	_ =	shalt  }
0x64: {  	_ =	shalt  }
0x65: {  	_ =	shalt  }
0x66: {  	_ =	shalt  }
0x67: {  	_ =	shalt  }
0x68: {  	_ =	shalt  }
0x69: {  	_ =	shalt  }
0x6a: {  	_ =	shalt  }
0x6b: {  	_ =	shalt  }
0x6c: {  	_ =	shalt  }
0x6d: {  	_ =	shalt  }
0x6e: {  	_ =	shalt  }
0x6f: {  	_ =	shalt  }
0x70: {  	_ =	shalt  }
0x71: {  	_ =	shalt  }
0x72: {  	_ =	shalt  }
0x73: {  	_ =	shalt  }
0x74: {  	_ =	shalt  }
0x75: {  	_ =	shalt  }
0x76: {  	_ =	shalt  }
0x77: {  	_ =	shalt  }
0x78: {  	_ =	shalt  }
0x79: {  	_ =	shalt  }
0x7a: {  	_ =	shalt  }
0x7b: {  	_ =	shalt  }
0x7c: {  	_ =	shalt  }
0x7d: {  	_ =	shalt  }
0x7e: {  	_ =	shalt  }
0x7f: {  	_ =	shalt  }
0x80: {  	_ =	shalt  }
0x81: {  	_ =	shalt  }
0x82: {  	_ =	shalt  }
0x83: {  	_ =	shalt  }
0x84: {  	_ =	shalt  }
0x85: {  	_ =	shalt  }
0x86: {  	_ =	shalt  }
0x87: {  	_ =	shalt  }
.Lfunc_end0:
.L_simem_size_0:
called_computation_lowered:
.L_overlay_start_0:
0x88: {  	s2 =	sld [smem:$0x3FD9]  }
0x89: {  	s3 =	sld [smem:$0x3FFE];
	_ =	sdelay $0x1  }
0x8a: {  	s1 =	srdreg.scid  }
0x8b: {  	s0 =	sand.u32 $0x1, s1  }
0x8c: {  	s17 =	sshll.u32 s0, $0xA;
	s2 =	sadd.s32 s3, s2  }
0x8d: {  	s2 =	sadd.s32 s2, s17  }
0x8e: {  	[smem:$0x3FC6] =	sst s2  }
0x8f: {  	_ = 	snop  }
0x90: {  	s2 =	sld [smem:$0x3FD0];
	(tm) =	ssettm $0x1  }
0x91: {  	s18 =	sld [smem:$0x3FFB];
	_ =	sdelay $0x3  }
0x92: {  	_ =	strace s18  }
0x93: {  	s3 =	sld [smem:$0x3FFC];
	_ =	sdelay $0x3  }
0x94: {  	_ =	strace s3  }
0x95: {  	s3 =	sld [smem:$0x3FFD];
	_ =	sdelay $0x3  }
0x96: {  	_ =	strace s3  }
0x97: {  	_ =	strace $0x8FFFFFFF  }
0x98: {  	s19 =	sld [smem:$0x3FDB];
	_ =	sdelay $0x1  }
0x99: {  	s4 =	simm.s32 $_scs_section_size  }
0x9a: {  	s5 =	simm.s32 $_size__tile_overlayer_lowered;
	s6 =	simm.s32 $_tile_overlayer_lowered  }
0x9b: {  	s22 =	simm.s32 $0x1BFF;
	s21 =	sshll.u32 s6, $0x1;
	s3 =	sadd.s32 s4, s19  }
0x9c: {  	s7 =	simm.s32 $0x0;
	s20 =	sshll.u32 s5, $0x1;
	s5 =	sadd.s32 s21, s3  }
0x9d: {  	[timem:s7], [sflag:s22] =	dma.local [hbm:s5], s20  }
0x9e: {  	_ =	swait.ge [sflag:s22], s20  }
0x9f: {  	s4 =	ssub.s32 $0x0, s20;
	[sflag:s22] =	ssyncset.done $0x0  }
0xa0: {  	[sflag:s22] =	ssyncadd.s32 s4;
	_ =	sdelay $0x1  }
0xa1: {  	s23 =	simm.s32 $0x1B8B  }
0xa2: {  	_ =	swait.ge [sflag:s23], $0x1  }
0xa3: {  	[sflag:s23] =	ssyncset.done $0x0  }
0xa4: {  	s25 =	simm.s32 $0x1B8E;
	s24 =	sld [smem:$0x3FFE];
	[sflag:s23] =	ssyncadd.s32 $0xFFFFFFFF  }
0xa5: {  	s26 =	simm.s32 $execute0_lowered;
	[smem:$0x3FD2] =	sst s25  }
0xa6: {  	s5 =	sshll.u32 s26, $0x1;
	_ =	strace $0x80000046;
	[dreg:$0x1] =	wrdreg $0xFFFFFFFF  }
0xa7: {  	s28 =	simm.s32 $_size_execute0_lowered;
	s3 =	sadd.s32 s3, s5;
	[dreg:$0x0] =	wrdreg $0x0  }
0xa8: {  	s5 =	sshll.u32 s28, $0x1;
	[dreg:$0x2] =	wrdreg s3  }
0xa9: {  	[dreg:$0x3] =	wrdreg s5  }
0xaa: {  	[dreg:$0x4] =	wrdreg $0xC0  }
0xab: {  	_ =	task [dreg:s7], $0x5FFFF  }
0xac: {  	[dreg:$0x1] =	wrdreg $0xFFFFFFFF  }
0xad: {  	[dreg:$0x0] =	wrdreg $0x60  }
0xae: {  	[dreg:$0x2] =	wrdreg s24  }
0xaf: {  	[dreg:$0x3] =	wrdreg s2  }
0xb0: {  	[dreg:$0x4] =	wrdreg $0x0  }
0xb1: {  	[dreg:$0x5] =	wrdreg $0x9  }
0xb2: {  	_ =	task.clear_ibuf [dreg:s7], $0x6FFFF;
	_ =	strace $0x90000046  }
0xb3: {  	s29 =	simm.s32 $0x9;
	_ =	strace $0x80000048  }
0xb4: {  	_ =	swait.ge [sflag:s29], $0x1  }
0xb5: {  	[sflag:s29] =	ssyncadd.s32 $0xFFFFFFFF  }
0xb6: {  	_ =	strace $0x90000048  }
0xb7: {  	_ =	sfence  }
0xb8: {  	s30 =	sld [smem:$0x0];
	_ =	sdelay $0x2  }
0xb9: {  	s31 =	sshll.u32 s1, $0xD;
	s1 =	sshrl.u32 s1, $0x2  }
0xba: {  	s3 =	sand.u32 $0x4000, s31;
	s1 =	sadd.s32 s1, s30  }
0xbb: {  	s0 =	sor.u32 s3, s0;
	s1 =	sshll.u32 s1, $0x11  }
0xbc: {  	s0 =	sor.u32 s1, s0  }
0xbd: {  	s0 =	sadd.s32 $0x8F2B, s0  }
0xbe: {  	[sflag:s0] =	ssyncadd.remote.s32 $0x1  }
0xbf: {  	_ =	sfence.sel $0xFFFF  }
0xc0: {  	[dreg:$0x0] =	wrdreg $0xFFFFFFFF;
	(pc) =	sbr.abs _section_cstart, $3  }
0xc1: {  	[dreg:$0x1] =	wrdreg $0xFFFFFFFF  }
0xc2: {  	_ =	task.clear_ibuf [dreg:s7], $0x2FFFF;
	_ =	strace $0x9FFFFFFF  }
0xc3: {  	(tm) =	ssettm $0x7FFFFFFF  }
tec
execute0_lowered:
.L_overlay_start_1:
0x0: {  	(tag) =	ssettag $0x1  }
0x1: {  	s2 =	rddreg [dreg:$0x0]  }
0x2: {  	s0 =	rddreg [dreg:$0x1]  }
0x3: {  	s1 =	rddreg [dreg:$0x2];
	s3 =	simm.s32 $0x0;
	s4 =	srdreg.scid  }
0x4: {  	s10 =	stileid.u32;
	s28 =	simm.s32 $0x14110;
	s29 =	simm.s32 $0x80  }
0x5: {  	s30 =	simm.s32 $0x13F90;
	s31 =	simm.s32 $0x12600;
	[smem:$0x7FF] =	sst s3  }
0x6: {  	s5 =	sand.u32 $0x1, s4;
	s7 =	smul.u32 $0x620, s10;
	s4 =	sadd.s32 $0x600, s2  }
0x7: {  	s18 =	smul.u32 $0x49800, s10;
	_ =	strace $0x80000047;
	s8 =	ssub.s32 $0x2, s5  }
0x8: {  	s6 =	sshll.u32 s5, $0x1;
	s9 =	sshrl.u32 s8, $0x1;
	s19 =	sadd.s32 $0x70, s7  }
0x9: {  	s2 =	sadd.s32 s6, s2;
	s6 =	smul.u32 $0x61A8, s5;
	s22 =	sshrl.u32 s18, $0x2  }
0xa: {  	s24 =	sadd.s32 $0xA800, s18;
	s26 =	sadd.s32 $0xFC00, s18;
	s12 =	sadd.s32 $0x15000, s18  }
0xb: {  	s14 =	sadd.s32 $0x1A400, s18;
	s16 =	sadd.s32 $0x1F800, s18;
	s20 =	sadd.s32 $0x24C00, s18  }
0xc: {  	s8 =	ssub.s32 s8, s9;
	s21 =	smul.u32 $0xC0, s19;
	s2 =	sadd.s32 $0x400, s2  }
0xd: {  	s11 =	sadd.s32 s22, s1;
	s25 =	sshrl.u32 s24, $0x2;
	s9 =	sshrl.u32 s26, $0x2  }
0xe: {  	s13 =	sshrl.u32 s12, $0x2;
	s15 =	sshrl.u32 s14, $0x2;
	s17 =	sshrl.u32 s16, $0x2  }
0xf: {  	s22 =	sadd.s32 $0x2A000, s18;
	s24 =	sadd.s32 $0x2F400, s18;
	s26 =	sadd.s32 $0x34800, s18  }
0x10: {  	s23 =	sshrl.u32 s21, $0x2;
	s21 =	sshrl.u32 s20, $0x2;
	s20 =	smul.u32 $0x6200, s5  }
0x11: {  	[dreg:$0x4] =	wrdreg s2;
	s5 =	smul.u32 $0x189180, s5;
	s2 =	sadd.s32 s23, s1  }
0x12: {  	s23 =	sshrl.u32 s22, $0x2;
	[dreg:$0x5] =	wrdreg s2;
	s2 =	sadd.s32 s25, s1  }
0x13: {  	s14 =	sadd.s32 s23, s1;
	s25 =	sshrl.u32 s24, $0x2;
	[dreg:$0xc] =	wrdreg s5  }
0x14: {  	s12 =	sadd.s32 s7, s20;
	[dreg:$0x6] =	wrdreg s2;
	s2 =	sadd.s32 s9, s1  }
0x15: {  	s20 =	sadd.s32 s20, s19;
	[dreg:$0x7] =	wrdreg s2;
	s2 =	sadd.s32 s13, s1  }
0x16: {  	s24 =	smax.u32 s8, $0x1;
	[dreg:$0x8] =	wrdreg s2;
	s2 =	sadd.s32 s15, s1  }
0x17: {  	s7 =	smul.u32 $0x6, s20;
	[dreg:$0x9] =	wrdreg s2;
	s2 =	sadd.s32 s17, s1  }
0x18: {  	s9 =	sshrl.u32 s26, $0x2;
	[dreg:$0xa] =	wrdreg s2;
	s2 =	smul.u32 $0x6, s12  }
0x19: {  	[dreg:$0xf] =	wrdreg s24;
	s13 =	sadd.s32 s21, s1;
	s16 =	sadd.s32 s9, s1  }
0x1a: {  	s21 =	sadd.s32 $0x3F000, s18;
	s2 =	sadd.s32 s0, s2;
	s0 =	sadd.s32 s0, s7  }
0x1b: {  	s15 =	sadd.s32 s25, s1;
	s17 =	sadd.s32 $0x39C00, s18;
	[dreg:$0xd] =	wrdreg s0  }
0x1c: {  	s18 =	sadd.s32 $0x44400, s18;
	s23 =	sadd.s32 $0x540, s2;
	[dreg:$0xb] =	wrdreg s2  }
0x1d: {  	s9 =	sshrl.u32 s17, $0x2;
	s25 =	sadd.s32 $0x7E0, s2;
	[dreg:$0xe] =	wrdreg s23  }
0x1e: {  	s22 =	sshrl.u32 s18, $0x2;
	s26 =	sadd.s32 $0xA80, s2;
	[dreg:$0x10] =	wrdreg s25  }
0x1f: {  	s17 =	sadd.s32 s9, s1;
	s7 =	sadd.s32 $0xD20, s2;
	[dreg:$0x11] =	wrdreg s26  }
0x20: {  	s9 =	sshrl.u32 s21, $0x2;
	s8 =	sadd.s32 $0xFC0, s2;
	[dreg:$0x12] =	wrdreg s7  }
0x21: {  	s18 =	sadd.s32 s9, s1;
	s9 =	sadd.s32 $0x1260, s2;
	[dreg:$0x13] =	wrdreg s8  }
0x22: {  	v0 =	vmov s6;
	s6 =	simm.s32 $0x0;
	s12 =	sadd.s32 $0x1500, s2;
	[dreg:$0x14] =	wrdreg s9  }
0x23: {  	s19 =	sadd.s32 s22, s1;
	s20 =	sadd.s32 $0x17A0, s2;
	[dreg:$0x15] =	wrdreg s12  }
0x24: {  	s21 =	sadd.s32 $0x1A40, s2;
	s22 =	sadd.s32 $0x1CE0, s2;
	[dreg:$0x16] =	wrdreg s20  }
0x25: {  	s24 =	sadd.s32 $0x2220, s2;
	s0 =	simm.s32 $0x14010;
	[dreg:$0x17] =	wrdreg s21  }
0x26: {  	[dreg:$0x18] =	wrdreg s22;
	s23 =	sadd.s32 $0x1F80, s2;
	s26 =	smul.u32 $0x300, s10  }
.Ltmp0:
0x27: {  	[dreg:$0x1a] =	wrdreg s24;
	s25 =	sadd.s32 $0x300, s5;
	(pc) =	sbr.rel .LBB2_1-.Ltmp0, $4  }
0x28: {  	s24 =	simm.s32 $0x3;
	s2 =	simm.s32 $0x14090;
	s5 =	simm.s32 $0x1  }
0x29: {  	s22 =	simm.s32 $0x14290;
	s21 =	simm.s32 $0x14390;
	[dreg:$0x19] =	wrdreg s23  }
0x2a: {  	s20 =	simm.s32 $0x2;
	[dreg:$0x1b] =	wrdreg s25;
	s25 =	simm.s32 $0x14410  }
0x2b: {  	v1 =	vimm.f32 $0.0e+00;
	v2 =	vimm.f32 $1.000000000e+00;
	s23 =	simm.s32 $0x14310;
	[dreg:$0x1c] =	wrdreg s26;
	s26 =	simm.s32 $0x13E10  }
.LBB2_8:
0x2c: {  	_ =	swait.ge [sflag:s20], $0x1800  }
0x2d: {  	[sflag:s20] =	ssyncset.done $0x0  }
0x2e: {  	[sflag:s20] =	ssyncadd.s32 $0xFFFFE800  }
0x2f: {  	_ =	swait.ge [sflag:s20], $0x1800  }
0x30: {  	[sflag:s20] =	ssyncset.done $0x0  }
0x31: {  	[sflag:s20] =	ssyncadd.s32 $0xFFFFE800  }
0x32: {  	_ =	swait.ge [sflag:s20], $0x1800  }
0x33: {  	[sflag:s20] =	ssyncset.done $0x0  }
0x34: {  	[sflag:s20] =	ssyncadd.s32 $0xFFFFE800  }
0x35: {  	[bflag:$0x0] =	sbarrier.arrive $0xFFFF  }
0x36: {  	[tilespmem:s25], [sflag:$0x3] =	stream.linear.gather [spmem:s12], $0x1500, $0x38;
	[tilespmem:$0x15910] =	vst v63  }
0x37: {  	_ =	swait.ge [sflag:s24], $0x1500  }
0x38: {  	[sflag:s24] =	ssyncset.done $0x0  }
0x39: {  	s7 =	rddreg [dreg:$0xb];
	[sflag:s24] =	ssyncadd.s32 $0xFFFFEB00  }
0x3a: {  	[hbm4b:s7+s3] =	stream.linear.scatter [tilespmem:s25], [sflag:$0x3], $0x1500, $0x38;
	[tilespmem:$0x15910] =	vst v63  }
0x3b: {  	_ =	swait.ge [sflag:s24], $0x1500  }
0x3c: {  	[sflag:s24] =	ssyncset.done $0x0  }
0x3d: {  	s8 =	rddreg [dreg:$0x5];
	[sflag:s24] =	ssyncadd.s32 $0xFFFFEB00  }
0x3e: {  	[tilespmem:s25], [sflag:$0x3] =	stream.linear.gather [spmem:s8], $0x1500, $0x38;
	[tilespmem:$0x15910] =	vst v63  }
0x3f: {  	_ =	swait.ge [sflag:s24], $0x1500  }
0x40: {  	[sflag:s24] =	ssyncset.done $0x0  }
0x41: {  	s9 =	rddreg [dreg:$0xd];
	[sflag:s24] =	ssyncadd.s32 $0xFFFFEB00  }
0x42: {  	[hbm4b:s9+s3] =	stream.linear.scatter [tilespmem:s25], [sflag:$0x3], $0x1500, $0x38;
	[tilespmem:$0x15910] =	vst v63  }
0x43: {  	_ =	swait.ge [sflag:s24], $0x1500  }
0x44: {  	[sflag:s24] =	ssyncset.done $0x0  }
0x45: {  	s10 =	rddreg [dreg:$0x6];
	[sflag:s24] =	ssyncadd.s32 $0xFFFFEB00  }
0x46: {  	[tilespmem:s25], [sflag:$0x3] =	stream.linear.gather [spmem:s10], $0x1500, $0x38;
	[tilespmem:$0x15910] =	vst v63  }
0x47: {  	_ =	swait.ge [sflag:s24], $0x1500  }
0x48: {  	[sflag:s24] =	ssyncset.done $0x0  }
0x49: {  	s11 =	smov.u32 s12;
	s12 =	rddreg [dreg:$0xe];
	[sflag:s24] =	ssyncadd.s32 $0xFFFFEB00  }
0x4a: {  	[hbm4b:s12+s3] =	stream.linear.scatter [tilespmem:s25], [sflag:$0x3], $0x1500, $0x38;
	[tilespmem:$0x15910] =	vst v63  }
0x4b: {  	_ =	swait.ge [sflag:s24], $0x1500  }
0x4c: {  	[sflag:s24] =	ssyncset.done $0x0  }
0x4d: {  	s8 =	rddreg [dreg:$0x7];
	[sflag:s24] =	ssyncadd.s32 $0xFFFFEB00  }
0x4e: {  	[tilespmem:s25], [sflag:$0x3] =	stream.linear.gather [spmem:s8], $0x1500, $0x38;
	[tilespmem:$0x15910] =	vst v63  }
0x4f: {  	_ =	swait.ge [sflag:s24], $0x1500  }
0x50: {  	[sflag:s24] =	ssyncset.done $0x0  }
0x51: {  	s9 =	rddreg [dreg:$0x10];
	[sflag:s24] =	ssyncadd.s32 $0xFFFFEB00  }
0x52: {  	[hbm4b:s9+s3] =	stream.linear.scatter [tilespmem:s25], [sflag:$0x3], $0x1500, $0x38;
	[tilespmem:$0x15910] =	vst v63  }
0x53: {  	_ =	swait.ge [sflag:s24], $0x1500  }
0x54: {  	[sflag:s24] =	ssyncset.done $0x0  }
0x55: {  	s10 =	rddreg [dreg:$0x8];
	[sflag:s24] =	ssyncadd.s32 $0xFFFFEB00  }
0x56: {  	[tilespmem:s25], [sflag:$0x3] =	stream.linear.gather [spmem:s10], $0x1500, $0x38;
	[tilespmem:$0x15910] =	vst v63  }
0x57: {  	_ =	swait.ge [sflag:s24], $0x1500  }
0x58: {  	[sflag:s24] =	ssyncset.done $0x0  }
0x59: {  	s12 =	rddreg [dreg:$0x11];
	[sflag:s24] =	ssyncadd.s32 $0xFFFFEB00  }
0x5a: {  	[hbm4b:s12+s3] =	stream.linear.scatter [tilespmem:s25], [sflag:$0x3], $0x1500, $0x38;
	[tilespmem:$0x15910] =	vst v63  }
0x5b: {  	_ =	swait.ge [sflag:s24], $0x1500  }
0x5c: {  	[sflag:s24] =	ssyncset.done $0x0  }
0x5d: {  	s8 =	rddreg [dreg:$0x9];
	[sflag:s24] =	ssyncadd.s32 $0xFFFFEB00  }
0x5e: {  	[tilespmem:s25], [sflag:$0x3] =	stream.linear.gather [spmem:s8], $0x1500, $0x38;
	[tilespmem:$0x15910] =	vst v63  }
0x5f: {  	_ =	swait.ge [sflag:s24], $0x1500  }
0x60: {  	[sflag:s24] =	ssyncset.done $0x0  }
0x61: {  	s9 =	rddreg [dreg:$0x12];
	[sflag:s24] =	ssyncadd.s32 $0xFFFFEB00  }
0x62: {  	[hbm4b:s9+s3] =	stream.linear.scatter [tilespmem:s25], [sflag:$0x3], $0x1500, $0x38;
	[tilespmem:$0x15910] =	vst v63  }
0x63: {  	_ =	swait.ge [sflag:s24], $0x1500  }
0x64: {  	[sflag:s24] =	ssyncset.done $0x0  }
0x65: {  	s10 =	rddreg [dreg:$0xa];
	[sflag:s24] =	ssyncadd.s32 $0xFFFFEB00  }
0x66: {  	[tilespmem:s25], [sflag:$0x3] =	stream.linear.gather [spmem:s10], $0x1500, $0x38;
	[tilespmem:$0x15910] =	vst v63  }
0x67: {  	_ =	swait.ge [sflag:s24], $0x1500  }
0x68: {  	[sflag:s24] =	ssyncset.done $0x0  }
0x69: {  	s12 =	rddreg [dreg:$0x13];
	[sflag:s24] =	ssyncadd.s32 $0xFFFFEB00  }
0x6a: {  	[hbm4b:s12+s3] =	stream.linear.scatter [tilespmem:s25], [sflag:$0x3], $0x1500, $0x38;
	[tilespmem:$0x15910] =	vst v63  }
0x6b: {  	_ =	swait.ge [sflag:s24], $0x1500  }
0x6c: {  	[sflag:s24] =	ssyncset.done $0x0  }
0x6d: {  	[sflag:s24] =	ssyncadd.s32 $0xFFFFEB00  }
0x6e: {  	[tilespmem:s25], [sflag:$0x3] =	stream.linear.gather [spmem:s13], $0x1500, $0x38;
	[tilespmem:$0x15910] =	vst v63  }
0x6f: {  	_ =	swait.ge [sflag:s24], $0x1500  }
0x70: {  	[sflag:s24] =	ssyncset.done $0x0  }
0x71: {  	s8 =	rddreg [dreg:$0x14];
	[sflag:s24] =	ssyncadd.s32 $0xFFFFEB00  }
0x72: {  	[hbm4b:s8+s3] =	stream.linear.scatter [tilespmem:s25], [sflag:$0x3], $0x1500, $0x38;
	[tilespmem:$0x15910] =	vst v63  }
0x73: {  	_ =	swait.ge [sflag:s24], $0x1500  }
0x74: {  	[sflag:s24] =	ssyncset.done $0x0  }
0x75: {  	[sflag:s24] =	ssyncadd.s32 $0xFFFFEB00  }
0x76: {  	[tilespmem:s25], [sflag:$0x3] =	stream.linear.gather [spmem:s14], $0x1500, $0x38;
	[tilespmem:$0x15910] =	vst v63  }
0x77: {  	_ =	swait.ge [sflag:s24], $0x1500  }
0x78: {  	[sflag:s24] =	ssyncset.done $0x0  }
0x79: {  	s9 =	rddreg [dreg:$0x15];
	[sflag:s24] =	ssyncadd.s32 $0xFFFFEB00  }
0x7a: {  	[hbm4b:s9+s3] =	stream.linear.scatter [tilespmem:s25], [sflag:$0x3], $0x1500, $0x38;
	[tilespmem:$0x15910] =	vst v63  }
0x7b: {  	_ =	swait.ge [sflag:s24], $0x1500  }
0x7c: {  	[sflag:s24] =	ssyncset.done $0x0  }
0x7d: {  	[sflag:s24] =	ssyncadd.s32 $0xFFFFEB00  }
0x7e: {  	[tilespmem:s25], [sflag:$0x3] =	stream.linear.gather [spmem:s15], $0x1500, $0x38;
	[tilespmem:$0x15910] =	vst v63  }
0x7f: {  	_ =	swait.ge [sflag:s24], $0x1500  }
0x80: {  	[sflag:s24] =	ssyncset.done $0x0  }
0x81: {  	s10 =	rddreg [dreg:$0x16];
	[sflag:s24] =	ssyncadd.s32 $0xFFFFEB00  }
0x82: {  	[hbm4b:s10+s3] =	stream.linear.scatter [tilespmem:s25], [sflag:$0x3], $0x1500, $0x38;
	[tilespmem:$0x15910] =	vst v63  }
0x83: {  	_ =	swait.ge [sflag:s24], $0x1500  }
0x84: {  	[sflag:s24] =	ssyncset.done $0x0  }
0x85: {  	[sflag:s24] =	ssyncadd.s32 $0xFFFFEB00  }
0x86: {  	[tilespmem:s25], [sflag:$0x3] =	stream.linear.gather [spmem:s16], $0x1500, $0x38;
	[tilespmem:$0x15910] =	vst v63  }
0x87: {  	_ =	swait.ge [sflag:s24], $0x1500  }
0x88: {  	[sflag:s24] =	ssyncset.done $0x0  }
0x89: {  	s12 =	rddreg [dreg:$0x17];
	[sflag:s24] =	ssyncadd.s32 $0xFFFFEB00  }
0x8a: {  	[hbm4b:s12+s3] =	stream.linear.scatter [tilespmem:s25], [sflag:$0x3], $0x1500, $0x38;
	[tilespmem:$0x15910] =	vst v63  }
0x8b: {  	_ =	swait.ge [sflag:s24], $0x1500  }
0x8c: {  	[sflag:s24] =	ssyncset.done $0x0  }
0x8d: {  	[sflag:s24] =	ssyncadd.s32 $0xFFFFEB00  }
0x8e: {  	[tilespmem:s25], [sflag:$0x3] =	stream.linear.gather [spmem:s17], $0x1500, $0x38;
	[tilespmem:$0x15910] =	vst v63  }
0x8f: {  	_ =	swait.ge [sflag:s24], $0x1500  }
0x90: {  	[sflag:s24] =	ssyncset.done $0x0  }
0x91: {  	s8 =	rddreg [dreg:$0x18];
	[sflag:s24] =	ssyncadd.s32 $0xFFFFEB00  }
0x92: {  	[hbm4b:s8+s3] =	stream.linear.scatter [tilespmem:s25], [sflag:$0x3], $0x1500, $0x38;
	[tilespmem:$0x15910] =	vst v63  }
0x93: {  	_ =	swait.ge [sflag:s24], $0x1500  }
0x94: {  	[sflag:s24] =	ssyncset.done $0x0  }
0x95: {  	[sflag:s24] =	ssyncadd.s32 $0xFFFFEB00  }
0x96: {  	[tilespmem:s25], [sflag:$0x3] =	stream.linear.gather [spmem:s18], $0x1500, $0x38;
	[tilespmem:$0x15910] =	vst v63  }
0x97: {  	_ =	swait.ge [sflag:s24], $0x1500  }
0x98: {  	[sflag:s24] =	ssyncset.done $0x0  }
0x99: {  	s9 =	rddreg [dreg:$0x19];
	[sflag:s24] =	ssyncadd.s32 $0xFFFFEB00  }
0x9a: {  	[hbm4b:s9+s3] =	stream.linear.scatter [tilespmem:s25], [sflag:$0x3], $0x1500, $0x38;
	[tilespmem:$0x15910] =	vst v63  }
0x9b: {  	_ =	swait.ge [sflag:s24], $0x1500  }
0x9c: {  	[sflag:s24] =	ssyncset.done $0x0  }
0x9d: {  	[sflag:s24] =	ssyncadd.s32 $0xFFFFEB00  }
0x9e: {  	[tilespmem:s25], [sflag:$0x3] =	stream.linear.gather [spmem:s19], $0x1500, $0x38;
	[tilespmem:$0x15910] =	vst v63  }
0x9f: {  	_ =	swait.ge [sflag:s24], $0x1500  }
0xa0: {  	[sflag:s24] =	ssyncset.done $0x0  }
0xa1: {  	s10 =	rddreg [dreg:$0x1a];
	[sflag:s24] =	ssyncadd.s32 $0xFFFFEB00  }
0xa2: {  	[hbm4b:s10+s3] =	stream.linear.scatter [tilespmem:s25], [sflag:$0x3], $0x1500, $0x38;
	[tilespmem:$0x15910] =	vst v63  }
0xa3: {  	_ =	swait.ge [sflag:s24], $0x1500  }
0xa4: {  	s6 =	sadd.s32 $0x1, s6;
	s12 =	rddreg [dreg:$0xf]  }
0xa5: {  	p0 =	sne.s32 s6, s12  }
.Ltmp1:
0xa6: {  	_ = 	snop;
	(pc) =	sbr.rel @!p0 .LBB2_9-.Ltmp1, $3  }
0xa7: {  	_ =	sdelay $0x1  }
0xa8: {  	[sflag:s24] =	ssyncset.done $0x0  }
0xa9: {  	[sflag:s24] =	ssyncadd.s32 $0xFFFFEB00  }
.LBB2_1:
0xaa: {  	s7 =	rddreg [dreg:$0x4];
	s8 =	simm.s32 $0x13E00  }
0xab: {  	[tilespmem:s8], [sflag:$0x3] =	stream.linear.gather [hbm4b:s7+s3], $0x10, $0x38;
	[tilespmem:$0x15910] =	vst v63  }
0xac: {  	_ =	swait.ge [sflag:s24], $0x10  }
0xad: {  	[sflag:s24] =	ssyncset.done $0x0  }
0xae: {  	[sflag:s24] =	ssyncadd.s32 $0xFFFFFFF0  }
0xaf: {  	s7 =	simm.s32 $0xC0;
	s8 =	simm.s32 $0x0;
	v3 =	vld [tilespmem:$0x13E00]  }
.LBB2_2:
0xb0: {  	p0 =	sne.s32 s7, $0x5340;
	[tilespmem:s8+$0x14430] =	vst v1;
	s9 =	smov.u32 s7;
	s7 =	sadd.s32 $0xC0, s7  }
.Ltmp2:
0xb1: {  	[tilespmem:s8+$0x14410] =	vst v1;
	(pc) =	sbr.rel @p0 .LBB2_2-.Ltmp2, $2  }
0xb2: {  	[tilespmem:s8+$0x14420] =	vst v1;
	_ =	sdelay $0x2  }
0xb3: {  	s8 =	sshra.s32 s9, $0x2  }
0xb4: {  	[tilespmem:s8+$0x14430] =	vst v1  }
0xb5: {  	[tilespmem:s8+$0x14410] =	vst v1  }
0xb6: {  	[tilespmem:s8+$0x14420] =	vst v1  }
0xb7: {  	[spmem:s11] =	stream.linear.scatter [tilespmem:s25], [sflag:$0x3], $0x1500, $0x38;
	[tilespmem:$0x15910] =	vst v63  }
0xb8: {  	_ =	swait.ge [sflag:s24], $0x1500  }
0xb9: {  	[sflag:s24] =	ssyncset.done $0x0  }
0xba: {  	s7 =	rddreg [dreg:$0x5];
	[sflag:s24] =	ssyncadd.s32 $0xFFFFEB00  }
0xbb: {  	[spmem:s7] =	stream.linear.scatter [tilespmem:s25], [sflag:$0x3], $0x1500, $0x38;
	[tilespmem:$0x15910] =	vst v63  }
0xbc: {  	_ =	swait.ge [sflag:s24], $0x1500  }
0xbd: {  	[sflag:s24] =	ssyncset.done $0x0  }
0xbe: {  	s12 =	smov.u32 s11;
	s11 =	rddreg [dreg:$0x6];
	[sflag:s24] =	ssyncadd.s32 $0xFFFFEB00  }
0xbf: {  	[spmem:s11] =	stream.linear.scatter [tilespmem:s25], [sflag:$0x3], $0x1500, $0x38;
	[tilespmem:$0x15910] =	vst v63  }
0xc0: {  	_ =	swait.ge [sflag:s24], $0x1500  }
0xc1: {  	[sflag:s24] =	ssyncset.done $0x0  }
0xc2: {  	s8 =	rddreg [dreg:$0x7];
	[sflag:s24] =	ssyncadd.s32 $0xFFFFEB00  }
0xc3: {  	[spmem:s8] =	stream.linear.scatter [tilespmem:s25], [sflag:$0x3], $0x1500, $0x38;
	[tilespmem:$0x15910] =	vst v63  }
0xc4: {  	_ =	swait.ge [sflag:s24], $0x1500  }
0xc5: {  	[sflag:s24] =	ssyncset.done $0x0  }
0xc6: {  	s9 =	rddreg [dreg:$0x8];
	[sflag:s24] =	ssyncadd.s32 $0xFFFFEB00  }
0xc7: {  	[spmem:s9] =	stream.linear.scatter [tilespmem:s25], [sflag:$0x3], $0x1500, $0x38;
	[tilespmem:$0x15910] =	vst v63  }
0xc8: {  	_ =	swait.ge [sflag:s24], $0x1500  }
0xc9: {  	[sflag:s24] =	ssyncset.done $0x0  }
0xca: {  	s10 =	rddreg [dreg:$0x9];
	[sflag:s24] =	ssyncadd.s32 $0xFFFFEB00  }
0xcb: {  	[spmem:s10] =	stream.linear.scatter [tilespmem:s25], [sflag:$0x3], $0x1500, $0x38;
	[tilespmem:$0x15910] =	vst v63  }
0xcc: {  	_ =	swait.ge [sflag:s24], $0x1500  }
0xcd: {  	[sflag:s24] =	ssyncset.done $0x0  }
0xce: {  	s11 =	rddreg [dreg:$0xa];
	[sflag:s24] =	ssyncadd.s32 $0xFFFFEB00  }
0xcf: {  	[spmem:s11] =	stream.linear.scatter [tilespmem:s25], [sflag:$0x3], $0x1500, $0x38;
	[tilespmem:$0x15910] =	vst v63  }
0xd0: {  	_ =	swait.ge [sflag:s24], $0x1500  }
0xd1: {  	[sflag:s24] =	ssyncset.done $0x0  }
0xd2: {  	[sflag:s24] =	ssyncadd.s32 $0xFFFFEB00  }
0xd3: {  	[spmem:s13] =	stream.linear.scatter [tilespmem:s25], [sflag:$0x3], $0x1500, $0x38;
	[tilespmem:$0x15910] =	vst v63  }
0xd4: {  	_ =	swait.ge [sflag:s24], $0x1500  }
0xd5: {  	[sflag:s24] =	ssyncset.done $0x0  }
0xd6: {  	[sflag:s24] =	ssyncadd.s32 $0xFFFFEB00  }
0xd7: {  	[spmem:s14] =	stream.linear.scatter [tilespmem:s25], [sflag:$0x3], $0x1500, $0x38;
	[tilespmem:$0x15910] =	vst v63  }
0xd8: {  	_ =	swait.ge [sflag:s24], $0x1500  }
0xd9: {  	[sflag:s24] =	ssyncset.done $0x0  }
0xda: {  	[sflag:s24] =	ssyncadd.s32 $0xFFFFEB00  }
0xdb: {  	[spmem:s15] =	stream.linear.scatter [tilespmem:s25], [sflag:$0x3], $0x1500, $0x38;
	[tilespmem:$0x15910] =	vst v63  }
0xdc: {  	_ =	swait.ge [sflag:s24], $0x1500  }
0xdd: {  	[sflag:s24] =	ssyncset.done $0x0  }
0xde: {  	[sflag:s24] =	ssyncadd.s32 $0xFFFFEB00  }
0xdf: {  	[spmem:s16] =	stream.linear.scatter [tilespmem:s25], [sflag:$0x3], $0x1500, $0x38;
	[tilespmem:$0x15910] =	vst v63  }
0xe0: {  	_ =	swait.ge [sflag:s24], $0x1500  }
0xe1: {  	[sflag:s24] =	ssyncset.done $0x0  }
0xe2: {  	[sflag:s24] =	ssyncadd.s32 $0xFFFFEB00  }
0xe3: {  	[spmem:s17] =	stream.linear.scatter [tilespmem:s25], [sflag:$0x3], $0x1500, $0x38;
	[tilespmem:$0x15910] =	vst v63  }
0xe4: {  	_ =	swait.ge [sflag:s24], $0x1500  }
0xe5: {  	[sflag:s24] =	ssyncset.done $0x0  }
0xe6: {  	[sflag:s24] =	ssyncadd.s32 $0xFFFFEB00  }
0xe7: {  	[spmem:s18] =	stream.linear.scatter [tilespmem:s25], [sflag:$0x3], $0x1500, $0x38;
	[tilespmem:$0x15910] =	vst v63  }
0xe8: {  	_ =	swait.ge [sflag:s24], $0x1500  }
0xe9: {  	[sflag:s24] =	ssyncset.done $0x0  }
0xea: {  	[sflag:s24] =	ssyncadd.s32 $0xFFFFEB00  }
0xeb: {  	[spmem:s19] =	stream.linear.scatter [tilespmem:s25], [sflag:$0x3], $0x1500, $0x38;
	[tilespmem:$0x15910] =	vst v63  }
0xec: {  	_ =	swait.ge [sflag:s24], $0x1500  }
0xed: {  	[sflag:s24] =	ssyncset.done $0x0  }
0xee: {  	s7 =	simm.s32 $0xC0;
	s8 =	simm.s32 $0x0;
	[sflag:s24] =	ssyncadd.s32 $0xFFFFEB00  }
.LBB2_4:
0xef: {  	p0 =	sne.s32 s7, $0x5F40;
	[tilespmem:s8+$0x12620] =	vst v2;
	s9 =	smov.u32 s7;
	s7 =	sadd.s32 $0xC0, s7  }
.Ltmp3:
0xf0: {  	[tilespmem:s8+$0x12600] =	vst v2;
	(pc) =	sbr.rel @p0 .LBB2_4-.Ltmp3, $2  }
0xf1: {  	[tilespmem:s8+$0x12610] =	vst v2;
	_ =	sdelay $0x2  }
0xf2: {  	s8 =	sshra.s32 s9, $0x2  }
0xf3: {  	v3 =	vxor.u32 $0x80000000, v3  }
0xf4: {  	(xrf0) =	vmax.scan.msk.u32 $0xffff, v3;
	_ =	sdelay $0x5  }
0xf5: {  	v3, _, _ =	vpop (xrf0)  }
0xf6: {  	(v2sf) =	vpush v3, $0xF;
	_ =	sdelay $0xe  }
0xf7: {  	s9 =	stileid.u32;
	s7 =	spop (v2sf)  }
0xf8: {  	s9 =	smul.u32 s9, s7;
	_ =	sdelay $0x1  }
0xf9: {  	s9 =	smul.u32 $0x300, s9  }
0xfa: {  	[tilespmem:s8+$0x12620] =	vst v2;
	s10 =	rddreg [dreg:$0xc]  }
0xfb: {  	[tilespmem:s8+$0x12600] =	vst v2;
	s9 =	sadd.s32 s10, s9  }
0xfc: {  	[tilespmem:s8+$0x12610] =	vst v2;
	s10 =	sshrl.u32 s9, $0x3  }
0xfd: {  	[bflag:$0x0] =	sbarrier.arrive $0xFFFF;
	s8 =	sadd.s32 s4, s10  }
0xfe: {  	[tilespmem:s26], [sflag:$0x3] =	stream.linear.gather [hbm4b:s8+s3], $0x180, $0x38;
	[tilespmem:$0x15910] =	vst v63  }
0xff: {  	_ =	swait.ge [sflag:s24], $0x180  }
0x100: {  	[sflag:s24] =	ssyncset.done $0x0  }
0x101: {  	[sflag:s24] =	ssyncadd.s32 $0xFFFFFE80  }
0x102: {  	v3 =	vld [tilespmem:$0x13E10]  }
0x103: {  	v4 =	vld [tilespmem:$0x13E20]  }
0x104: {  	v5 =	vld [tilespmem:$0x13E30]  }
0x105: {  	v6 =	vld [tilespmem:$0x13E40]  }
0x106: {  	v7 =	vld [tilespmem:$0x13E50]  }
0x107: {  	v8 =	vld [tilespmem:$0x13E60];
	v3 =	vshrl.u32 v3, $0x10  }
0x108: {  	v9 =	vld [tilespmem:$0x13E70];
	v4 =	vshrl.u32 v4, $0x10;
	v3 =	vsub.s32 v3, v0  }
0x109: {  	v26 =	vld [tilespmem:$0x13E80];
	v25 =	vshrl.u32 v5, $0x10;
	[tilespmem:$0x13F90] =	vst v3;
	v3 =	vsub.s32 v4, v0  }
0x10a: {  	v28 =	vld [tilespmem:$0x13E90];
	v27 =	vshrl.u32 v6, $0x10;
	[tilespmem:$0x13FA0] =	vst v3;
	v3 =	vsub.s32 v25, v0  }
0x10b: {  	v30 =	vld [tilespmem:$0x13EA0];
	v29 =	vshrl.u32 v7, $0x10;
	[tilespmem:$0x13FB0] =	vst v3;
	v3 =	vsub.s32 v27, v0  }
0x10c: {  	v32 =	vld [tilespmem:$0x13EB0];
	v31 =	vshrl.u32 v8, $0x10;
	[tilespmem:$0x13FC0] =	vst v3;
	v3 =	vsub.s32 v29, v0  }
0x10d: {  	v34 =	vld [tilespmem:$0x13EC0];
	v33 =	vshrl.u32 v9, $0x10;
	[tilespmem:$0x13FD0] =	vst v3;
	v3 =	vsub.s32 v31, v0  }
0x10e: {  	v36 =	vld [tilespmem:$0x13ED0];
	v35 =	vshrl.u32 v26, $0x10;
	[tilespmem:$0x13FE0] =	vst v3;
	v3 =	vsub.s32 v33, v0  }
0x10f: {  	v38 =	vld [tilespmem:$0x13EE0];
	v37 =	vshrl.u32 v28, $0x10;
	[tilespmem:$0x13FF0] =	vst v3;
	v3 =	vsub.s32 v35, v0  }
0x110: {  	v40 =	vld [tilespmem:$0x13EF0];
	v39 =	vshrl.u32 v30, $0x10;
	[tilespmem:$0x14000] =	vst v3;
	v3 =	vsub.s32 v37, v0  }
0x111: {  	v42 =	vld [tilespmem:$0x13F00];
	v41 =	vshrl.u32 v32, $0x10;
	[tilespmem:$0x14010] =	vst v3;
	v3 =	vsub.s32 v39, v0  }
0x112: {  	v44 =	vld [tilespmem:$0x13F10];
	v43 =	vshrl.u32 v34, $0x10;
	[tilespmem:$0x14020] =	vst v3;
	v3 =	vsub.s32 v41, v0  }
0x113: {  	v46 =	vld [tilespmem:$0x13F20];
	v45 =	vshrl.u32 v36, $0x10;
	[tilespmem:$0x14030] =	vst v3;
	v3 =	vsub.s32 v43, v0  }
0x114: {  	v48 =	vld [tilespmem:$0x13F30];
	v47 =	vshrl.u32 v38, $0x10;
	[tilespmem:$0x14040] =	vst v3;
	v3 =	vsub.s32 v45, v0  }
0x115: {  	v50 =	vld [tilespmem:$0x13F40];
	v49 =	vshrl.u32 v40, $0x10;
	[tilespmem:$0x14050] =	vst v3;
	v3 =	vsub.s32 v47, v0  }
0x116: {  	v52 =	vld [tilespmem:$0x13F50];
	v51 =	vshrl.u32 v42, $0x10;
	[tilespmem:$0x14060] =	vst v3;
	v3 =	vsub.s32 v49, v0  }
0x117: {  	v54 =	vld [tilespmem:$0x13F60];
	v53 =	vshrl.u32 v44, $0x10;
	[tilespmem:$0x14070] =	vst v3;
	v3 =	vsub.s32 v51, v0  }
0x118: {  	v56 =	vld [tilespmem:$0x13F70];
	v55 =	vshrl.u32 v46, $0x10;
	[tilespmem:$0x14080] =	vst v3;
	v3 =	vsub.s32 v53, v0  }
0x119: {  	v58 =	vld [tilespmem:$0x13F80];
	v57 =	vshrl.u32 v48, $0x10;
	[tilespmem:$0x14090] =	vst v3;
	v3 =	vsub.s32 v55, v0  }
0x11a: {  	s11 =	sxor.u32 $0x80000000, s7;
	v59 =	vshrl.u32 v50, $0x10;
	[tilespmem:$0x140A0] =	vst v3;
	v3 =	vsub.s32 v57, v0  }
0x11b: {  	p0 =	slt.s32 s11, $0x1;
	v60 =	vshrl.u32 v52, $0x10;
	[tilespmem:$0x140B0] =	vst v3;
	v3 =	vsub.s32 v59, v0  }
.Ltmp4:
0x11c: {  	v61 =	vshrl.u32 v54, $0x10;
	[tilespmem:$0x140C0] =	vst v3;
	v3 =	vsub.s32 v60, v0;
	(pc) =	sbr.rel @p0 .LBB2_8-.Ltmp4, $4  }
0x11d: {  	v62 =	vshrl.u32 v56, $0x10;
	[tilespmem:$0x140D0] =	vst v3;
	v3 =	vsub.s32 v61, v0  }
0x11e: {  	v63 =	vshrl.u32 v58, $0x10;
	[tilespmem:$0x140E0] =	vst v3;
	v3 =	vsub.s32 v62, v0  }
0x11f: {  	[tilespmem:$0x140F0] =	vst v3;
	v3 =	vsub.s32 v63, v0  }
0x120: {  	[tilespmem:$0x14100] =	vst v3  }
0x121: {  	s8 =	rddreg [dreg:$0x1c]  }
0x122: {  	s8 =	smul.u32 s7, s8  }
0x123: {  	s9 =	rddreg [dreg:$0x1b]  }
0x124: {  	s7 =	ssub.s32 $0x80000000, s7;
	s8 =	sadd.s32 s8, s9;
	s9 =	simm.s32 $0x0  }
.LBB2_7:
0x125: {  	p0 =	seq.s32 s9, $0x0  }
0x126: {  	s10 =	simm.s32 @!p0 $0x2  }
0x127: {  	_ =	swait.ge @!p0 [sflag:s10], $0x1800  }
0x128: {  	[sflag:s10] =	ssyncset.done @!p0 $0x0  }
0x129: {  	[sflag:s10] =	ssyncadd.s32 @!p0 $0xFFFFE800  }
0x12a: {  	_ =	swait.ge @!p0 [sflag:s10], $0x1800  }
0x12b: {  	[sflag:s10] =	ssyncset.done @!p0 $0x0  }
0x12c: {  	[sflag:s10] =	ssyncadd.s32 @!p0 $0xFFFFE800  }
0x12d: {  	s11 =	sadd.s32 $0xFFFFFE80, s8;
	_ =	swait.ge @!p0 [sflag:s10], $0x1800  }
0x12e: {  	s11 =	sshrl.u32 s11, $0x3;
	[sflag:s10] =	ssyncset.done @!p0 $0x0  }
0x12f: {  	s11 =	sadd.s32 s4, s11;
	[sflag:s10] =	ssyncadd.s32 @!p0 $0xFFFFE800  }
0x130: {  	[tilespmem:s28], [sflag:$0x3] =	stream.linear.gather [hbm4b:s11+s3], $0x180, $0x38;
	[tilespmem:$0x15910] =	vst v63  }
0x131: {  	_ =	swait.ge [sflag:s24], $0x180  }
0x132: {  	[sflag:s24] =	ssyncset.done $0x0  }
0x133: {  	[sflag:s24] =	ssyncadd.s32 $0xFFFFFE80  }
0x134: {  	v3 =	vld [tilespmem:$0x14110]  }
0x135: {  	v4 =	vld [tilespmem:$0x14120]  }
0x136: {  	v5 =	vld [tilespmem:$0x14130]  }
0x137: {  	v6 =	vld [tilespmem:$0x14140]  }
0x138: {  	v7 =	vld [tilespmem:$0x14150]  }
0x139: {  	v8 =	vld [tilespmem:$0x14160];
	v3 =	vshrl.u32 v3, $0x10  }
0x13a: {  	v9 =	vld [tilespmem:$0x14170];
	v4 =	vshrl.u32 v4, $0x10;
	v3 =	vsub.s32 v3, v0  }
0x13b: {  	v35 =	vld [tilespmem:$0x14180];
	v34 =	vshrl.u32 v5, $0x10;
	[tilespmem:$0x14290] =	vst v3;
	v3 =	vsub.s32 v4, v0  }
0x13c: {  	v37 =	vld [tilespmem:$0x14190];
	v36 =	vshrl.u32 v6, $0x10;
	[tilespmem:$0x142A0] =	vst v3;
	v3 =	vsub.s32 v34, v0  }
0x13d: {  	v39 =	vld [tilespmem:$0x141A0];
	v38 =	vshrl.u32 v7, $0x10;
	[tilespmem:$0x142B0] =	vst v3;
	v3 =	vsub.s32 v36, v0  }
0x13e: {  	v41 =	vld [tilespmem:$0x141B0];
	v40 =	vshrl.u32 v8, $0x10;
	[tilespmem:$0x142C0] =	vst v3;
	v3 =	vsub.s32 v38, v0  }
0x13f: {  	v43 =	vld [tilespmem:$0x141C0];
	v42 =	vshrl.u32 v9, $0x10;
	[tilespmem:$0x142D0] =	vst v3;
	v3 =	vsub.s32 v40, v0  }
0x140: {  	v45 =	vld [tilespmem:$0x141D0];
	v44 =	vshrl.u32 v35, $0x10;
	[tilespmem:$0x142E0] =	vst v3;
	v3 =	vsub.s32 v42, v0  }
0x141: {  	v47 =	vld [tilespmem:$0x141E0];
	v46 =	vshrl.u32 v37, $0x10;
	[tilespmem:$0x142F0] =	vst v3;
	v3 =	vsub.s32 v44, v0  }
0x142: {  	v49 =	vld [tilespmem:$0x141F0];
	v48 =	vshrl.u32 v39, $0x10;
	[tilespmem:$0x14300] =	vst v3;
	v3 =	vsub.s32 v46, v0  }
0x143: {  	v51 =	vld [tilespmem:$0x14200];
	v50 =	vshrl.u32 v41, $0x10;
	[tilespmem:$0x14310] =	vst v3;
	v3 =	vsub.s32 v48, v0  }
0x144: {  	v53 =	vld [tilespmem:$0x14210];
	v52 =	vshrl.u32 v43, $0x10;
	[tilespmem:$0x14320] =	vst v3;
	v3 =	vsub.s32 v50, v0  }
0x145: {  	v55 =	vld [tilespmem:$0x14220];
	v54 =	vshrl.u32 v45, $0x10;
	[tilespmem:$0x14330] =	vst v3;
	v3 =	vsub.s32 v52, v0  }
0x146: {  	v57 =	vld [tilespmem:$0x14230];
	v56 =	vshrl.u32 v47, $0x10;
	[tilespmem:$0x14340] =	vst v3;
	v3 =	vsub.s32 v54, v0  }
0x147: {  	v59 =	vld [tilespmem:$0x14240];
	v58 =	vshrl.u32 v49, $0x10;
	[tilespmem:$0x14350] =	vst v3;
	v3 =	vsub.s32 v56, v0  }
0x148: {  	v61 =	vld [tilespmem:$0x14250];
	v60 =	vshrl.u32 v51, $0x10;
	[tilespmem:$0x14360] =	vst v3;
	v3 =	vsub.s32 v58, v0  }
0x149: {  	v63 =	vld [tilespmem:$0x14260];
	v62 =	vshrl.u32 v53, $0x10;
	[tilespmem:$0x14370] =	vst v3;
	v3 =	vsub.s32 v60, v0  }
0x14a: {  	v11 =	vld [tilespmem:$0x14270];
	v10 =	vshrl.u32 v55, $0x10;
	[tilespmem:$0x14380] =	vst v3;
	v3 =	vsub.s32 v62, v0  }
0x14b: {  	v13 =	vld [tilespmem:$0x14280];
	v12 =	vshrl.u32 v57, $0x10;
	[tilespmem:$0x14390] =	vst v3;
	v3 =	vsub.s32 v10, v0  }
0x14c: {  	v14 =	vshrl.u32 v59, $0x10;
	[tilespmem:$0x143A0] =	vst v3;
	v3 =	vsub.s32 v12, v0  }
0x14d: {  	v15 =	vshrl.u32 v61, $0x10;
	[tilespmem:$0x143B0] =	vst v3;
	v3 =	vsub.s32 v14, v0  }
0x14e: {  	v16 =	vshrl.u32 v63, $0x10;
	[tilespmem:$0x143C0] =	vst v3;
	v3 =	vsub.s32 v15, v0  }
0x14f: {  	v17 =	vshrl.u32 v11, $0x10;
	[tilespmem:$0x143D0] =	vst v3;
	v3 =	vsub.s32 v16, v0  }
0x150: {  	v18 =	vshrl.u32 v13, $0x10;
	[tilespmem:$0x143E0] =	vst v3;
	v3 =	vsub.s32 v17, v0  }
0x151: {  	[tilespmem:$0x143F0] =	vst v3;
	v3 =	vsub.s32 v18, v0  }
0x152: {  	[tilespmem:$0x14400] =	vst v3  }
0x153: {  	[spmem:s1] =	stream.indirect.scatter.add.f32 [tilespmem:s31], [sflag:$0x1], $0x30, s30, s29, $0xb8;
	[tilespmem:$0x15910] =	vst v63  }
0x154: {  	_ = 	snop  }
0x155: {  	[spmem:s1] =	stream.indirect.scatter.add.f32 [tilespmem:s31], [sflag:$0x1], $0x30, s0, s29, $0xb8;
	[tilespmem:$0x15910] =	vst v63  }
0x156: {  	_ = 	snop  }
0x157: {  	[spmem:s1] =	stream.indirect.scatter.add.f32 [tilespmem:s31], [sflag:$0x1], $0x30, s2, s29, $0xb8;
	[tilespmem:$0x15910] =	vst v63  }
0x158: {  	_ =	swait.ge [sflag:s5], $0x1800  }
0x159: {  	[sflag:s5] =	ssyncset.done $0x0  }
0x15a: {  	[sflag:s5] =	ssyncadd.s32 $0xFFFFE800  }
0x15b: {  	_ =	swait.ge [sflag:s5], $0x1800  }
0x15c: {  	[sflag:s5] =	ssyncset.done $0x0  }
0x15d: {  	[sflag:s5] =	ssyncadd.s32 $0xFFFFE800  }
0x15e: {  	_ =	swait.ge [sflag:s5], $0x1800  }
0x15f: {  	s11 =	sshrl.u32 s8, $0x3;
	[sflag:s5] =	ssyncset.done $0x0  }
0x160: {  	s10 =	sadd.s32 s4, s11;
	[sflag:s5] =	ssyncadd.s32 $0xFFFFE800  }
0x161: {  	[tilespmem:s26], [sflag:$0x3] =	stream.linear.gather [hbm4b:s10+s3], $0x180, $0x38;
	[tilespmem:$0x15910] =	vst v63  }
0x162: {  	_ =	swait.ge [sflag:s24], $0x180  }
0x163: {  	[sflag:s24] =	ssyncset.done $0x0  }
0x164: {  	[sflag:s24] =	ssyncadd.s32 $0xFFFFFE80  }
0x165: {  	v3 =	vld [tilespmem:$0x13E10]  }
0x166: {  	v19 =	vld [tilespmem:$0x13E20]  }
0x167: {  	v20 =	vld [tilespmem:$0x13E30]  }
0x168: {  	v21 =	vld [tilespmem:$0x13E40]  }
0x169: {  	v22 =	vld [tilespmem:$0x13E50]  }
0x16a: {  	v23 =	vld [tilespmem:$0x13E60];
	v3 =	vshrl.u32 v3, $0x10  }
0x16b: {  	v24 =	vld [tilespmem:$0x13E70];
	v4 =	vshrl.u32 v19, $0x10;
	v3 =	vsub.s32 v3, v0  }
0x16c: {  	v26 =	vld [tilespmem:$0x13E80];
	v25 =	vshrl.u32 v20, $0x10;
	[tilespmem:$0x13F90] =	vst v3;
	v3 =	vsub.s32 v4, v0  }
0x16d: {  	v28 =	vld [tilespmem:$0x13E90];
	v27 =	vshrl.u32 v21, $0x10;
	[tilespmem:$0x13FA0] =	vst v3;
	v3 =	vsub.s32 v25, v0  }
0x16e: {  	v30 =	vld [tilespmem:$0x13EA0];
	v29 =	vshrl.u32 v22, $0x10;
	[tilespmem:$0x13FB0] =	vst v3;
	v3 =	vsub.s32 v27, v0  }
0x16f: {  	v32 =	vld [tilespmem:$0x13EB0];
	v31 =	vshrl.u32 v23, $0x10;
	[tilespmem:$0x13FC0] =	vst v3;
	v3 =	vsub.s32 v29, v0  }
0x170: {  	v34 =	vld [tilespmem:$0x13EC0];
	v33 =	vshrl.u32 v24, $0x10;
	[tilespmem:$0x13FD0] =	vst v3;
	v3 =	vsub.s32 v31, v0  }
0x171: {  	v36 =	vld [tilespmem:$0x13ED0];
	v35 =	vshrl.u32 v26, $0x10;
	[tilespmem:$0x13FE0] =	vst v3;
	v3 =	vsub.s32 v33, v0  }
0x172: {  	v38 =	vld [tilespmem:$0x13EE0];
	v37 =	vshrl.u32 v28, $0x10;
	[tilespmem:$0x13FF0] =	vst v3;
	v3 =	vsub.s32 v35, v0  }
0x173: {  	v40 =	vld [tilespmem:$0x13EF0];
	v39 =	vshrl.u32 v30, $0x10;
	[tilespmem:$0x14000] =	vst v3;
	v3 =	vsub.s32 v37, v0  }
0x174: {  	v42 =	vld [tilespmem:$0x13F00];
	v41 =	vshrl.u32 v32, $0x10;
	[tilespmem:$0x14010] =	vst v3;
	v3 =	vsub.s32 v39, v0  }
0x175: {  	v44 =	vld [tilespmem:$0x13F10];
	v43 =	vshrl.u32 v34, $0x10;
	[tilespmem:$0x14020] =	vst v3;
	v3 =	vsub.s32 v41, v0  }
0x176: {  	v46 =	vld [tilespmem:$0x13F20];
	v45 =	vshrl.u32 v36, $0x10;
	[tilespmem:$0x14030] =	vst v3;
	v3 =	vsub.s32 v43, v0  }
0x177: {  	v48 =	vld [tilespmem:$0x13F30];
	v47 =	vshrl.u32 v38, $0x10;
	[tilespmem:$0x14040] =	vst v3;
	v3 =	vsub.s32 v45, v0  }
0x178: {  	v50 =	vld [tilespmem:$0x13F40];
	v49 =	vshrl.u32 v40, $0x10;
	[tilespmem:$0x14050] =	vst v3;
	v3 =	vsub.s32 v47, v0  }
0x179: {  	v52 =	vld [tilespmem:$0x13F50];
	v51 =	vshrl.u32 v42, $0x10;
	[tilespmem:$0x14060] =	vst v3;
	v3 =	vsub.s32 v49, v0  }
0x17a: {  	v54 =	vld [tilespmem:$0x13F60];
	v53 =	vshrl.u32 v44, $0x10;
	[tilespmem:$0x14070] =	vst v3;
	v3 =	vsub.s32 v51, v0  }
0x17b: {  	v56 =	vld [tilespmem:$0x13F70];
	v55 =	vshrl.u32 v46, $0x10;
	[tilespmem:$0x14080] =	vst v3;
	v3 =	vsub.s32 v53, v0  }
0x17c: {  	v58 =	vld [tilespmem:$0x13F80];
	v57 =	vshrl.u32 v48, $0x10;
	[tilespmem:$0x14090] =	vst v3;
	v3 =	vsub.s32 v55, v0  }
0x17d: {  	v59 =	vshrl.u32 v50, $0x10;
	[tilespmem:$0x140A0] =	vst v3;
	v3 =	vsub.s32 v57, v0  }
0x17e: {  	v60 =	vshrl.u32 v52, $0x10;
	[tilespmem:$0x140B0] =	vst v3;
	v3 =	vsub.s32 v59, v0  }
0x17f: {  	v61 =	vshrl.u32 v54, $0x10;
	[tilespmem:$0x140C0] =	vst v3;
	v3 =	vsub.s32 v60, v0  }
0x180: {  	v62 =	vshrl.u32 v56, $0x10;
	[tilespmem:$0x140D0] =	vst v3;
	v3 =	vsub.s32 v61, v0  }
0x181: {  	v63 =	vshrl.u32 v58, $0x10;
	[tilespmem:$0x140E0] =	vst v3;
	v3 =	vsub.s32 v62, v0  }
0x182: {  	s9 =	sadd.s32 $0xFFFFFFFF, s9;
	[tilespmem:$0x140F0] =	vst v3;
	v3 =	vsub.s32 v63, v0  }
0x183: {  	p0 =	sne.s32 s7, s9;
	[tilespmem:$0x14100] =	vst v3  }
0x184: {  	[spmem:s1] =	stream.indirect.scatter.add.f32 [tilespmem:s31], [sflag:$0x2], $0x30, s22, s29, $0xb8;
	[tilespmem:$0x15910] =	vst v63  }
.Ltmp5:
0x185: {  	_ = 	snop;
	(pc) =	sbr.rel @p0 .LBB2_7-.Ltmp5, $4  }
0x186: {  	_ = 	snop  }
0x187: {  	[spmem:s1] =	stream.indirect.scatter.add.f32 [tilespmem:s31], [sflag:$0x2], $0x30, s23, s29, $0xb8;
	[tilespmem:$0x15910] =	vst v63  }
0x188: {  	s8 =	sadd.s32 $0x300, s8  }
0x189: {  	[spmem:s1] =	stream.indirect.scatter.add.f32 [tilespmem:s31], [sflag:$0x2], $0x30, s21, s29, $0xb8;
	[tilespmem:$0x15910] =	vst v63  }
.Ltmp6:
0x18a: {  	_ = 	snop;
	(pc) =	sbr.rel .LBB2_8-.Ltmp6, $1  }
0x18b: {  	_ =	sdelay $0x3  }
.LBB2_9:
0x18c: {  	_ =	sfence.sel $0x180000  }
0x18d: {  	[bflag:$0x0] =	sbarrier.arrive $0xFFFF  }
0x18e: {  	_ =	strace $0x90000047  }
0x18f: {  	s0 =	stileid.u32;
	[bflag:$0x2] =	sbarrier.arrive $0xFFFF  }
0x190: {  	p0 =	sne.s32 s0, $0x0;
	s0 =	rddreg [dreg:$0x3]  }
0x191: {  	s0 =	sadd.s32 @!p0 $0x100000, s0  }
0x192: {  	[sflag:s0] =	ssyncadd.tile.s32 @!p0 $0x1;
	_ =	shalt  }
.Lfunc_end2:
_tile_overlayer_lowered:
.L_overlay_start_2:
0x193: {  	(tag) =	ssettag $0x2  }
0x194: {  	s0 =	rddreg [dreg:$0x0];
	s2 =	stileid.u32  }
0x195: {  	s1 =	rddreg [dreg:$0x1];
	p0 =	sne.s32 s2, $0x0  }
0x196: {  	s3 =	rddreg [dreg:$0x2];
	[bflag:$0x3] =	sbarrier.arrive $0xFFFF;
	s2 =	simm.s32 @!p0 $0x1C03  }
0x197: {  	[timem:s3], [sflag:s2] =	dma.local @!p0 [hbm:s0], s1  }
0x198: {  	s0 =	simm.s32 @!p0 $0x3  }
0x199: {  	_ =	swait.ge @!p0 [sflag:s0], s1  }
0x19a: {  	s1 =	ssub.s32 @!p0 $0x0, s1;
	[sflag:s0] =	ssyncset.done @!p0 $0x0  }
0x19b: {  	[sflag:s0] =	ssyncadd.s32 @!p0 s1  }
0x19c: {  	[bflag:$0x3] =	sbarrier.arrive $0xFFFF  }
0x19d: {  	_ =	shalt  }

</sc_bundles>
